<compile_context>
chip_gen: v7x
topology: tpu7x:2x2x1
jax: 0.10.2.dev20260603
libtpu: 0.0.44.dev20260713+nightly
codegen_flags: <defaults>
</compile_context>

<pallas_src>
import functools

import jax
import jax.numpy as jnp
from jax import lax
from jax.experimental import pallas as pl
from jax.experimental.pallas import tpu as pltpu
from jax.experimental.pallas import tpu_sc as plsc

NC = 2
NS = 16
LANES = 16
CHUNK = 128
SC_ROWS = 4096
BLK = 2048


def _make_sc_segment_sum(d, b, sc_rows):
    nw = NC * NS
    rows_per_w = sc_rows // nw
    m = rows_per_w // CHUNK
    mesh = plsc.VectorSubcoreMesh(
        core_axis_name="c", subcore_axis_name="s",
        num_cores=NC, num_subcores=NS)

    @functools.partial(
        pl.kernel,
        out_type=(
            jax.ShapeDtypeStruct((NC, 2, b, d), jnp.float32),
            jax.ShapeDtypeStruct((NC, 2, b, LANES), jnp.float32),
        ),
        mesh=mesh,
        scratch_types=[
            pltpu.VMEM((2, CHUNK, d), jnp.float32),
            pltpu.VMEM((2, CHUNK), jnp.int32),
            pltpu.VMEM((CHUNK, LANES), jnp.float32),
            pltpu.VMEM((b, d), jnp.float32),
            pltpu.VMEM((b, LANES), jnp.float32),
            pltpu.VMEM_SHARED((b, d), jnp.float32),
            pltpu.VMEM_SHARED((b, d), jnp.float32),
            pltpu.VMEM_SHARED((b, LANES), jnp.float32),
            pltpu.VMEM_SHARED((b, LANES), jnp.float32),
            pltpu.SemaphoreType.DMA,
            pltpu.SemaphoreType.DMA,
            pltpu.SemaphoreType.DMA,
            pltpu.SemaphoreType.DMA,
        ],
    )
    def sc_kernel(ref_hbm, alt_hbm, rid_hbm, aid_hbm, out_sums, out_cnts,
                  rows_v, idx_v, ones_v, zeros_v, zc_v,
                  acc_r, acc_a, cnt_r, cnt_a,
                  sem_r0, sem_r1, sem_i0, sem_i1):
        cid = lax.axis_index("c")
        sid = lax.axis_index("s")
        wid = cid * NS + sid
        base = wid * rows_per_w
        sems_r = (sem_r0, sem_r1)
        sems_i = (sem_i0, sem_i1)

        plan = [(src, ids, acc, cnt, base + j * CHUNK)
                for (src, ids, acc, cnt) in
                ((ref_hbm, rid_hbm, acc_r, cnt_r),
                 (alt_hbm, aid_hbm, acc_a, cnt_a))
                for j in range(m)]

        def start(i):
            slot = i % 2
            src, ids, _, _, r0 = plan[i]
            dr = pltpu.async_copy(src.at[pl.ds(r0, CHUNK)],
                                  rows_v.at[slot], sems_r[slot])
            di = pltpu.async_copy(ids.at[pl.ds(r0, CHUNK)],
                                  idx_v.at[slot], sems_i[slot])
            return dr, di

        pending = start(0)

        one_row = jnp.ones((LANES,), jnp.float32)
        for r in range(CHUNK):
            ones_v[r, :] = one_row

        @pl.when(sid == 0)
        def _():
            zrow = jnp.zeros((LANES,), jnp.float32)
            for r in range(b):
                for j in range(d // LANES):
                    zeros_v[r, pl.ds(j * LANES, LANES)] = zrow
                zc_v[r, :] = zrow
            pltpu.sync_copy(zeros_v, acc_r)
            pltpu.sync_copy(zeros_v, acc_a)
            pltpu.sync_copy(zc_v, cnt_r)
            pltpu.sync_copy(zc_v, cnt_a)

        plsc.subcore_barrier()

        for i in range(len(plan)):
            slot = i % 2
            nxt = start(i + 1) if i + 1 < len(plan) else None
            dr, di = pending
            dr.wait()
            di.wait()
            _, _, acc, cnt, _ = plan[i]
            pltpu.sync_copy(rows_v.at[slot], acc.at[idx_v.at[slot]], add=True)
            pltpu.sync_copy(ones_v, cnt.at[idx_v.at[slot]], add=True)
            pending = nxt

        plsc.subcore_barrier()

        @pl.when(sid == 0)
        def _():
            pltpu.sync_copy(acc_r, out_sums.at[cid, 0])
            pltpu.sync_copy(acc_a, out_sums.at[cid, 1])
            pltpu.sync_copy(cnt_r, out_cnts.at[cid, 0])
            pltpu.sync_copy(cnt_a, out_cnts.at[cid, 1])

    return sc_kernel


def _tc_partial_segsum(ref_flat, alt_flat, rid2, aid2, b, start_row):
    total, d = ref_flat.shape
    nb = (total - start_row) // BLK
    blk0 = start_row // BLK

    def body(r_ref, a_ref, rid_ref, aid_ref, sums_out, cnts_out, acc, cnt):
        i = pl.program_id(0)

        @pl.when(i == 0)
        def _():
            acc[...] = jnp.zeros_like(acc)
            cnt[...] = jnp.zeros_like(cnt)

        iota_b = lax.broadcasted_iota(jnp.int32, (b, BLK), 0)
        ohr = jnp.where(iota_b == rid_ref[...], 1.0, 0.0)
        oha = jnp.where(iota_b == aid_ref[...], 1.0, 0.0)
        acc[0] += jnp.dot(ohr, r_ref[...], preferred_element_type=jnp.float32)
        acc[1] += jnp.dot(oha, a_ref[...], preferred_element_type=jnp.float32)
        cnt[0] += jnp.sum(ohr, axis=1, keepdims=True)
        cnt[1] += jnp.sum(oha, axis=1, keepdims=True)

        @pl.when(i == nb - 1)
        def _():
            sums_out[...] = acc[...]
            cnts_out[...] = cnt[...]

    return pl.pallas_call(
        body,
        grid=(nb,),
        in_specs=[
            pl.BlockSpec((BLK, d), lambda i: (blk0 + i, 0)),
            pl.BlockSpec((BLK, d), lambda i: (blk0 + i, 0)),
            pl.BlockSpec((1, BLK), lambda i: (0, blk0 + i)),
            pl.BlockSpec((1, BLK), lambda i: (0, blk0 + i)),
        ],
        out_specs=[
            pl.BlockSpec((2, b, d), lambda i: (0, 0, 0)),
            pl.BlockSpec((2, b, 1), lambda i: (0, 0, 0)),
        ],
        out_shape=(
            jax.ShapeDtypeStruct((2, b, d), jnp.float32),
            jax.ShapeDtypeStruct((2, b, 1), jnp.float32),
        ),
        scratch_shapes=[
            pltpu.VMEM((2, b, d), jnp.float32),
            pltpu.VMEM((2, b, 1), jnp.float32),
        ],
    )(ref_flat, alt_flat, rid2, aid2)


def _tc_epilogue(sc_sums, sc_cnts, tc_sums, tc_cnts,
                 alt_W, ref_W, alt_b2, ref_b2, cw_vk, vt2):
    b = tc_sums.shape[1]
    k = alt_W.shape[0]
    v = cw_vk.shape[0]

    def body(ssum_ref, scnt_ref, tsum_ref, tcnt_ref, aW_ref, rW_ref,
             ab_ref, rb_ref, cw_ref, vt_ref, logits_out, ll_out):
        s = ssum_ref[...]
        c = scnt_ref[...]
        t = tsum_ref[...]
        tc = tcnt_ref[...]
        s_r = s[0, 0] + s[1, 0] + t[0]
        s_a = s[0, 1] + s[1, 1] + t[1]
        c_r = (c[0, 0] + c[1, 0])[:, 0:1] + tc[0]
        c_a = (c[0, 1] + c[1, 1])[:, 0:1] + tc[1]
        ll = (jnp.dot(s_a, aW_ref[...].T, preferred_element_type=jnp.float32)
              + jnp.dot(s_r, rW_ref[...].T, preferred_element_type=jnp.float32)
              + c_a * ab_ref[...] + c_r * rb_ref[...])
        cw = cw_ref[...]
        m = jnp.max(cw, axis=-1, keepdims=True)
        lw = cw - (m + jnp.log(jnp.sum(jnp.exp(cw - m), axis=-1,
                                       keepdims=True)))
        vt = vt_ref[...]
        iota_v = lax.broadcasted_iota(jnp.int32, (b, v), 1)
        oh = jnp.where(vt == iota_v, 1.0, 0.0)
        sel = jnp.dot(oh, lw, preferred_element_type=jnp.float32)
        tail = ll[:, 1:] + sel
        m2 = jnp.max(tail, axis=-1, keepdims=True)
        art = m2[:, 0] + jnp.log(jnp.sum(jnp.exp(tail - m2), axis=-1))
        logits_out[...] = art - ll[:, 0]
        ll_out[...] = jnp.concatenate([ll[:, 0:1], tail], axis=1)

    return pl.pallas_call(
        body,
        out_shape=(
            jax.ShapeDtypeStruct((b,), jnp.float32),
            jax.ShapeDtypeStruct((b, k), jnp.float32),
        ),
    )(sc_sums, sc_cnts, tc_sums, tc_cnts,
      alt_W, ref_W, alt_b2, ref_b2, cw_vk, vt2)


def kernel(ref_flat, alt_flat, ref_seg_ids, alt_seg_ids, var_types_b,
           alt_W, alt_b, ref_W, ref_b, cluster_weights_pre_softmax_vk):
    total, d = ref_flat.shape
    k = alt_W.shape[0]
    b = var_types_b.shape[0]

    rid = ref_seg_ids.astype(jnp.int32)
    aid = alt_seg_ids.astype(jnp.int32)

    sc = _make_sc_segment_sum(d, b, SC_ROWS)
    sc_sums, sc_cnts = sc(ref_flat, alt_flat, rid, aid)

    tc_sums, tc_cnts = _tc_partial_segsum(
        ref_flat, alt_flat,
        rid.reshape(1, total),
        aid.reshape(1, total),
        b, SC_ROWS)

    logits, ll = _tc_epilogue(
        sc_sums, sc_cnts, tc_sums, tc_cnts,
        alt_W, ref_W,
        alt_b.reshape(1, k), ref_b.reshape(1, k),
        cluster_weights_pre_softmax_vk,
        var_types_b.astype(jnp.int32).reshape(b, 1),
    )
    return (logits, ll)

# --- scband reference (transcript-rebuilt; emitter-appended) ---
"""Pipeline reference for scband-feature-clustering-36825049596526 (READ-ONLY COPY).

The authoritative reference and input builder live on the scoring server;
editing this copy changes nothing except your own understanding.
"""

import jax, jax.numpy as jnp
import numpy as np

B = 16            # number of variants (ragged batch)
TOTAL = 32768     # total reads across batch (ref and alt each)
D = 128           # feature_dimension
K_ART = 6         # num_artifact_clusters
K = K_ART + 1     # num_clusters
V = 5             # len(Variation): SNV, INSERTION, DELETION, BIG_INSERTION, BIG_DELETION


def setup_inputs(seed: int = 0) -> dict:
    key = jax.random.key(seed)
    ks = jax.random.split(key, 9)
    ref_flat = jax.random.normal(ks[0], (TOTAL, D), dtype=jnp.float32)
    alt_flat = jax.random.normal(ks[1], (TOTAL, D), dtype=jnp.float32)
    # ragged structure: sorted segment ids (equivalent to RaggedSets counts_b)
    ref_seg_ids = jnp.sort(jax.random.randint(ks[2], (TOTAL,), 0, B)).astype(jnp.int32)
    alt_seg_ids = jnp.sort(jax.random.randint(ks[3], (TOTAL,), 0, B)).astype(jnp.int32)
    var_types_b = jax.random.randint(ks[4], (B,), 0, V).astype(jnp.int64)
    # learned params (torch Linear: y = x @ W.T + b)
    alt_W = jax.random.normal(ks[5], (K, D), dtype=jnp.float32) * 0.05
    alt_b = jnp.zeros((K,), dtype=jnp.float32)
    ref_W = jax.random.normal(ks[6], (K, D), dtype=jnp.float32) * 0.05
    ref_b = jnp.zeros((K,), dtype=jnp.float32)
    cluster_weights_pre_softmax_vk = jnp.ones((V, K_ART), dtype=jnp.float32)
    return {
        'ref_flat': ref_flat,
        'alt_flat': alt_flat,
        'ref_seg_ids': ref_seg_ids,
        'alt_seg_ids': alt_seg_ids,
        'var_types_b': var_types_b,
        'alt_W': alt_W,
        'alt_b': alt_b,
        'ref_W': ref_W,
        'ref_b': ref_b,
        'cluster_weights_pre_softmax_vk': cluster_weights_pre_softmax_vk,
    }


def reference(ref_flat, alt_flat, ref_seg_ids, alt_seg_ids, var_types_b,
              alt_W, alt_b, ref_W, ref_b, cluster_weights_pre_softmax_vk):
    # log_likelihoods for alt reads: per-read linear then ragged sum over each variant's reads
    alt_log_lks_rk = alt_flat @ alt_W.T + alt_b                       # [R_alt, K]
    alt_log_lks_bk = jax.ops.segment_sum(alt_log_lks_rk, alt_seg_ids, num_segments=B)
    # log_likelihoods for ref reads
    ref_log_lks_rk = ref_flat @ ref_W.T + ref_b                       # [R_ref, K]
    ref_log_lks_bk = jax.ops.segment_sum(ref_log_lks_rk, ref_seg_ids, num_segments=B)
    log_lks_bk = alt_log_lks_bk + ref_log_lks_bk                      # [B, K]
    # per-variation-type artifact cluster weights
    log_artifact_cluster_weights_vk = jax.nn.log_softmax(cluster_weights_pre_softmax_vk, axis=-1)
    log_artifact_cluster_weights_bk = log_artifact_cluster_weights_vk[var_types_b]  # gather [B, K-1]
    log_lks_bk = log_lks_bk.at[:, 1:].add(log_artifact_cluster_weights_bk)
    # calculate_logits
    artifact_log_lk_b = jax.scipy.special.logsumexp(log_lks_bk[:, 1:], axis=-1)
    non_artifact_log_lk_b = log_lks_bk[:, 0]
    logits_b = artifact_log_lk_b - non_artifact_log_lk_b
    return (logits_b, log_lks_bk)

if __name__ == "__main__":
    import jax
    _d = setup_inputs()
    print(jax.jit(kernel)(*tuple(_d.values())))

</pallas_src>

<mosaic_0001>
#map = affine_map<(d0, d1) -> (0, 0)>
#map1 = affine_map<(d0, d1) -> (0)>
#map2 = affine_map<(d0, d1) -> (0, 0, 0, 0)>
module attributes {stable_mosaic.version = 14 : i64} {
  func.func @sc_kernel(%arg0: i32, %arg1: i32, %arg2: memref<32768x128xf32, #tpu.memory_space<hbm>>, %arg3: memref<32768x128xf32, #tpu.memory_space<hbm>>, %arg4: memref<32768xi32, #tpu.memory_space<hbm>>, %arg5: memref<32768xi32, #tpu.memory_space<hbm>>, %arg6: memref<2x2x16x128xf32, #tpu.memory_space<hbm>>, %arg7: memref<2x2x16x16xf32, #tpu.memory_space<hbm>>, %arg8: memref<2x128x128xf32, #tpu.memory_space<vmem>>, %arg9: memref<2x128xi32, #tpu.memory_space<vmem>>, %arg10: memref<128x16xf32, #tpu.memory_space<vmem>>, %arg11: memref<16x128xf32, #tpu.memory_space<vmem>>, %arg12: memref<16x16xf32, #tpu.memory_space<vmem>>, %arg13: memref<16x128xf32, #tpu.memory_space<vmem_shared>>, %arg14: memref<16x128xf32, #tpu.memory_space<vmem_shared>>, %arg15: memref<16x16xf32, #tpu.memory_space<vmem_shared>>, %arg16: memref<16x16xf32, #tpu.memory_space<vmem_shared>>, %arg17: memref<!tpu.dma_semaphore, #tpu.memory_space<semaphore_mem>>, %arg18: memref<!tpu.dma_semaphore, #tpu.memory_space<semaphore_mem>>, %arg19: memref<!tpu.dma_semaphore, #tpu.memory_space<semaphore_mem>>, %arg20: memref<!tpu.dma_semaphore, #tpu.memory_space<semaphore_mem>>) attributes {dimension_semantics = [#tpu.dimension_semantics<core_parallel>, #tpu.dimension_semantics<subcore_parallel>], iteration_bounds = array<i64: 2, 16>, scalar_prefetch = 0 : i64, scratch_operands = 13 : i64, tpu.core_type = #tpu.core_type<sc_vector_subcore>, window_params = [{transform_indices = #map}, {transform_indices = #map}, {transform_indices = #map1}, {transform_indices = #map1}, {transform_indices = #map2}, {transform_indices = #map2}]} {
    %mul3A = arith.constant 16 : i32
    %mul3A_0 = arith.muli %arg0, %mul3A : i32
    %add3A = arith.addi %mul3A_0, %arg1 : i32
    %mul3A_1 = arith.constant 128 : i32
    %mul3A_2 = arith.muli %add3A, %mul3A_1 : i32
    %add3A_3 = arith.constant 0 : i32
    %add3A_4 = arith.addi %mul3A_2, %add3A_3 : i32
    %add3A_5 = arith.constant 0 : i32
    %add3A_6 = arith.addi %mul3A_2, %add3A_5 : i32
    %dma_start3A = arith.constant 0 : i32
    %dma_start3A_7 = arith.constant 0 : i32
    %dma_start3A_8 = arith.constant 0 : i32
    %dma_start3A_9 = tpu.memref_slice %arg8[%dma_start3A, %dma_start3A_7, %dma_start3A_8] : memref<2x128x128xf32, #tpu.memory_space<vmem>> -> memref<1x128x128xf32, #tpu.memory_space<vmem>>
    %dma_start3A_10 = tpu.memref_squeeze %dma_start3A_9 : memref<1x128x128xf32, #tpu.memory_space<vmem>> -> memref<128x128xf32, #tpu.memory_space<vmem>>
    %dma_start3A_11 = arith.constant 0 : i32
    %dma_start3A_12 = tpu.memref_slice %arg2[%add3A_4, %dma_start3A_11] : memref<32768x128xf32, #tpu.memory_space<hbm>> -> memref<128x128xf32, #tpu.memory_space<hbm>>
    %dma_start3A_13 = arith.constant 0 : i32
    %dma_start3A_14 = arith.constant 0 : i32
    %dma_start3A_15 = tpu.memref_slice %arg8[%dma_start3A, %dma_start3A_13, %dma_start3A_14] : memref<2x128x128xf32, #tpu.memory_space<vmem>> -> memref<1x128x128xf32, #tpu.memory_space<vmem>>
    %dma_start3A_16 = tpu.memref_squeeze %dma_start3A_15 : memref<1x128x128xf32, #tpu.memory_space<vmem>> -> memref<128x128xf32, #tpu.memory_space<vmem>>
    %dma_start3A_17 = arith.constant 0 : i32
    %dma_start3A_18 = tpu.memref_slice %arg2[%add3A_4, %dma_start3A_17] : memref<32768x128xf32, #tpu.memory_space<hbm>> -> memref<128x128xf32, #tpu.memory_space<hbm>>
    tpu.enqueue_dma source(%dma_start3A_18 : memref<128x128xf32, #tpu.memory_space<hbm>>) target(%dma_start3A_16 : memref<128x128xf32, #tpu.memory_space<vmem>>) target_semaphore(%arg17 : memref<!tpu.dma_semaphore, #tpu.memory_space<semaphore_mem>>)
    %dma_start3A_19 = arith.constant 0 : i32
    %dma_start3A_20 = arith.constant 0 : i32
    %dma_start3A_21 = tpu.memref_slice %arg9[%dma_start3A_19, %dma_start3A_20] : memref<2x128xi32, #tpu.memory_space<vmem>> -> memref<1x128xi32, #tpu.memory_space<vmem>>
    %dma_start3A_22 = tpu.memref_squeeze %dma_start3A_21 : memref<1x128xi32, #tpu.memory_space<vmem>> -> memref<128xi32, #tpu.memory_space<vmem>>
    %dma_start3A_23 = tpu.memref_slice %arg4[%add3A_4] : memref<32768xi32, #tpu.memory_space<hbm>> -> memref<128xi32, #tpu.memory_space<hbm>>
    %dma_start3A_24 = arith.constant 0 : i32
    %dma_start3A_25 = tpu.memref_slice %arg9[%dma_start3A_19, %dma_start3A_24] : memref<2x128xi32, #tpu.memory_space<vmem>> -> memref<1x128xi32, #tpu.memory_space<vmem>>
    %dma_start3A_26 = tpu.memref_squeeze %dma_start3A_25 : memref<1x128xi32, #tpu.memory_space<vmem>> -> memref<128xi32, #tpu.memory_space<vmem>>
    %dma_start3A_27 = tpu.memref_slice %arg4[%add3A_4] : memref<32768xi32, #tpu.memory_space<hbm>> -> memref<128xi32, #tpu.memory_space<hbm>>
    tpu.enqueue_dma source(%dma_start3A_27 : memref<128xi32, #tpu.memory_space<hbm>>) target(%dma_start3A_26 : memref<128xi32, #tpu.memory_space<vmem>>) target_semaphore(%arg19 : memref<!tpu.dma_semaphore, #tpu.memory_space<semaphore_mem>>)
    %broadcast_in_dim3A = arith.constant 1.000000e+00 : f32
    %broadcast_in_dim3A_28 = vector.broadcast %broadcast_in_dim3A : f32 to vector<16xf32>
    %swap3A = arith.constant 0 : i32
    %swap3A_29 = arith.index_cast %swap3A : i32 to index
    %swap3A_30 = arith.constant 0 : index
    %swap3A_31 = tpu.vector_load %arg10[%swap3A_29, %swap3A_30] {strides = array<i32>} : memref<128x16xf32, #tpu.memory_space<vmem>>, vector<1x16xf32>,
    %swap3A_32 = vector.shape_cast %swap3A_31 : vector<1x16xf32> to vector<16xf32>
    %swap3A_33 = vector.shape_cast %broadcast_in_dim3A_28 : vector<16xf32> to vector<1x16xf32>
    tpu.vector_store %arg10[%swap3A_29, %swap3A_30], %swap3A_33 {strides = array<i32>} : memref<128x16xf32, #tpu.memory_space<vmem>>, vector<1x16xf32>,
    %swap3A_34 = arith.constant 1 : i32
    %swap3A_35 = arith.index_cast %swap3A_34 : i32 to index
    %swap3A_36 = arith.constant 0 : index
    %swap3A_37 = tpu.vector_load %arg10[%swap3A_35, %swap3A_36] {strides = array<i32>} : memref<128x16xf32, #tpu.memory_space<vmem>>, vector<1x16xf32>,
    %swap3A_38 = vector.shape_cast %swap3A_37 : vector<1x16xf32> to vector<16xf32>
    %swap3A_39 = vector.shape_cast %broadcast_in_dim3A_28 : vector<16xf32> to vector<1x16xf32>
    tpu.vector_store %arg10[%swap3A_35, %swap3A_36], %swap3A_39 {strides = array<i32>} : memref<128x16xf32, #tpu.memory_space<vmem>>, vector<1x16xf32>,
    %swap3A_40 = arith.constant 2 : i32
    %swap3A_41 = arith.index_cast %swap3A_40 : i32 to index
    %swap3A_42 = arith.constant 0 : index
    %swap3A_43 = tpu.vector_load %arg10[%swap3A_41, %swap3A_42] {strides = array<i32>} : memref<128x16xf32, #tpu.memory_space<vmem>>, vector<1x16xf32>,
    %swap3A_44 = vector.shape_cast %swap3A_43 : vector<1x16xf32> to vector<16xf32>
    %swap3A_45 = vector.shape_cast %broadcast_in_dim3A_28 : vector<16xf32> to vector<1x16xf32>
    tpu.vector_store %arg10[%swap3A_41, %swap3A_42], %swap3A_45 {strides = array<i32>} : memref<128x16xf32, #tpu.memory_space<vmem>>, vector<1x16xf32>,
    %swap3A_46 = arith.constant 3 : i32
    %swap3A_47 = arith.index_cast %swap3A_46 : i32 to index
    %swap3A_48 = arith.constant 0 : index
    %swap3A_49 = tpu.vector_load %arg10[%swap3A_47, %swap3A_48] {strides = array<i32>} : memref<128x16xf32, #tpu.memory_space<vmem>>, vector<1x16xf32>,
    %swap3A_50 = vector.shape_cast %swap3A_49 : vector<1x16xf32> to vector<16xf32>
    %swap3A_51 = vector.shape_cast %broadcast_in_dim3A_28 : vector<16xf32> to vector<1x16xf32>
    tpu.vector_store %arg10[%swap3A_47, %swap3A_48], %swap3A_51 {strides = array<i32>} : memref<128x16xf32, #tpu.memory_space<vmem>>, vector<1x16xf32>,
    %swap3A_52 = arith.constant 4 : i32
    %swap3A_53 = arith.index_cast %swap3A_52 : i32 to index
    %swap3A_54 = arith.constant 0 : index
    %swap3A_55 = tpu.vector_load %arg10[%swap3A_53, %swap3A_54] {strides = array<i32>} : memref<128x16xf32, #tpu.memory_space<vmem>>, vector<1x16xf32>,
    %swap3A_56 = vector.shape_cast %swap3A_55 : vector<1x16xf32> to vector<16xf32>
    %swap3A_57 = vector.shape_cast %broadcast_in_dim3A_28 : vector<16xf32> to vector<1x16xf32>
    tpu.vector_store %arg10[%swap3A_53, %swap3A_54], %swap3A_57 {strides = array<i32>} : memref<128x16xf32, #tpu.memory_space<vmem>>, vector<1x16xf32>,
    %swap3A_58 = arith.constant 5 : i32
    %swap3A_59 = arith.index_cast %swap3A_58 : i32 to index
    %swap3A_60 = arith.constant 0 : index
    %swap3A_61 = tpu.vector_load %arg10[%swap3A_59, %swap3A_60] {strides = array<i32>} : memref<128x16xf32, #tpu.memory_space<vmem>>, vector<1x16xf32>,
    %swap3A_62 = vector.shape_cast %swap3A_61 : vector<1x16xf32> to vector<16xf32>
    %swap3A_63 = vector.shape_cast %broadcast_in_dim3A_28 : vector<16xf32> to vector<1x16xf32>
    tpu.vector_store %arg10[%swap3A_59, %swap3A_60], %swap3A_63 {strides = array<i32>} : memref<128x16xf32, #tpu.memory_space<vmem>>, vector<1x16xf32>,
    %swap3A_64 = arith.constant 6 : i32
    %swap3A_65 = arith.index_cast %swap3A_64 : i32 to index
    %swap3A_66 = arith.constant 0 : index
    %swap3A_67 = tpu.vector_load %arg10[%swap3A_65, %swap3A_66] {strides = array<i32>} : memref<128x16xf32, #tpu.memory_space<vmem>>, vector<1x16xf32>,
    %swap3A_68 = vector.shape_cast %swap3A_67 : vector<1x16xf32> to vector<16xf32>
    %swap3A_69 = vector.shape_cast %broadcast_in_dim3A_28 : vector<16xf32> to vector<1x16xf32>
    tpu.vector_store %arg10[%swap3A_65, %swap3A_66], %swap3A_69 {strides = array<i32>} : memref<128x16xf32, #tpu.memory_space<vmem>>, vector<1x16xf32>,
    %swap3A_70 = arith.constant 7 : i32
    %swap3A_71 = arith.index_cast %swap3A_70 : i32 to index
    %swap3A_72 = arith.constant 0 : index
    %swap3A_73 = tpu.vector_load %arg10[%swap3A_71, %swap3A_72] {strides = array<i32>} : memref<128x16xf32, #tpu.memory_space<vmem>>, vector<1x16xf32>,
    %swap3A_74 = vector.shape_cast %swap3A_73 : vector<1x16xf32> to vector<16xf32>
    %swap3A_75 = vector.shape_cast %broadcast_in_dim3A_28 : vector<16xf32> to vector<1x16xf32>
    tpu.vector_store %arg10[%swap3A_71, %swap3A_72], %swap3A_75 {strides = array<i32>} : memref<128x16xf32, #tpu.memory_space<vmem>>, vector<1x16xf32>,
    %swap3A_76 = arith.constant 8 : i32
    %swap3A_77 = arith.index_cast %swap3A_76 : i32 to index
    %swap3A_78 = arith.constant 0 : index
    %swap3A_79 = tpu.vector_load %arg10[%swap3A_77, %swap3A_78] {strides = array<i32>} : memref<128x16xf32, #tpu.memory_space<vmem>>, vector<1x16xf32>,
    %swap3A_80 = vector.shape_cast %swap3A_79 : vector<1x16xf32> to vector<16xf32>
    %swap3A_81 = vector.shape_cast %broadcast_in_dim3A_28 : vector<16xf32> to vector<1x16xf32>
    tpu.vector_store %arg10[%swap3A_77, %swap3A_78], %swap3A_81 {strides = array<i32>} : memref<128x16xf32, #tpu.memory_space<vmem>>, vector<1x16xf32>,
    %swap3A_82 = arith.constant 9 : i32
    %swap3A_83 = arith.index_cast %swap3A_82 : i32 to index
    %swap3A_84 = arith.constant 0 : index
    %swap3A_85 = tpu.vector_load %arg10[%swap3A_83, %swap3A_84] {strides = array<i32>} : memref<128x16xf32, #tpu.memory_space<vmem>>, vector<1x16xf32>,
    %swap3A_86 = vector.shape_cast %swap3A_85 : vector<1x16xf32> to vector<16xf32>
    %swap3A_87 = vector.shape_cast %broadcast_in_dim3A_28 : vector<16xf32> to vector<1x16xf32>
    tpu.vector_store %arg10[%swap3A_83, %swap3A_84], %swap3A_87 {strides = array<i32>} : memref<128x16xf32, #tpu.memory_space<vmem>>, vector<1x16xf32>,
    %swap3A_88 = arith.constant 10 : i32
    %swap3A_89 = arith.index_cast %swap3A_88 : i32 to index
    %swap3A_90 = arith.constant 0 : index
    %swap3A_91 = tpu.vector_load %arg10[%swap3A_89, %swap3A_90] {strides = array<i32>} : memref<128x16xf32, #tpu.memory_space<vmem>>, vector<1x16xf32>,
    %swap3A_92 = vector.shape_cast %swap3A_91 : vector<1x16xf32> to vector<16xf32>
    %swap3A_93 = vector.shape_cast %broadcast_in_dim3A_28 : vector<16xf32> to vector<1x16xf32>
    tpu.vector_store %arg10[%swap3A_89, %swap3A_90], %swap3A_93 {strides = array<i32>} : memref<128x16xf32, #tpu.memory_space<vmem>>, vector<1x16xf32>,
    %swap3A_94 = arith.constant 11 : i32
    %swap3A_95 = arith.index_cast %swap3A_94 : i32 to index
    %swap3A_96 = arith.constant 0 : index
    %swap3A_97 = tpu.vector_load %arg10[%swap3A_95, %swap3A_96] {strides = array<i32>} : memref<128x16xf32, #tpu.memory_space<vmem>>, vector<1x16xf32>,
    %swap3A_98 = vector.shape_cast %swap3A_97 : vector<1x16xf32> to vector<16xf32>
    %swap3A_99 = vector.shape_cast %broadcast_in_dim3A_28 : vector<16xf32> to vector<1x16xf32>
    tpu.vector_store %arg10[%swap3A_95, %swap3A_96], %swap3A_99 {strides = array<i32>} : memref<128x16xf32, #tpu.memory_space<vmem>>, vector<1x16xf32>,
    %swap3A_100 = arith.constant 12 : i32
    %swap3A_101 = arith.index_cast %swap3A_100 : i32 to index
    %swap3A_102 = arith.constant 0 : index
    %swap3A_103 = tpu.vector_load %arg10[%swap3A_101, %swap3A_102] {strides = array<i32>} : memref<128x16xf32, #tpu.memory_space<vmem>>, vector<1x16xf32>,
    %swap3A_104 = vector.shape_cast %swap3A_103 : vector<1x16xf32> to vector<16xf32>
    %swap3A_105 = vector.shape_cast %broadcast_in_dim3A_28 : vector<16xf32> to vector<1x16xf32>
    tpu.vector_store %arg10[%swap3A_101, %swap3A_102], %swap3A_105 {strides = array<i32>} : memref<128x16xf32, #tpu.memory_space<vmem>>, vector<1x16xf32>,
    %swap3A_106 = arith.constant 13 : i32
    %swap3A_107 = arith.index_cast %swap3A_106 : i32 to index
    %swap3A_108 = arith.constant 0 : index
    %swap3A_109 = tpu.vector_load %arg10[%swap3A_107, %swap3A_108] {strides = array<i32>} : memref<128x16xf32, #tpu.memory_space<vmem>>, vector<1x16xf32>,
    %swap3A_110 = vector.shape_cast %swap3A_109 : vector<1x16xf32> to vector<16xf32>
    %swap3A_111 = vector.shape_cast %broadcast_in_dim3A_28 : vector<16xf32> to vector<1x16xf32>
    tpu.vector_store %arg10[%swap3A_107, %swap3A_108], %swap3A_111 {strides = array<i32>} : memref<128x16xf32, #tpu.memory_space<vmem>>, vector<1x16xf32>,
    %swap3A_112 = arith.constant 14 : i32
    %swap3A_113 = arith.index_cast %swap3A_112 : i32 to index
    %swap3A_114 = arith.constant 0 : index
    %swap3A_115 = tpu.vector_load %arg10[%swap3A_113, %swap3A_114] {strides = array<i32>} : memref<128x16xf32, #tpu.memory_space<vmem>>, vector<1x16xf32>,
    %swap3A_116 = vector.shape_cast %swap3A_115 : vector<1x16xf32> to vector<16xf32>
    %swap3A_117 = vector.shape_cast %broadcast_in_dim3A_28 : vector<16xf32> to vector<1x16xf32>
    tpu.vector_store %arg10[%swap3A_113, %swap3A_114], %swap3A_117 {strides = array<i32>} : memref<128x16xf32, #tpu.memory_space<vmem>>, vector<1x16xf32>,
    %swap3A_118 = arith.constant 15 : i32
    %swap3A_119 = arith.index_cast %swap3A_118 : i32 to index
    %swap3A_120 = arith.constant 0 : index
    %swap3A_121 = tpu.vector_load %arg10[%swap3A_119, %swap3A_120] {strides = array<i32>} : memref<128x16xf32, #tpu.memory_space<vmem>>, vector<1x16xf32>,
    %swap3A_122 = vector.shape_cast %swap3A_121 : vector<1x16xf32> to vector<16xf32>
    %swap3A_123 = vector.shape_cast %broadcast_in_dim3A_28 : vector<16xf32> to vector<1x16xf32>
    tpu.vector_store %arg10[%swap3A_119, %swap3A_120], %swap3A_123 {strides = array<i32>} : memref<128x16xf32, #tpu.memory_space<vmem>>, vector<1x16xf32>,
    %swap3A_124 = arith.constant 16 : i32
    %swap3A_125 = arith.index_cast %swap3A_124 : i32 to index
    %swap3A_126 = arith.constant 0 : index
    %swap3A_127 = tpu.vector_load %arg10[%swap3A_125, %swap3A_126] {strides = array<i32>} : memref<128x16xf32, #tpu.memory_space<vmem>>, vector<1x16xf32>,
    %swap3A_128 = vector.shape_cast %swap3A_127 : vector<1x16xf32> to vector<16xf32>
    %swap3A_129 = vector.shape_cast %broadcast_in_dim3A_28 : vector<16xf32> to vector<1x16xf32>
    tpu.vector_store %arg10[%swap3A_125, %swap3A_126], %swap3A_129 {strides = array<i32>} : memref<128x16xf32, #tpu.memory_space<vmem>>, vector<1x16xf32>,
    %swap3A_130 = arith.constant 17 : i32
    %swap3A_131 = arith.index_cast %swap3A_130 : i32 to index
    %swap3A_132 = arith.constant 0 : index
    %swap3A_133 = tpu.vector_load %arg10[%swap3A_131, %swap3A_132] {strides = array<i32>} : memref<128x16xf32, #tpu.memory_space<vmem>>, vector<1x16xf32>,
    %swap3A_134 = vector.shape_cast %swap3A_133 : vector<1x16xf32> to vector<16xf32>
    %swap3A_135 = vector.shape_cast %broadcast_in_dim3A_28 : vector<16xf32> to vector<1x16xf32>
    tpu.vector_store %arg10[%swap3A_131, %swap3A_132], %swap3A_135 {strides = array<i32>} : memref<128x16xf32, #tpu.memory_space<vmem>>, vector<1x16xf32>,
    %swap3A_136 = arith.constant 18 : i32
    %swap3A_137 = arith.index_cast %swap3A_136 : i32 to index
    %swap3A_138 = arith.constant 0 : index
    %swap3A_139 = tpu.vector_load %arg10[%swap3A_137, %swap3A_138] {strides = array<i32>} : memref<128x16xf32, #tpu.memory_space<vmem>>, vector<1x16xf32>,
    %swap3A_140 = vector.shape_cast %swap3A_139 : vector<1x16xf32> to vector<16xf32>
    %swap3A_141 = vector.shape_cast %broadcast_in_dim3A_28 : vector<16xf32> to vector<1x16xf32>
    tpu.vector_store %arg10[%swap3A_137, %swap3A_138], %swap3A_141 {strides = array<i32>} : memref<128x16xf32, #tpu.memory_space<vmem>>, vector<1x16xf32>,
    %swap3A_142 = arith.constant 19 : i32
    %swap3A_143 = arith.index_cast %swap3A_142 : i32 to index
    %swap3A_144 = arith.constant 0 : index
    %swap3A_145 = tpu.vector_load %arg10[%swap3A_143, %swap3A_144] {strides = array<i32>} : memref<128x16xf32, #tpu.memory_space<vmem>>, vector<1x16xf32>,
    %swap3A_146 = vector.shape_cast %swap3A_145 : vector<1x16xf32> to vector<16xf32>
    %swap3A_147 = vector.shape_cast %broadcast_in_dim3A_28 : vector<16xf32> to vector<1x16xf32>
    tpu.vector_store %arg10[%swap3A_143, %swap3A_144], %swap3A_147 {strides = array<i32>} : memref<128x16xf32, #tpu.memory_space<vmem>>, vector<1x16xf32>,
    %swap3A_148 = arith.constant 20 : i32
    %swap3A_149 = arith.index_cast %swap3A_148 : i32 to index
    %swap3A_150 = arith.constant 0 : index
    %swap3A_151 = tpu.vector_load %arg10[%swap3A_149, %swap3A_150] {strides = array<i32>} : memref<128x16xf32, #tpu.memory_space<vmem>>, vector<1x16xf32>,
    %swap3A_152 = vector.shape_cast %swap3A_151 : vector<1x16xf32> to vector<16xf32>
    %swap3A_153 = vector.shape_cast %broadcast_in_dim3A_28 : vector<16xf32> to vector<1x16xf32>
    tpu.vector_store %arg10[%swap3A_149, %swap3A_150], %swap3A_153 {strides = array<i32>} : memref<128x16xf32, #tpu.memory_space<vmem>>, vector<1x16xf32>,
    %swap3A_154 = arith.constant 21 : i32
    %swap3A_155 = arith.index_cast %swap3A_154 : i32 to index
    %swap3A_156 = arith.constant 0 : index
    %swap3A_157 = tpu.vector_load %arg10[%swap3A_155, %swap3A_156] {strides = array<i32>} : memref<128x16xf32, #tpu.memory_space<vmem>>, vector<1x16xf32>,
    %swap3A_158 = vector.shape_cast %swap3A_157 : vector<1x16xf32> to vector<16xf32>
    %swap3A_159 = vector.shape_cast %broadcast_in_dim3A_28 : vector<16xf32> to vector<1x16xf32>
    tpu.vector_store %arg10[%swap3A_155, %swap3A_156], %swap3A_159 {strides = array<i32>} : memref<128x16xf32, #tpu.memory_space<vmem>>, vector<1x16xf32>,
    %swap3A_160 = arith.constant 22 : i32
    %swap3A_161 = arith.index_cast %swap3A_160 : i32 to index
    %swap3A_162 = arith.constant 0 : index
    %swap3A_163 = tpu.vector_load %arg10[%swap3A_161, %swap3A_162] {strides = array<i32>} : memref<128x16xf32, #tpu.memory_space<vmem>>, vector<1x16xf32>,
    %swap3A_164 = vector.shape_cast %swap3A_163 : vector<1x16xf32> to vector<16xf32>
    %swap3A_165 = vector.shape_cast %broadcast_in_dim3A_28 : vector<16xf32> to vector<1x16xf32>
    tpu.vector_store %arg10[%swap3A_161, %swap3A_162], %swap3A_165 {strides = array<i32>} : memref<128x16xf32, #tpu.memory_space<vmem>>, vector<1x16xf32>,
    %swap3A_166 = arith.constant 23 : i32
    %swap3A_167 = arith.index_cast %swap3A_166 : i32 to index
    %swap3A_168 = arith.constant 0 : index
    %swap3A_169 = tpu.vector_load %arg10[%swap3A_167, %swap3A_168] {strides = array<i32>} : memref<128x16xf32, #tpu.memory_space<vmem>>, vector<1x16xf32>,
    %swap3A_170 = vector.shape_cast %swap3A_169 : vector<1x16xf32> to vector<16xf32>
    %swap3A_171 = vector.shape_cast %broadcast_in_dim3A_28 : vector<16xf32> to vector<1x16xf32>
    tpu.vector_store %arg10[%swap3A_167, %swap3A_168], %swap3A_171 {strides = array<i32>} : memref<128x16xf32, #tpu.memory_space<vmem>>, vector<1x16xf32>,
    %swap3A_172 = arith.constant 24 : i32
    %swap3A_173 = arith.index_cast %swap3A_172 : i32 to index
    %swap3A_174 = arith.constant 0 : index
    %swap3A_175 = tpu.vector_load %arg10[%swap3A_173, %swap3A_174] {strides = array<i32>} : memref<128x16xf32, #tpu.memory_space<vmem>>, vector<1x16xf32>,
    %swap3A_176 = vector.shape_cast %swap3A_175 : vector<1x16xf32> to vector<16xf32>
    %swap3A_177 = vector.shape_cast %broadcast_in_dim3A_28 : vector<16xf32> to vector<1x16xf32>
    tpu.vector_store %arg10[%swap3A_173, %swap3A_174], %swap3A_177 {strides = array<i32>} : memref<128x16xf32, #tpu.memory_space<vmem>>, vector<1x16xf32>,
    %swap3A_178 = arith.constant 25 : i32
    %swap3A_179 = arith.index_cast %swap3A_178 : i32 to index
    %swap3A_180 = arith.constant 0 : index
    %swap3A_181 = tpu.vector_load %arg10[%swap3A_179, %swap3A_180] {strides = array<i32>} : memref<128x16xf32, #tpu.memory_space<vmem>>, vector<1x16xf32>,
    %swap3A_182 = vector.shape_cast %swap3A_181 : vector<1x16xf32> to vector<16xf32>
    %swap3A_183 = vector.shape_cast %broadcast_in_dim3A_28 : vector<16xf32> to vector<1x16xf32>
    tpu.vector_store %arg10[%swap3A_179, %swap3A_180], %swap3A_183 {strides = array<i32>} : memref<128x16xf32, #tpu.memory_space<vmem>>, vector<1x16xf32>,
    %swap3A_184 = arith.constant 26 : i32
    %swap3A_185 = arith.index_cast %swap3A_184 : i32 to index
    %swap3A_186 = arith.constant 0 : index
    %swap3A_187 = tpu.vector_load %arg10[%swap3A_185, %swap3A_186] {strides = array<i32>} : memref<128x16xf32, #tpu.memory_space<vmem>>, vector<1x16xf32>,
    %swap3A_188 = vector.shape_cast %swap3A_187 : vector<1x16xf32> to vector<16xf32>
    %swap3A_189 = vector.shape_cast %broadcast_in_dim3A_28 : vector<16xf32> to vector<1x16xf32>
    tpu.vector_store %arg10[%swap3A_185, %swap3A_186], %swap3A_189 {strides = array<i32>} : memref<128x16xf32, #tpu.memory_space<vmem>>, vector<1x16xf32>,
    %swap3A_190 = arith.constant 27 : i32
    %swap3A_191 = arith.index_cast %swap3A_190 : i32 to index
    %swap3A_192 = arith.constant 0 : index
    %swap3A_193 = tpu.vector_load %arg10[%swap3A_191, %swap3A_192] {strides = array<i32>} : memref<128x16xf32, #tpu.memory_space<vmem>>, vector<1x16xf32>,
    %swap3A_194 = vector.shape_cast %swap3A_193 : vector<1x16xf32> to vector<16xf32>
    %swap3A_195 = vector.shape_cast %broadcast_in_dim3A_28 : vector<16xf32> to vector<1x16xf32>
    tpu.vector_store %arg10[%swap3A_191, %swap3A_192], %swap3A_195 {strides = array<i32>} : memref<128x16xf32, #tpu.memory_space<vmem>>, vector<1x16xf32>,
    %swap3A_196 = arith.constant 28 : i32
    %swap3A_197 = arith.index_cast %swap3A_196 : i32 to index
    %swap3A_198 = arith.constant 0 : index
    %swap3A_199 = tpu.vector_load %arg10[%swap3A_197, %swap3A_198] {strides = array<i32>} : memref<128x16xf32, #tpu.memory_space<vmem>>, vector<1x16xf32>,
    %swap3A_200 = vector.shape_cast %swap3A_199 : vector<1x16xf32> to vector<16xf32>
    %swap3A_201 = vector.shape_cast %broadcast_in_dim3A_28 : vector<16xf32> to vector<1x16xf32>
    tpu.vector_store %arg10[%swap3A_197, %swap3A_198], %swap3A_201 {strides = array<i32>} : memref<128x16xf32, #tpu.memory_space<vmem>>, vector<1x16xf32>,
    %swap3A_202 = arith.constant 29 : i32
    %swap3A_203 = arith.index_cast %swap3A_202 : i32 to index
    %swap3A_204 = arith.constant 0 : index
    %swap3A_205 = tpu.vector_load %arg10[%swap3A_203, %swap3A_204] {strides = array<i32>} : memref<128x16xf32, #tpu.memory_space<vmem>>, vector<1x16xf32>,
    %swap3A_206 = vector.shape_cast %swap3A_205 : vector<1x16xf32> to vector<16xf32>
    %swap3A_207 = vector.shape_cast %broadcast_in_dim3A_28 : vector<16xf32> to vector<1x16xf32>
    tpu.vector_store %arg10[%swap3A_203, %swap3A_204], %swap3A_207 {strides = array<i32>} : memref<128x16xf32, #tpu.memory_space<vmem>>, vector<1x16xf32>,
    %swap3A_208 = arith.constant 30 : i32
    %swap3A_209 = arith.index_cast %swap3A_208 : i32 to index
    %swap3A_210 = arith.constant 0 : index
    %swap3A_211 = tpu.vector_load %arg10[%swap3A_209, %swap3A_210] {strides = array<i32>} : memref<128x16xf32, #tpu.memory_space<vmem>>, vector<1x16xf32>,
    %swap3A_212 = vector.shape_cast %swap3A_211 : vector<1x16xf32> to vector<16xf32>
    %swap3A_213 = vector.shape_cast %broadcast_in_dim3A_28 : vector<16xf32> to vector<1x16xf32>
    tpu.vector_store %arg10[%swap3A_209, %swap3A_210], %swap3A_213 {strides = array<i32>} : memref<128x16xf32, #tpu.memory_space<vmem>>, vector<1x16xf32>,
    %swap3A_214 = arith.constant 31 : i32
    %swap3A_215 = arith.index_cast %swap3A_214 : i32 to index
    %swap3A_216 = arith.constant 0 : index
    %swap3A_217 = tpu.vector_load %arg10[%swap3A_215, %swap3A_216] {strides = array<i32>} : memref<128x16xf32, #tpu.memory_space<vmem>>, vector<1x16xf32>,
    %swap3A_218 = vector.shape_cast %swap3A_217 : vector<1x16xf32> to vector<16xf32>
    %swap3A_219 = vector.shape_cast %broadcast_in_dim3A_28 : vector<16xf32> to vector<1x16xf32>
    tpu.vector_store %arg10[%swap3A_215, %swap3A_216], %swap3A_219 {strides = array<i32>} : memref<128x16xf32, #tpu.memory_space<vmem>>, vector<1x16xf32>,
    %swap3A_220 = arith.constant 32 : i32
    %swap3A_221 = arith.index_cast %swap3A_220 : i32 to index
    %swap3A_222 = arith.constant 0 : index
    %swap3A_223 = tpu.vector_load %arg10[%swap3A_221, %swap3A_222] {strides = array<i32>} : memref<128x16xf32, #tpu.memory_space<vmem>>, vector<1x16xf32>,
    %swap3A_224 = vector.shape_cast %swap3A_223 : vector<1x16xf32> to vector<16xf32>
    %swap3A_225 = vector.shape_cast %broadcast_in_dim3A_28 : vector<16xf32> to vector<1x16xf32>
    tpu.vector_store %arg10[%swap3A_221, %swap3A_222], %swap3A_225 {strides = array<i32>} : memref<128x16xf32, #tpu.memory_space<vmem>>, vector<1x16xf32>,
    %swap3A_226 = arith.constant 33 : i32
    %swap3A_227 = arith.index_cast %swap3A_226 : i32 to index
    %swap3A_228 = arith.constant 0 : index
    %swap3A_229 = tpu.vector_load %arg10[%swap3A_227, %swap3A_228] {strides = array<i32>} : memref<128x16xf32, #tpu.memory_space<vmem>>, vector<1x16xf32>,
    %swap3A_230 = vector.shape_cast %swap3A_229 : vector<1x16xf32> to vector<16xf32>
    %swap3A_231 = vector.shape_cast %broadcast_in_dim3A_28 : vector<16xf32> to vector<1x16xf32>
    tpu.vector_store %arg10[%swap3A_227, %swap3A_228], %swap3A_231 {strides = array<i32>} : memref<128x16xf32, #tpu.memory_space<vmem>>, vector<1x16xf32>,
    %swap3A_232 = arith.constant 34 : i32
    %swap3A_233 = arith.index_cast %swap3A_232 : i32 to index
    %swap3A_234 = arith.constant 0 : index
    %swap3A_235 = tpu.vector_load %arg10[%swap3A_233, %swap3A_234] {strides = array<i32>} : memref<128x16xf32, #tpu.memory_space<vmem>>, vector<1x16xf32>,
    %swap3A_236 = vector.shape_cast %swap3A_235 : vector<1x16xf32> to vector<16xf32>
    %swap3A_237 = vector.shape_cast %broadcast_in_dim3A_28 : vector<16xf32> to vector<1x16xf32>
    tpu.vector_store %arg10[%swap3A_233, %swap3A_234], %swap3A_237 {strides = array<i32>} : memref<128x16xf32, #tpu.memory_space<vmem>>, vector<1x16xf32>,
    %swap3A_238 = arith.constant 35 : i32
    %swap3A_239 = arith.index_cast %swap3A_238 : i32 to index
    %swap3A_240 = arith.constant 0 : index
    %swap3A_241 = tpu.vector_load %arg10[%swap3A_239, %swap3A_240] {strides = array<i32>} : memref<128x16xf32, #tpu.memory_space<vmem>>, vector<1x16xf32>,
    %swap3A_242 = vector.shape_cast %swap3A_241 : vector<1x16xf32> to vector<16xf32>
    %swap3A_243 = vector.shape_cast %broadcast_in_dim3A_28 : vector<16xf32> to vector<1x16xf32>
    tpu.vector_store %arg10[%swap3A_239, %swap3A_240], %swap3A_243 {strides = array<i32>} : memref<128x16xf32, #tpu.memory_space<vmem>>, vector<1x16xf32>,
    %swap3A_244 = arith.constant 36 : i32
    %swap3A_245 = arith.index_cast %swap3A_244 : i32 to index
    %swap3A_246 = arith.constant 0 : index
    %swap3A_247 = tpu.vector_load %arg10[%swap3A_245, %swap3A_246] {strides = array<i32>} : memref<128x16xf32, #tpu.memory_space<vmem>>, vector<1x16xf32>,
    %swap3A_248 = vector.shape_cast %swap3A_247 : vector<1x16xf32> to vector<16xf32>
    %swap3A_249 = vector.shape_cast %broadcast_in_dim3A_28 : vector<16xf32> to vector<1x16xf32>
    tpu.vector_store %arg10[%swap3A_245, %swap3A_246], %swap3A_249 {strides = array<i32>} : memref<128x16xf32, #tpu.memory_space<vmem>>, vector<1x16xf32>,
    %swap3A_250 = arith.constant 37 : i32
    %swap3A_251 = arith.index_cast %swap3A_250 : i32 to index
    %swap3A_252 = arith.constant 0 : index
    %swap3A_253 = tpu.vector_load %arg10[%swap3A_251, %swap3A_252] {strides = array<i32>} : memref<128x16xf32, #tpu.memory_space<vmem>>, vector<1x16xf32>,
    %swap3A_254 = vector.shape_cast %swap3A_253 : vector<1x16xf32> to vector<16xf32>
    %swap3A_255 = vector.shape_cast %broadcast_in_dim3A_28 : vector<16xf32> to vector<1x16xf32>
    tpu.vector_store %arg10[%swap3A_251, %swap3A_252], %swap3A_255 {strides = array<i32>} : memref<128x16xf32, #tpu.memory_space<vmem>>, vector<1x16xf32>,
    %swap3A_256 = arith.constant 38 : i32
    %swap3A_257 = arith.index_cast %swap3A_256 : i32 to index
    %swap3A_258 = arith.constant 0 : index
    %swap3A_259 = tpu.vector_load %arg10[%swap3A_257, %swap3A_258] {strides = array<i32>} : memref<128x16xf32, #tpu.memory_space<vmem>>, vector<1x16xf32>,
    %swap3A_260 = vector.shape_cast %swap3A_259 : vector<1x16xf32> to vector<16xf32>
    %swap3A_261 = vector.shape_cast %broadcast_in_dim3A_28 : vector<16xf32> to vector<1x16xf32>
    tpu.vector_store %arg10[%swap3A_257, %swap3A_258], %swap3A_261 {strides = array<i32>} : memref<128x16xf32, #tpu.memory_space<vmem>>, vector<1x16xf32>,
    %swap3A_262 = arith.constant 39 : i32
    %swap3A_263 = arith.index_cast %swap3A_262 : i32 to index
    %swap3A_264 = arith.constant 0 : index
    %swap3A_265 = tpu.vector_load %arg10[%swap3A_263, %swap3A_264] {strides = array<i32>} : memref<128x16xf32, #tpu.memory_space<vmem>>, vector<1x16xf32>,
    %swap3A_266 = vector.shape_cast %swap3A_265 : vector<1x16xf32> to vector<16xf32>
    %swap3A_267 = vector.shape_cast %broadcast_in_dim3A_28 : vector<16xf32> to vector<1x16xf32>
    tpu.vector_store %arg10[%swap3A_263, %swap3A_264], %swap3A_267 {strides = array<i32>} : memref<128x16xf32, #tpu.memory_space<vmem>>, vector<1x16xf32>,
    %swap3A_268 = arith.constant 40 : i32
    %swap3A_269 = arith.index_cast %swap3A_268 : i32 to index
    %swap3A_270 = arith.constant 0 : index
    %swap3A_271 = tpu.vector_load %arg10[%swap3A_269, %swap3A_270] {strides = array<i32>} : memref<128x16xf32, #tpu.memory_space<vmem>>, vector<1x16xf32>,
    %swap3A_272 = vector.shape_cast %swap3A_271 : vector<1x16xf32> to vector<16xf32>
    %swap3A_273 = vector.shape_cast %broadcast_in_dim3A_28 : vector<16xf32> to vector<1x16xf32>
    tpu.vector_store %arg10[%swap3A_269, %swap3A_270], %swap3A_273 {strides = array<i32>} : memref<128x16xf32, #tpu.memory_space<vmem>>, vector<1x16xf32>,
    %swap3A_274 = arith.constant 41 : i32
    %swap3A_275 = arith.index_cast %swap3A_274 : i32 to index
    %swap3A_276 = arith.constant 0 : index
    %swap3A_277 = tpu.vector_load %arg10[%swap3A_275, %swap3A_276] {strides = array<i32>} : memref<128x16xf32, #tpu.memory_space<vmem>>, vector<1x16xf32>,
    %swap3A_278 = vector.shape_cast %swap3A_277 : vector<1x16xf32> to vector<16xf32>
    %swap3A_279 = vector.shape_cast %broadcast_in_dim3A_28 : vector<16xf32> to vector<1x16xf32>
    tpu.vector_store %arg10[%swap3A_275, %swap3A_276], %swap3A_279 {strides = array<i32>} : memref<128x16xf32, #tpu.memory_space<vmem>>, vector<1x16xf32>,
    %swap3A_280 = arith.constant 42 : i32
    %swap3A_281 = arith.index_cast %swap3A_280 : i32 to index
    %swap3A_282 = arith.constant 0 : index
    %swap3A_283 = tpu.vector_load %arg10[%swap3A_281, %swap3A_282] {strides = array<i32>} : memref<128x16xf32, #tpu.memory_space<vmem>>, vector<1x16xf32>,
    %swap3A_284 = vector.shape_cast %swap3A_283 : vector<1x16xf32> to vector<16xf32>
    %swap3A_285 = vector.shape_cast %broadcast_in_dim3A_28 : vector<16xf32> to vector<1x16xf32>
    tpu.vector_store %arg10[%swap3A_281, %swap3A_282], %swap3A_285 {strides = array<i32>} : memref<128x16xf32, #tpu.memory_space<vmem>>, vector<1x16xf32>,
    %swap3A_286 = arith.constant 43 : i32
    %swap3A_287 = arith.index_cast %swap3A_286 : i32 to index
    %swap3A_288 = arith.constant 0 : index
    %swap3A_289 = tpu.vector_load %arg10[%swap3A_287, %swap3A_288] {strides = array<i32>} : memref<128x16xf32, #tpu.memory_space<vmem>>, vector<1x16xf32>,
    %swap3A_290 = vector.shape_cast %swap3A_289 : vector<1x16xf32> to vector<16xf32>
    %swap3A_291 = vector.shape_cast %broadcast_in_dim3A_28 : vector<16xf32> to vector<1x16xf32>
    tpu.vector_store %arg10[%swap3A_287, %swap3A_288], %swap3A_291 {strides = array<i32>} : memref<128x16xf32, #tpu.memory_space<vmem>>, vector<1x16xf32>,
    %swap3A_292 = arith.constant 44 : i32
    %swap3A_293 = arith.index_cast %swap3A_292 : i32 to index
    %swap3A_294 = arith.constant 0 : index
    %swap3A_295 = tpu.vector_load %arg10[%swap3A_293, %swap3A_294] {strides = array<i32>} : memref<128x16xf32, #tpu.memory_space<vmem>>, vector<1x16xf32>,
    %swap3A_296 = vector.shape_cast %swap3A_295 : vector<1x16xf32> to vector<16xf32>
    %swap3A_297 = vector.shape_cast %broadcast_in_dim3A_28 : vector<16xf32> to vector<1x16xf32>
    tpu.vector_store %arg10[%swap3A_293, %swap3A_294], %swap3A_297 {strides = array<i32>} : memref<128x16xf32, #tpu.memory_space<vmem>>, vector<1x16xf32>,
    %swap3A_298 = arith.constant 45 : i32
    %swap3A_299 = arith.index_cast %swap3A_298 : i32 to index
    %swap3A_300 = arith.constant 0 : index
    %swap3A_301 = tpu.vector_load %arg10[%swap3A_299, %swap3A_300] {strides = array<i32>} : memref<128x16xf32, #tpu.memory_space<vmem>>, vector<1x16xf32>,
    %swap3A_302 = vector.shape_cast %swap3A_301 : vector<1x16xf32> to vector<16xf32>
    %swap3A_303 = vector.shape_cast %broadcast_in_dim3A_28 : vector<16xf32> to vector<1x16xf32>
    tpu.vector_store %arg10[%swap3A_299, %swap3A_300], %swap3A_303 {strides = array<i32>} : memref<128x16xf32, #tpu.memory_space<vmem>>, vector<1x16xf32>,
    %swap3A_304 = arith.constant 46 : i32
    %swap3A_305 = arith.index_cast %swap3A_304 : i32 to index
    %swap3A_306 = arith.constant 0 : index
    %swap3A_307 = tpu.vector_load %arg10[%swap3A_305, %swap3A_306] {strides = array<i32>} : memref<128x16xf32, #tpu.memory_space<vmem>>, vector<1x16xf32>,
    %swap3A_308 = vector.shape_cast %swap3A_307 : vector<1x16xf32> to vector<16xf32>
    %swap3A_309 = vector.shape_cast %broadcast_in_dim3A_28 : vector<16xf32> to vector<1x16xf32>
    tpu.vector_store %arg10[%swap3A_305, %swap3A_306], %swap3A_309 {strides = array<i32>} : memref<128x16xf32, #tpu.memory_space<vmem>>, vector<1x16xf32>,
    %swap3A_310 = arith.constant 47 : i32
    %swap3A_311 = arith.index_cast %swap3A_310 : i32 to index
    %swap3A_312 = arith.constant 0 : index
    %swap3A_313 = tpu.vector_load %arg10[%swap3A_311, %swap3A_312] {strides = array<i32>} : memref<128x16xf32, #tpu.memory_space<vmem>>, vector<1x16xf32>,
    %swap3A_314 = vector.shape_cast %swap3A_313 : vector<1x16xf32> to vector<16xf32>
    %swap3A_315 = vector.shape_cast %broadcast_in_dim3A_28 : vector<16xf32> to vector<1x16xf32>
    tpu.vector_store %arg10[%swap3A_311, %swap3A_312], %swap3A_315 {strides = array<i32>} : memref<128x16xf32, #tpu.memory_space<vmem>>, vector<1x16xf32>,
    %swap3A_316 = arith.constant 48 : i32
    %swap3A_317 = arith.index_cast %swap3A_316 : i32 to index
    %swap3A_318 = arith.constant 0 : index
    %swap3A_319 = tpu.vector_load %arg10[%swap3A_317, %swap3A_318] {strides = array<i32>} : memref<128x16xf32, #tpu.memory_space<vmem>>, vector<1x16xf32>,
    %swap3A_320 = vector.shape_cast %swap3A_319 : vector<1x16xf32> to vector<16xf32>
    %swap3A_321 = vector.shape_cast %broadcast_in_dim3A_28 : vector<16xf32> to vector<1x16xf32>
    tpu.vector_store %arg10[%swap3A_317, %swap3A_318], %swap3A_321 {strides = array<i32>} : memref<128x16xf32, #tpu.memory_space<vmem>>, vector<1x16xf32>,
    %swap3A_322 = arith.constant 49 : i32
    %swap3A_323 = arith.index_cast %swap3A_322 : i32 to index
    %swap3A_324 = arith.constant 0 : index
    %swap3A_325 = tpu.vector_load %arg10[%swap3A_323, %swap3A_324] {strides = array<i32>} : memref<128x16xf32, #tpu.memory_space<vmem>>, vector<1x16xf32>,
    %swap3A_326 = vector.shape_cast %swap3A_325 : vector<1x16xf32> to vector<16xf32>
    %swap3A_327 = vector.shape_cast %broadcast_in_dim3A_28 : vector<16xf32> to vector<1x16xf32>
    tpu.vector_store %arg10[%swap3A_323, %swap3A_324], %swap3A_327 {strides = array<i32>} : memref<128x16xf32, #tpu.memory_space<vmem>>, vector<1x16xf32>,
    %swap3A_328 = arith.constant 50 : i32
    %swap3A_329 = arith.index_cast %swap3A_328 : i32 to index
    %swap3A_330 = arith.constant 0 : index
    %swap3A_331 = tpu.vector_load %arg10[%swap3A_329, %swap3A_330] {strides = array<i32>} : memref<128x16xf32, #tpu.memory_space<vmem>>, vector<1x16xf32>,
    %swap3A_332 = vector.shape_cast %swap3A_331 : vector<1x16xf32> to vector<16xf32>
    %swap3A_333 = vector.shape_cast %broadcast_in_dim3A_28 : vector<16xf32> to vector<1x16xf32>
    tpu.vector_store %arg10[%swap3A_329, %swap3A_330], %swap3A_333 {strides = array<i32>} : memref<128x16xf32, #tpu.memory_space<vmem>>, vector<1x16xf32>,
    %swap3A_334 = arith.constant 51 : i32
    %swap3A_335 = arith.index_cast %swap3A_334 : i32 to index
    %swap3A_336 = arith.constant 0 : index
    %swap3A_337 = tpu.vector_load %arg10[%swap3A_335, %swap3A_336] {strides = array<i32>} : memref<128x16xf32, #tpu.memory_space<vmem>>, vector<1x16xf32>,
    %swap3A_338 = vector.shape_cast %swap3A_337 : vector<1x16xf32> to vector<16xf32>
    %swap3A_339 = vector.shape_cast %broadcast_in_dim3A_28 : vector<16xf32> to vector<1x16xf32>
    tpu.vector_store %arg10[%swap3A_335, %swap3A_336], %swap3A_339 {strides = array<i32>} : memref<128x16xf32, #tpu.memory_space<vmem>>, vector<1x16xf32>,
    %swap3A_340 = arith.constant 52 : i32
    %swap3A_341 = arith.index_cast %swap3A_340 : i32 to index
    %swap3A_342 = arith.constant 0 : index
    %swap3A_343 = tpu.vector_load %arg10[%swap3A_341, %swap3A_342] {strides = array<i32>} : memref<128x16xf32, #tpu.memory_space<vmem>>, vector<1x16xf32>,
    %swap3A_344 = vector.shape_cast %swap3A_343 : vector<1x16xf32> to vector<16xf32>
    %swap3A_345 = vector.shape_cast %broadcast_in_dim3A_28 : vector<16xf32> to vector<1x16xf32>
    tpu.vector_store %arg10[%swap3A_341, %swap3A_342], %swap3A_345 {strides = array<i32>} : memref<128x16xf32, #tpu.memory_space<vmem>>, vector<1x16xf32>,
    %swap3A_346 = arith.constant 53 : i32
    %swap3A_347 = arith.index_cast %swap3A_346 : i32 to index
    %swap3A_348 = arith.constant 0 : index
    %swap3A_349 = tpu.vector_load %arg10[%swap3A_347, %swap3A_348] {strides = array<i32>} : memref<128x16xf32, #tpu.memory_space<vmem>>, vector<1x16xf32>,
    %swap3A_350 = vector.shape_cast %swap3A_349 : vector<1x16xf32> to vector<16xf32>
    %swap3A_351 = vector.shape_cast %broadcast_in_dim3A_28 : vector<16xf32> to vector<1x16xf32>
    tpu.vector_store %arg10[%swap3A_347, %swap3A_348], %swap3A_351 {strides = array<i32>} : memref<128x16xf32, #tpu.memory_space<vmem>>, vector<1x16xf32>,
    %swap3A_352 = arith.constant 54 : i32
    %swap3A_353 = arith.index_cast %swap3A_352 : i32 to index
    %swap3A_354 = arith.constant 0 : index
    %swap3A_355 = tpu.vector_load %arg10[%swap3A_353, %swap3A_354] {strides = array<i32>} : memref<128x16xf32, #tpu.memory_space<vmem>>, vector<1x16xf32>,
    %swap3A_356 = vector.shape_cast %swap3A_355 : vector<1x16xf32> to vector<16xf32>
    %swap3A_357 = vector.shape_cast %broadcast_in_dim3A_28 : vector<16xf32> to vector<1x16xf32>
    tpu.vector_store %arg10[%swap3A_353, %swap3A_354], %swap3A_357 {strides = array<i32>} : memref<128x16xf32, #tpu.memory_space<vmem>>, vector<1x16xf32>,
    %swap3A_358 = arith.constant 55 : i32
    %swap3A_359 = arith.index_cast %swap3A_358 : i32 to index
    %swap3A_360 = arith.constant 0 : index
    %swap3A_361 = tpu.vector_load %arg10[%swap3A_359, %swap3A_360] {strides = array<i32>} : memref<128x16xf32, #tpu.memory_space<vmem>>, vector<1x16xf32>,
    %swap3A_362 = vector.shape_cast %swap3A_361 : vector<1x16xf32> to vector<16xf32>
    %swap3A_363 = vector.shape_cast %broadcast_in_dim3A_28 : vector<16xf32> to vector<1x16xf32>
    tpu.vector_store %arg10[%swap3A_359, %swap3A_360], %swap3A_363 {strides = array<i32>} : memref<128x16xf32, #tpu.memory_space<vmem>>, vector<1x16xf32>,
    %swap3A_364 = arith.constant 56 : i32
    %swap3A_365 = arith.index_cast %swap3A_364 : i32 to index
    %swap3A_366 = arith.constant 0 : index
    %swap3A_367 = tpu.vector_load %arg10[%swap3A_365, %swap3A_366] {strides = array<i32>} : memref<128x16xf32, #tpu.memory_space<vmem>>, vector<1x16xf32>,
    %swap3A_368 = vector.shape_cast %swap3A_367 : vector<1x16xf32> to vector<16xf32>
    %swap3A_369 = vector.shape_cast %broadcast_in_dim3A_28 : vector<16xf32> to vector<1x16xf32>
    tpu.vector_store %arg10[%swap3A_365, %swap3A_366], %swap3A_369 {strides = array<i32>} : memref<128x16xf32, #tpu.memory_space<vmem>>, vector<1x16xf32>,
    %swap3A_370 = arith.constant 57 : i32
    %swap3A_371 = arith.index_cast %swap3A_370 : i32 to index
    %swap3A_372 = arith.constant 0 : index
    %swap3A_373 = tpu.vector_load %arg10[%swap3A_371, %swap3A_372] {strides = array<i32>} : memref<128x16xf32, #tpu.memory_space<vmem>>, vector<1x16xf32>,
    %swap3A_374 = vector.shape_cast %swap3A_373 : vector<1x16xf32> to vector<16xf32>
    %swap3A_375 = vector.shape_cast %broadcast_in_dim3A_28 : vector<16xf32> to vector<1x16xf32>
    tpu.vector_store %arg10[%swap3A_371, %swap3A_372], %swap3A_375 {strides = array<i32>} : memref<128x16xf32, #tpu.memory_space<vmem>>, vector<1x16xf32>,
    %swap3A_376 = arith.constant 58 : i32
    %swap3A_377 = arith.index_cast %swap3A_376 : i32 to index
    %swap3A_378 = arith.constant 0 : index
    %swap3A_379 = tpu.vector_load %arg10[%swap3A_377, %swap3A_378] {strides = array<i32>} : memref<128x16xf32, #tpu.memory_space<vmem>>, vector<1x16xf32>,
    %swap3A_380 = vector.shape_cast %swap3A_379 : vector<1x16xf32> to vector<16xf32>
    %swap3A_381 = vector.shape_cast %broadcast_in_dim3A_28 : vector<16xf32> to vector<1x16xf32>
    tpu.vector_store %arg10[%swap3A_377, %swap3A_378], %swap3A_381 {strides = array<i32>} : memref<128x16xf32, #tpu.memory_space<vmem>>, vector<1x16xf32>,
    %swap3A_382 = arith.constant 59 : i32
    %swap3A_383 = arith.index_cast %swap3A_382 : i32 to index
    %swap3A_384 = arith.constant 0 : index
    %swap3A_385 = tpu.vector_load %arg10[%swap3A_383, %swap3A_384] {strides = array<i32>} : memref<128x16xf32, #tpu.memory_space<vmem>>, vector<1x16xf32>,
    %swap3A_386 = vector.shape_cast %swap3A_385 : vector<1x16xf32> to vector<16xf32>
    %swap3A_387 = vector.shape_cast %broadcast_in_dim3A_28 : vector<16xf32> to vector<1x16xf32>
    tpu.vector_store %arg10[%swap3A_383, %swap3A_384], %swap3A_387 {strides = array<i32>} : memref<128x16xf32, #tpu.memory_space<vmem>>, vector<1x16xf32>,
    %swap3A_388 = arith.constant 60 : i32
    %swap3A_389 = arith.index_cast %swap3A_388 : i32 to index
    %swap3A_390 = arith.constant 0 : index
    %swap3A_391 = tpu.vector_load %arg10[%swap3A_389, %swap3A_390] {strides = array<i32>} : memref<128x16xf32, #tpu.memory_space<vmem>>, vector<1x16xf32>,
    %swap3A_392 = vector.shape_cast %swap3A_391 : vector<1x16xf32> to vector<16xf32>
    %swap3A_393 = vector.shape_cast %broadcast_in_dim3A_28 : vector<16xf32> to vector<1x16xf32>
    tpu.vector_store %arg10[%swap3A_389, %swap3A_390], %swap3A_393 {strides = array<i32>} : memref<128x16xf32, #tpu.memory_space<vmem>>, vector<1x16xf32>,
    %swap3A_394 = arith.constant 61 : i32
    %swap3A_395 = arith.index_cast %swap3A_394 : i32 to index
    %swap3A_396 = arith.constant 0 : index
    %swap3A_397 = tpu.vector_load %arg10[%swap3A_395, %swap3A_396] {strides = array<i32>} : memref<128x16xf32, #tpu.memory_space<vmem>>, vector<1x16xf32>,
    %swap3A_398 = vector.shape_cast %swap3A_397 : vector<1x16xf32> to vector<16xf32>
    %swap3A_399 = vector.shape_cast %broadcast_in_dim3A_28 : vector<16xf32> to vector<1x16xf32>
    tpu.vector_store %arg10[%swap3A_395, %swap3A_396], %swap3A_399 {strides = array<i32>} : memref<128x16xf32, #tpu.memory_space<vmem>>, vector<1x16xf32>,
    %swap3A_400 = arith.constant 62 : i32
    %swap3A_401 = arith.index_cast %swap3A_400 : i32 to index
    %swap3A_402 = arith.constant 0 : index
    %swap3A_403 = tpu.vector_load %arg10[%swap3A_401, %swap3A_402] {strides = array<i32>} : memref<128x16xf32, #tpu.memory_space<vmem>>, vector<1x16xf32>,
    %swap3A_404 = vector.shape_cast %swap3A_403 : vector<1x16xf32> to vector<16xf32>
    %swap3A_405 = vector.shape_cast %broadcast_in_dim3A_28 : vector<16xf32> to vector<1x16xf32>
    tpu.vector_store %arg10[%swap3A_401, %swap3A_402], %swap3A_405 {strides = array<i32>} : memref<128x16xf32, #tpu.memory_space<vmem>>, vector<1x16xf32>,
    %swap3A_406 = arith.constant 63 : i32
    %swap3A_407 = arith.index_cast %swap3A_406 : i32 to index
    %swap3A_408 = arith.constant 0 : index
    %swap3A_409 = tpu.vector_load %arg10[%swap3A_407, %swap3A_408] {strides = array<i32>} : memref<128x16xf32, #tpu.memory_space<vmem>>, vector<1x16xf32>,
    %swap3A_410 = vector.shape_cast %swap3A_409 : vector<1x16xf32> to vector<16xf32>
    %swap3A_411 = vector.shape_cast %broadcast_in_dim3A_28 : vector<16xf32> to vector<1x16xf32>
    tpu.vector_store %arg10[%swap3A_407, %swap3A_408], %swap3A_411 {strides = array<i32>} : memref<128x16xf32, #tpu.memory_space<vmem>>, vector<1x16xf32>,
    %swap3A_412 = arith.constant 64 : i32
    %swap3A_413 = arith.index_cast %swap3A_412 : i32 to index
    %swap3A_414 = arith.constant 0 : index
    %swap3A_415 = tpu.vector_load %arg10[%swap3A_413, %swap3A_414] {strides = array<i32>} : memref<128x16xf32, #tpu.memory_space<vmem>>, vector<1x16xf32>,
    %swap3A_416 = vector.shape_cast %swap3A_415 : vector<1x16xf32> to vector<16xf32>
    %swap3A_417 = vector.shape_cast %broadcast_in_dim3A_28 : vector<16xf32> to vector<1x16xf32>
    tpu.vector_store %arg10[%swap3A_413, %swap3A_414], %swap3A_417 {strides = array<i32>} : memref<128x16xf32, #tpu.memory_space<vmem>>, vector<1x16xf32>,
    %swap3A_418 = arith.constant 65 : i32
    %swap3A_419 = arith.index_cast %swap3A_418 : i32 to index
    %swap3A_420 = arith.constant 0 : index
    %swap3A_421 = tpu.vector_load %arg10[%swap3A_419, %swap3A_420] {strides = array<i32>} : memref<128x16xf32, #tpu.memory_space<vmem>>, vector<1x16xf32>,
    %swap3A_422 = vector.shape_cast %swap3A_421 : vector<1x16xf32> to vector<16xf32>
    %swap3A_423 = vector.shape_cast %broadcast_in_dim3A_28 : vector<16xf32> to vector<1x16xf32>
    tpu.vector_store %arg10[%swap3A_419, %swap3A_420], %swap3A_423 {strides = array<i32>} : memref<128x16xf32, #tpu.memory_space<vmem>>, vector<1x16xf32>,
    %swap3A_424 = arith.constant 66 : i32
    %swap3A_425 = arith.index_cast %swap3A_424 : i32 to index
    %swap3A_426 = arith.constant 0 : index
    %swap3A_427 = tpu.vector_load %arg10[%swap3A_425, %swap3A_426] {strides = array<i32>} : memref<128x16xf32, #tpu.memory_space<vmem>>, vector<1x16xf32>,
    %swap3A_428 = vector.shape_cast %swap3A_427 : vector<1x16xf32> to vector<16xf32>
    %swap3A_429 = vector.shape_cast %broadcast_in_dim3A_28 : vector<16xf32> to vector<1x16xf32>
    tpu.vector_store %arg10[%swap3A_425, %swap3A_426], %swap3A_429 {strides = array<i32>} : memref<128x16xf32, #tpu.memory_space<vmem>>, vector<1x16xf32>,
    %swap3A_430 = arith.constant 67 : i32
    %swap3A_431 = arith.index_cast %swap3A_430 : i32 to index
    %swap3A_432 = arith.constant 0 : index
    %swap3A_433 = tpu.vector_load %arg10[%swap3A_431, %swap3A_432] {strides = array<i32>} : memref<128x16xf32, #tpu.memory_space<vmem>>, vector<1x16xf32>,
    %swap3A_434 = vector.shape_cast %swap3A_433 : vector<1x16xf32> to vector<16xf32>
    %swap3A_435 = vector.shape_cast %broadcast_in_dim3A_28 : vector<16xf32> to vector<1x16xf32>
    tpu.vector_store %arg10[%swap3A_431, %swap3A_432], %swap3A_435 {strides = array<i32>} : memref<128x16xf32, #tpu.memory_space<vmem>>, vector<1x16xf32>,
    %swap3A_436 = arith.constant 68 : i32
    %swap3A_437 = arith.index_cast %swap3A_436 : i32 to index
    %swap3A_438 = arith.constant 0 : index
    %swap3A_439 = tpu.vector_load %arg10[%swap3A_437, %swap3A_438] {strides = array<i32>} : memref<128x16xf32, #tpu.memory_space<vmem>>, vector<1x16xf32>,
    %swap3A_440 = vector.shape_cast %swap3A_439 : vector<1x16xf32> to vector<16xf32>
    %swap3A_441 = vector.shape_cast %broadcast_in_dim3A_28 : vector<16xf32> to vector<1x16xf32>
    tpu.vector_store %arg10[%swap3A_437, %swap3A_438], %swap3A_441 {strides = array<i32>} : memref<128x16xf32, #tpu.memory_space<vmem>>, vector<1x16xf32>,
    %swap3A_442 = arith.constant 69 : i32
    %swap3A_443 = arith.index_cast %swap3A_442 : i32 to index
    %swap3A_444 = arith.constant 0 : index
    %swap3A_445 = tpu.vector_load %arg10[%swap3A_443, %swap3A_444] {strides = array<i32>} : memref<128x16xf32, #tpu.memory_space<vmem>>, vector<1x16xf32>,
    %swap3A_446 = vector.shape_cast %swap3A_445 : vector<1x16xf32> to vector<16xf32>
    %swap3A_447 = vector.shape_cast %broadcast_in_dim3A_28 : vector<16xf32> to vector<1x16xf32>
    tpu.vector_store %arg10[%swap3A_443, %swap3A_444], %swap3A_447 {strides = array<i32>} : memref<128x16xf32, #tpu.memory_space<vmem>>, vector<1x16xf32>,
    %swap3A_448 = arith.constant 70 : i32
    %swap3A_449 = arith.index_cast %swap3A_448 : i32 to index
    %swap3A_450 = arith.constant 0 : index
    %swap3A_451 = tpu.vector_load %arg10[%swap3A_449, %swap3A_450] {strides = array<i32>} : memref<128x16xf32, #tpu.memory_space<vmem>>, vector<1x16xf32>,
    %swap3A_452 = vector.shape_cast %swap3A_451 : vector<1x16xf32> to vector<16xf32>
    %swap3A_453 = vector.shape_cast %broadcast_in_dim3A_28 : vector<16xf32> to vector<1x16xf32>
    tpu.vector_store %arg10[%swap3A_449, %swap3A_450], %swap3A_453 {strides = array<i32>} : memref<128x16xf32, #tpu.memory_space<vmem>>, vector<1x16xf32>,
    %swap3A_454 = arith.constant 71 : i32
    %swap3A_455 = arith.index_cast %swap3A_454 : i32 to index
    %swap3A_456 = arith.constant 0 : index
    %swap3A_457 = tpu.vector_load %arg10[%swap3A_455, %swap3A_456] {strides = array<i32>} : memref<128x16xf32, #tpu.memory_space<vmem>>, vector<1x16xf32>,
    %swap3A_458 = vector.shape_cast %swap3A_457 : vector<1x16xf32> to vector<16xf32>
    %swap3A_459 = vector.shape_cast %broadcast_in_dim3A_28 : vector<16xf32> to vector<1x16xf32>
    tpu.vector_store %arg10[%swap3A_455, %swap3A_456], %swap3A_459 {strides = array<i32>} : memref<128x16xf32, #tpu.memory_space<vmem>>, vector<1x16xf32>,
    %swap3A_460 = arith.constant 72 : i32
    %swap3A_461 = arith.index_cast %swap3A_460 : i32 to index
    %swap3A_462 = arith.constant 0 : index
    %swap3A_463 = tpu.vector_load %arg10[%swap3A_461, %swap3A_462] {strides = array<i32>} : memref<128x16xf32, #tpu.memory_space<vmem>>, vector<1x16xf32>,
    %swap3A_464 = vector.shape_cast %swap3A_463 : vector<1x16xf32> to vector<16xf32>
    %swap3A_465 = vector.shape_cast %broadcast_in_dim3A_28 : vector<16xf32> to vector<1x16xf32>
    tpu.vector_store %arg10[%swap3A_461, %swap3A_462], %swap3A_465 {strides = array<i32>} : memref<128x16xf32, #tpu.memory_space<vmem>>, vector<1x16xf32>,
    %swap3A_466 = arith.constant 73 : i32
    %swap3A_467 = arith.index_cast %swap3A_466 : i32 to index
    %swap3A_468 = arith.constant 0 : index
    %swap3A_469 = tpu.vector_load %arg10[%swap3A_467, %swap3A_468] {strides = array<i32>} : memref<128x16xf32, #tpu.memory_space<vmem>>, vector<1x16xf32>,
    %swap3A_470 = vector.shape_cast %swap3A_469 : vector<1x16xf32> to vector<16xf32>
    %swap3A_471 = vector.shape_cast %broadcast_in_dim3A_28 : vector<16xf32> to vector<1x16xf32>
    tpu.vector_store %arg10[%swap3A_467, %swap3A_468], %swap3A_471 {strides = array<i32>} : memref<128x16xf32, #tpu.memory_space<vmem>>, vector<1x16xf32>,
    %swap3A_472 = arith.constant 74 : i32
    %swap3A_473 = arith.index_cast %swap3A_472 : i32 to index
    %swap3A_474 = arith.constant 0 : index
    %swap3A_475 = tpu.vector_load %arg10[%swap3A_473, %swap3A_474] {strides = array<i32>} : memref<128x16xf32, #tpu.memory_space<vmem>>, vector<1x16xf32>,
    %swap3A_476 = vector.shape_cast %swap3A_475 : vector<1x16xf32> to vector<16xf32>
    %swap3A_477 = vector.shape_cast %broadcast_in_dim3A_28 : vector<16xf32> to vector<1x16xf32>
    tpu.vector_store %arg10[%swap3A_473, %swap3A_474], %swap3A_477 {strides = array<i32>} : memref<128x16xf32, #tpu.memory_space<vmem>>, vector<1x16xf32>,
    %swap3A_478 = arith.constant 75 : i32
    %swap3A_479 = arith.index_cast %swap3A_478 : i32 to index
    %swap3A_480 = arith.constant 0 : index
    %swap3A_481 = tpu.vector_load %arg10[%swap3A_479, %swap3A_480] {strides = array<i32>} : memref<128x16xf32, #tpu.memory_space<vmem>>, vector<1x16xf32>,
    %swap3A_482 = vector.shape_cast %swap3A_481 : vector<1x16xf32> to vector<16xf32>
    %swap3A_483 = vector.shape_cast %broadcast_in_dim3A_28 : vector<16xf32> to vector<1x16xf32>
    tpu.vector_store %arg10[%swap3A_479, %swap3A_480], %swap3A_483 {strides = array<i32>} : memref<128x16xf32, #tpu.memory_space<vmem>>, vector<1x16xf32>,
    %swap3A_484 = arith.constant 76 : i32
    %swap3A_485 = arith.index_cast %swap3A_484 : i32 to index
    %swap3A_486 = arith.constant 0 : index
    %swap3A_487 = tpu.vector_load %arg10[%swap3A_485, %swap3A_486] {strides = array<i32>} : memref<128x16xf32, #tpu.memory_space<vmem>>, vector<1x16xf32>,
    %swap3A_488 = vector.shape_cast %swap3A_487 : vector<1x16xf32> to vector<16xf32>
    %swap3A_489 = vector.shape_cast %broadcast_in_dim3A_28 : vector<16xf32> to vector<1x16xf32>
    tpu.vector_store %arg10[%swap3A_485, %swap3A_486], %swap3A_489 {strides = array<i32>} : memref<128x16xf32, #tpu.memory_space<vmem>>, vector<1x16xf32>,
    %swap3A_490 = arith.constant 77 : i32
    %swap3A_491 = arith.index_cast %swap3A_490 : i32 to index
    %swap3A_492 = arith.constant 0 : index
    %swap3A_493 = tpu.vector_load %arg10[%swap3A_491, %swap3A_492] {strides = array<i32>} : memref<128x16xf32, #tpu.memory_space<vmem>>, vector<1x16xf32>,
    %swap3A_494 = vector.shape_cast %swap3A_493 : vector<1x16xf32> to vector<16xf32>
    %swap3A_495 = vector.shape_cast %broadcast_in_dim3A_28 : vector<16xf32> to vector<1x16xf32>
    tpu.vector_store %arg10[%swap3A_491, %swap3A_492], %swap3A_495 {strides = array<i32>} : memref<128x16xf32, #tpu.memory_space<vmem>>, vector<1x16xf32>,
    %swap3A_496 = arith.constant 78 : i32
    %swap3A_497 = arith.index_cast %swap3A_496 : i32 to index
    %swap3A_498 = arith.constant 0 : index
    %swap3A_499 = tpu.vector_load %arg10[%swap3A_497, %swap3A_498] {strides = array<i32>} : memref<128x16xf32, #tpu.memory_space<vmem>>, vector<1x16xf32>,
    %swap3A_500 = vector.shape_cast %swap3A_499 : vector<1x16xf32> to vector<16xf32>
    %swap3A_501 = vector.shape_cast %broadcast_in_dim3A_28 : vector<16xf32> to vector<1x16xf32>
    tpu.vector_store %arg10[%swap3A_497, %swap3A_498], %swap3A_501 {strides = array<i32>} : memref<128x16xf32, #tpu.memory_space<vmem>>, vector<1x16xf32>,
    %swap3A_502 = arith.constant 79 : i32
    %swap3A_503 = arith.index_cast %swap3A_502 : i32 to index
    %swap3A_504 = arith.constant 0 : index
    %swap3A_505 = tpu.vector_load %arg10[%swap3A_503, %swap3A_504] {strides = array<i32>} : memref<128x16xf32, #tpu.memory_space<vmem>>, vector<1x16xf32>,
    %swap3A_506 = vector.shape_cast %swap3A_505 : vector<1x16xf32> to vector<16xf32>
    %swap3A_507 = vector.shape_cast %broadcast_in_dim3A_28 : vector<16xf32> to vector<1x16xf32>
    tpu.vector_store %arg10[%swap3A_503, %swap3A_504], %swap3A_507 {strides = array<i32>} : memref<128x16xf32, #tpu.memory_space<vmem>>, vector<1x16xf32>,
    %swap3A_508 = arith.constant 80 : i32
    %swap3A_509 = arith.index_cast %swap3A_508 : i32 to index
    %swap3A_510 = arith.constant 0 : index
    %swap3A_511 = tpu.vector_load %arg10[%swap3A_509, %swap3A_510] {strides = array<i32>} : memref<128x16xf32, #tpu.memory_space<vmem>>, vector<1x16xf32>,
    %swap3A_512 = vector.shape_cast %swap3A_511 : vector<1x16xf32> to vector<16xf32>
    %swap3A_513 = vector.shape_cast %broadcast_in_dim3A_28 : vector<16xf32> to vector<1x16xf32>
    tpu.vector_store %arg10[%swap3A_509, %swap3A_510], %swap3A_513 {strides = array<i32>} : memref<128x16xf32, #tpu.memory_space<vmem>>, vector<1x16xf32>,
    %swap3A_514 = arith.constant 81 : i32
    %swap3A_515 = arith.index_cast %swap3A_514 : i32 to index
    %swap3A_516 = arith.constant 0 : index
    %swap3A_517 = tpu.vector_load %arg10[%swap3A_515, %swap3A_516] {strides = array<i32>} : memref<128x16xf32, #tpu.memory_space<vmem>>, vector<1x16xf32>,
    %swap3A_518 = vector.shape_cast %swap3A_517 : vector<1x16xf32> to vector<16xf32>
    %swap3A_519 = vector.shape_cast %broadcast_in_dim3A_28 : vector<16xf32> to vector<1x16xf32>
    tpu.vector_store %arg10[%swap3A_515, %swap3A_516], %swap3A_519 {strides = array<i32>} : memref<128x16xf32, #tpu.memory_space<vmem>>, vector<1x16xf32>,
    %swap3A_520 = arith.constant 82 : i32
    %swap3A_521 = arith.index_cast %swap3A_520 : i32 to index
    %swap3A_522 = arith.constant 0 : index
    %swap3A_523 = tpu.vector_load %arg10[%swap3A_521, %swap3A_522] {strides = array<i32>} : memref<128x16xf32, #tpu.memory_space<vmem>>, vector<1x16xf32>,
    %swap3A_524 = vector.shape_cast %swap3A_523 : vector<1x16xf32> to vector<16xf32>
    %swap3A_525 = vector.shape_cast %broadcast_in_dim3A_28 : vector<16xf32> to vector<1x16xf32>
    tpu.vector_store %arg10[%swap3A_521, %swap3A_522], %swap3A_525 {strides = array<i32>} : memref<128x16xf32, #tpu.memory_space<vmem>>, vector<1x16xf32>,
    %swap3A_526 = arith.constant 83 : i32
    %swap3A_527 = arith.index_cast %swap3A_526 : i32 to index
    %swap3A_528 = arith.constant 0 : index
    %swap3A_529 = tpu.vector_load %arg10[%swap3A_527, %swap3A_528] {strides = array<i32>} : memref<128x16xf32, #tpu.memory_space<vmem>>, vector<1x16xf32>,
    %swap3A_530 = vector.shape_cast %swap3A_529 : vector<1x16xf32> to vector<16xf32>
    %swap3A_531 = vector.shape_cast %broadcast_in_dim3A_28 : vector<16xf32> to vector<1x16xf32>
    tpu.vector_store %arg10[%swap3A_527, %swap3A_528], %swap3A_531 {strides = array<i32>} : memref<128x16xf32, #tpu.memory_space<vmem>>, vector<1x16xf32>,
    %swap3A_532 = arith.constant 84 : i32
    %swap3A_533 = arith.index_cast %swap3A_532 : i32 to index
    %swap3A_534 = arith.constant 0 : index
    %swap3A_535 = tpu.vector_load %arg10[%swap3A_533, %swap3A_534] {strides = array<i32>} : memref<128x16xf32, #tpu.memory_space<vmem>>, vector<1x16xf32>,
    %swap3A_536 = vector.shape_cast %swap3A_535 : vector<1x16xf32> to vector<16xf32>
    %swap3A_537 = vector.shape_cast %broadcast_in_dim3A_28 : vector<16xf32> to vector<1x16xf32>
    tpu.vector_store %arg10[%swap3A_533, %swap3A_534], %swap3A_537 {strides = array<i32>} : memref<128x16xf32, #tpu.memory_space<vmem>>, vector<1x16xf32>,
    %swap3A_538 = arith.constant 85 : i32
    %swap3A_539 = arith.index_cast %swap3A_538 : i32 to index
    %swap3A_540 = arith.constant 0 : index
    %swap3A_541 = tpu.vector_load %arg10[%swap3A_539, %swap3A_540] {strides = array<i32>} : memref<128x16xf32, #tpu.memory_space<vmem>>, vector<1x16xf32>,
    %swap3A_542 = vector.shape_cast %swap3A_541 : vector<1x16xf32> to vector<16xf32>
    %swap3A_543 = vector.shape_cast %broadcast_in_dim3A_28 : vector<16xf32> to vector<1x16xf32>
    tpu.vector_store %arg10[%swap3A_539, %swap3A_540], %swap3A_543 {strides = array<i32>} : memref<128x16xf32, #tpu.memory_space<vmem>>, vector<1x16xf32>,
    %swap3A_544 = arith.constant 86 : i32
    %swap3A_545 = arith.index_cast %swap3A_544 : i32 to index
    %swap3A_546 = arith.constant 0 : index
    %swap3A_547 = tpu.vector_load %arg10[%swap3A_545, %swap3A_546] {strides = array<i32>} : memref<128x16xf32, #tpu.memory_space<vmem>>, vector<1x16xf32>,
    %swap3A_548 = vector.shape_cast %swap3A_547 : vector<1x16xf32> to vector<16xf32>
    %swap3A_549 = vector.shape_cast %broadcast_in_dim3A_28 : vector<16xf32> to vector<1x16xf32>
    tpu.vector_store %arg10[%swap3A_545, %swap3A_546], %swap3A_549 {strides = array<i32>} : memref<128x16xf32, #tpu.memory_space<vmem>>, vector<1x16xf32>,
    %swap3A_550 = arith.constant 87 : i32
    %swap3A_551 = arith.index_cast %swap3A_550 : i32 to index
    %swap3A_552 = arith.constant 0 : index
    %swap3A_553 = tpu.vector_load %arg10[%swap3A_551, %swap3A_552] {strides = array<i32>} : memref<128x16xf32, #tpu.memory_space<vmem>>, vector<1x16xf32>,
    %swap3A_554 = vector.shape_cast %swap3A_553 : vector<1x16xf32> to vector<16xf32>
    %swap3A_555 = vector.shape_cast %broadcast_in_dim3A_28 : vector<16xf32> to vector<1x16xf32>
    tpu.vector_store %arg10[%swap3A_551, %swap3A_552], %swap3A_555 {strides = array<i32>} : memref<128x16xf32, #tpu.memory_space<vmem>>, vector<1x16xf32>,
    %swap3A_556 = arith.constant 88 : i32
    %swap3A_557 = arith.index_cast %swap3A_556 : i32 to index
    %swap3A_558 = arith.constant 0 : index
    %swap3A_559 = tpu.vector_load %arg10[%swap3A_557, %swap3A_558] {strides = array<i32>} : memref<128x16xf32, #tpu.memory_space<vmem>>, vector<1x16xf32>,
    %swap3A_560 = vector.shape_cast %swap3A_559 : vector<1x16xf32> to vector<16xf32>
    %swap3A_561 = vector.shape_cast %broadcast_in_dim3A_28 : vector<16xf32> to vector<1x16xf32>
    tpu.vector_store %arg10[%swap3A_557, %swap3A_558], %swap3A_561 {strides = array<i32>} : memref<128x16xf32, #tpu.memory_space<vmem>>, vector<1x16xf32>,
    %swap3A_562 = arith.constant 89 : i32
    %swap3A_563 = arith.index_cast %swap3A_562 : i32 to index
    %swap3A_564 = arith.constant 0 : index
    %swap3A_565 = tpu.vector_load %arg10[%swap3A_563, %swap3A_564] {strides = array<i32>} : memref<128x16xf32, #tpu.memory_space<vmem>>, vector<1x16xf32>,
    %swap3A_566 = vector.shape_cast %swap3A_565 : vector<1x16xf32> to vector<16xf32>
    %swap3A_567 = vector.shape_cast %broadcast_in_dim3A_28 : vector<16xf32> to vector<1x16xf32>
    tpu.vector_store %arg10[%swap3A_563, %swap3A_564], %swap3A_567 {strides = array<i32>} : memref<128x16xf32, #tpu.memory_space<vmem>>, vector<1x16xf32>,
    %swap3A_568 = arith.constant 90 : i32
    %swap3A_569 = arith.index_cast %swap3A_568 : i32 to index
    %swap3A_570 = arith.constant 0 : index
    %swap3A_571 = tpu.vector_load %arg10[%swap3A_569, %swap3A_570] {strides = array<i32>} : memref<128x16xf32, #tpu.memory_space<vmem>>, vector<1x16xf32>,
    %swap3A_572 = vector.shape_cast %swap3A_571 : vector<1x16xf32> to vector<16xf32>
    %swap3A_573 = vector.shape_cast %broadcast_in_dim3A_28 : vector<16xf32> to vector<1x16xf32>
    tpu.vector_store %arg10[%swap3A_569, %swap3A_570], %swap3A_573 {strides = array<i32>} : memref<128x16xf32, #tpu.memory_space<vmem>>, vector<1x16xf32>,
    %swap3A_574 = arith.constant 91 : i32
    %swap3A_575 = arith.index_cast %swap3A_574 : i32 to index
    %swap3A_576 = arith.constant 0 : index
    %swap3A_577 = tpu.vector_load %arg10[%swap3A_575, %swap3A_576] {strides = array<i32>} : memref<128x16xf32, #tpu.memory_space<vmem>>, vector<1x16xf32>,
    %swap3A_578 = vector.shape_cast %swap3A_577 : vector<1x16xf32> to vector<16xf32>
    %swap3A_579 = vector.shape_cast %broadcast_in_dim3A_28 : vector<16xf32> to vector<1x16xf32>
    tpu.vector_store %arg10[%swap3A_575, %swap3A_576], %swap3A_579 {strides = array<i32>} : memref<128x16xf32, #tpu.memory_space<vmem>>, vector<1x16xf32>,
    %swap3A_580 = arith.constant 92 : i32
    %swap3A_581 = arith.index_cast %swap3A_580 : i32 to index
    %swap3A_582 = arith.constant 0 : index
    %swap3A_583 = tpu.vector_load %arg10[%swap3A_581, %swap3A_582] {strides = array<i32>} : memref<128x16xf32, #tpu.memory_space<vmem>>, vector<1x16xf32>,
    %swap3A_584 = vector.shape_cast %swap3A_583 : vector<1x16xf32> to vector<16xf32>
    %swap3A_585 = vector.shape_cast %broadcast_in_dim3A_28 : vector<16xf32> to vector<1x16xf32>
    tpu.vector_store %arg10[%swap3A_581, %swap3A_582], %swap3A_585 {strides = array<i32>} : memref<128x16xf32, #tpu.memory_space<vmem>>, vector<1x16xf32>,
    %swap3A_586 = arith.constant 93 : i32
    %swap3A_587 = arith.index_cast %swap3A_586 : i32 to index
    %swap3A_588 = arith.constant 0 : index
    %swap3A_589 = tpu.vector_load %arg10[%swap3A_587, %swap3A_588] {strides = array<i32>} : memref<128x16xf32, #tpu.memory_space<vmem>>, vector<1x16xf32>,
    %swap3A_590 = vector.shape_cast %swap3A_589 : vector<1x16xf32> to vector<16xf32>
    %swap3A_591 = vector.shape_cast %broadcast_in_dim3A_28 : vector<16xf32> to vector<1x16xf32>
    tpu.vector_store %arg10[%swap3A_587, %swap3A_588], %swap3A_591 {strides = array<i32>} : memref<128x16xf32, #tpu.memory_space<vmem>>, vector<1x16xf32>,
    %swap3A_592 = arith.constant 94 : i32
    %swap3A_593 = arith.index_cast %swap3A_592 : i32 to index
    %swap3A_594 = arith.constant 0 : index
    %swap3A_595 = tpu.vector_load %arg10[%swap3A_593, %swap3A_594] {strides = array<i32>} : memref<128x16xf32, #tpu.memory_space<vmem>>, vector<1x16xf32>,
    %swap3A_596 = vector.shape_cast %swap3A_595 : vector<1x16xf32> to vector<16xf32>
    %swap3A_597 = vector.shape_cast %broadcast_in_dim3A_28 : vector<16xf32> to vector<1x16xf32>
    tpu.vector_store %arg10[%swap3A_593, %swap3A_594], %swap3A_597 {strides = array<i32>} : memref<128x16xf32, #tpu.memory_space<vmem>>, vector<1x16xf32>,
    %swap3A_598 = arith.constant 95 : i32
    %swap3A_599 = arith.index_cast %swap3A_598 : i32 to index
    %swap3A_600 = arith.constant 0 : index
    %swap3A_601 = tpu.vector_load %arg10[%swap3A_599, %swap3A_600] {strides = array<i32>} : memref<128x16xf32, #tpu.memory_space<vmem>>, vector<1x16xf32>,
    %swap3A_602 = vector.shape_cast %swap3A_601 : vector<1x16xf32> to vector<16xf32>
    %swap3A_603 = vector.shape_cast %broadcast_in_dim3A_28 : vector<16xf32> to vector<1x16xf32>
    tpu.vector_store %arg10[%swap3A_599, %swap3A_600], %swap3A_603 {strides = array<i32>} : memref<128x16xf32, #tpu.memory_space<vmem>>, vector<1x16xf32>,
    %swap3A_604 = arith.constant 96 : i32
    %swap3A_605 = arith.index_cast %swap3A_604 : i32 to index
    %swap3A_606 = arith.constant 0 : index
    %swap3A_607 = tpu.vector_load %arg10[%swap3A_605, %swap3A_606] {strides = array<i32>} : memref<128x16xf32, #tpu.memory_space<vmem>>, vector<1x16xf32>,
    %swap3A_608 = vector.shape_cast %swap3A_607 : vector<1x16xf32> to vector<16xf32>
    %swap3A_609 = vector.shape_cast %broadcast_in_dim3A_28 : vector<16xf32> to vector<1x16xf32>
    tpu.vector_store %arg10[%swap3A_605, %swap3A_606], %swap3A_609 {strides = array<i32>} : memref<128x16xf32, #tpu.memory_space<vmem>>, vector<1x16xf32>,
    %swap3A_610 = arith.constant 97 : i32
    %swap3A_611 = arith.index_cast %swap3A_610 : i32 to index
    %swap3A_612 = arith.constant 0 : index
    %swap3A_613 = tpu.vector_load %arg10[%swap3A_611, %swap3A_612] {strides = array<i32>} : memref<128x16xf32, #tpu.memory_space<vmem>>, vector<1x16xf32>,
    %swap3A_614 = vector.shape_cast %swap3A_613 : vector<1x16xf32> to vector<16xf32>
    %swap3A_615 = vector.shape_cast %broadcast_in_dim3A_28 : vector<16xf32> to vector<1x16xf32>
    tpu.vector_store %arg10[%swap3A_611, %swap3A_612], %swap3A_615 {strides = array<i32>} : memref<128x16xf32, #tpu.memory_space<vmem>>, vector<1x16xf32>,
    %swap3A_616 = arith.constant 98 : i32
    %swap3A_617 = arith.index_cast %swap3A_616 : i32 to index
    %swap3A_618 = arith.constant 0 : index
    %swap3A_619 = tpu.vector_load %arg10[%swap3A_617, %swap3A_618] {strides = array<i32>} : memref<128x16xf32, #tpu.memory_space<vmem>>, vector<1x16xf32>,
    %swap3A_620 = vector.shape_cast %swap3A_619 : vector<1x16xf32> to vector<16xf32>
    %swap3A_621 = vector.shape_cast %broadcast_in_dim3A_28 : vector<16xf32> to vector<1x16xf32>
    tpu.vector_store %arg10[%swap3A_617, %swap3A_618], %swap3A_621 {strides = array<i32>} : memref<128x16xf32, #tpu.memory_space<vmem>>, vector<1x16xf32>,
    %swap3A_622 = arith.constant 99 : i32
    %swap3A_623 = arith.index_cast %swap3A_622 : i32 to index
    %swap3A_624 = arith.constant 0 : index
    %swap3A_625 = tpu.vector_load %arg10[%swap3A_623, %swap3A_624] {strides = array<i32>} : memref<128x16xf32, #tpu.memory_space<vmem>>, vector<1x16xf32>,
    %swap3A_626 = vector.shape_cast %swap3A_625 : vector<1x16xf32> to vector<16xf32>
    %swap3A_627 = vector.shape_cast %broadcast_in_dim3A_28 : vector<16xf32> to vector<1x16xf32>
    tpu.vector_store %arg10[%swap3A_623, %swap3A_624], %swap3A_627 {strides = array<i32>} : memref<128x16xf32, #tpu.memory_space<vmem>>, vector<1x16xf32>,
    %swap3A_628 = arith.constant 100 : i32
    %swap3A_629 = arith.index_cast %swap3A_628 : i32 to index
    %swap3A_630 = arith.constant 0 : index
    %swap3A_631 = tpu.vector_load %arg10[%swap3A_629, %swap3A_630] {strides = array<i32>} : memref<128x16xf32, #tpu.memory_space<vmem>>, vector<1x16xf32>,
    %swap3A_632 = vector.shape_cast %swap3A_631 : vector<1x16xf32> to vector<16xf32>
    %swap3A_633 = vector.shape_cast %broadcast_in_dim3A_28 : vector<16xf32> to vector<1x16xf32>
    tpu.vector_store %arg10[%swap3A_629, %swap3A_630], %swap3A_633 {strides = array<i32>} : memref<128x16xf32, #tpu.memory_space<vmem>>, vector<1x16xf32>,
    %swap3A_634 = arith.constant 101 : i32
    %swap3A_635 = arith.index_cast %swap3A_634 : i32 to index
    %swap3A_636 = arith.constant 0 : index
    %swap3A_637 = tpu.vector_load %arg10[%swap3A_635, %swap3A_636] {strides = array<i32>} : memref<128x16xf32, #tpu.memory_space<vmem>>, vector<1x16xf32>,
    %swap3A_638 = vector.shape_cast %swap3A_637 : vector<1x16xf32> to vector<16xf32>
    %swap3A_639 = vector.shape_cast %broadcast_in_dim3A_28 : vector<16xf32> to vector<1x16xf32>
    tpu.vector_store %arg10[%swap3A_635, %swap3A_636], %swap3A_639 {strides = array<i32>} : memref<128x16xf32, #tpu.memory_space<vmem>>, vector<1x16xf32>,
    %swap3A_640 = arith.constant 102 : i32
    %swap3A_641 = arith.index_cast %swap3A_640 : i32 to index
    %swap3A_642 = arith.constant 0 : index
    %swap3A_643 = tpu.vector_load %arg10[%swap3A_641, %swap3A_642] {strides = array<i32>} : memref<128x16xf32, #tpu.memory_space<vmem>>, vector<1x16xf32>,
    %swap3A_644 = vector.shape_cast %swap3A_643 : vector<1x16xf32> to vector<16xf32>
    %swap3A_645 = vector.shape_cast %broadcast_in_dim3A_28 : vector<16xf32> to vector<1x16xf32>
    tpu.vector_store %arg10[%swap3A_641, %swap3A_642], %swap3A_645 {strides = array<i32>} : memref<128x16xf32, #tpu.memory_space<vmem>>, vector<1x16xf32>,
    %swap3A_646 = arith.constant 103 : i32
    %swap3A_647 = arith.index_cast %swap3A_646 : i32 to index
    %swap3A_648 = arith.constant 0 : index
    %swap3A_649 = tpu.vector_load %arg10[%swap3A_647, %swap3A_648] {strides = array<i32>} : memref<128x16xf32, #tpu.memory_space<vmem>>, vector<1x16xf32>,
    %swap3A_650 = vector.shape_cast %swap3A_649 : vector<1x16xf32> to vector<16xf32>
    %swap3A_651 = vector.shape_cast %broadcast_in_dim3A_28 : vector<16xf32> to vector<1x16xf32>
    tpu.vector_store %arg10[%swap3A_647, %swap3A_648], %swap3A_651 {strides = array<i32>} : memref<128x16xf32, #tpu.memory_space<vmem>>, vector<1x16xf32>,
    %swap3A_652 = arith.constant 104 : i32
    %swap3A_653 = arith.index_cast %swap3A_652 : i32 to index
    %swap3A_654 = arith.constant 0 : index
    %swap3A_655 = tpu.vector_load %arg10[%swap3A_653, %swap3A_654] {strides = array<i32>} : memref<128x16xf32, #tpu.memory_space<vmem>>, vector<1x16xf32>,
    %swap3A_656 = vector.shape_cast %swap3A_655 : vector<1x16xf32> to vector<16xf32>
    %swap3A_657 = vector.shape_cast %broadcast_in_dim3A_28 : vector<16xf32> to vector<1x16xf32>
    tpu.vector_store %arg10[%swap3A_653, %swap3A_654], %swap3A_657 {strides = array<i32>} : memref<128x16xf32, #tpu.memory_space<vmem>>, vector<1x16xf32>,
    %swap3A_658 = arith.constant 105 : i32
    %swap3A_659 = arith.index_cast %swap3A_658 : i32 to index
    %swap3A_660 = arith.constant 0 : index
    %swap3A_661 = tpu.vector_load %arg10[%swap3A_659, %swap3A_660] {strides = array<i32>} : memref<128x16xf32, #tpu.memory_space<vmem>>, vector<1x16xf32>,
    %swap3A_662 = vector.shape_cast %swap3A_661 : vector<1x16xf32> to vector<16xf32>
    %swap3A_663 = vector.shape_cast %broadcast_in_dim3A_28 : vector<16xf32> to vector<1x16xf32>
    tpu.vector_store %arg10[%swap3A_659, %swap3A_660], %swap3A_663 {strides = array<i32>} : memref<128x16xf32, #tpu.memory_space<vmem>>, vector<1x16xf32>,
    %swap3A_664 = arith.constant 106 : i32
    %swap3A_665 = arith.index_cast %swap3A_664 : i32 to index
    %swap3A_666 = arith.constant 0 : index
    %swap3A_667 = tpu.vector_load %arg10[%swap3A_665, %swap3A_666] {strides = array<i32>} : memref<128x16xf32, #tpu.memory_space<vmem>>, vector<1x16xf32>,
    %swap3A_668 = vector.shape_cast %swap3A_667 : vector<1x16xf32> to vector<16xf32>
    %swap3A_669 = vector.shape_cast %broadcast_in_dim3A_28 : vector<16xf32> to vector<1x16xf32>
    tpu.vector_store %arg10[%swap3A_665, %swap3A_666], %swap3A_669 {strides = array<i32>} : memref<128x16xf32, #tpu.memory_space<vmem>>, vector<1x16xf32>,
    %swap3A_670 = arith.constant 107 : i32
    %swap3A_671 = arith.index_cast %swap3A_670 : i32 to index
    %swap3A_672 = arith.constant 0 : index
    %swap3A_673 = tpu.vector_load %arg10[%swap3A_671, %swap3A_672] {strides = array<i32>} : memref<128x16xf32, #tpu.memory_space<vmem>>, vector<1x16xf32>,
    %swap3A_674 = vector.shape_cast %swap3A_673 : vector<1x16xf32> to vector<16xf32>
    %swap3A_675 = vector.shape_cast %broadcast_in_dim3A_28 : vector<16xf32> to vector<1x16xf32>
    tpu.vector_store %arg10[%swap3A_671, %swap3A_672], %swap3A_675 {strides = array<i32>} : memref<128x16xf32, #tpu.memory_space<vmem>>, vector<1x16xf32>,
    %swap3A_676 = arith.constant 108 : i32
    %swap3A_677 = arith.index_cast %swap3A_676 : i32 to index
    %swap3A_678 = arith.constant 0 : index
    %swap3A_679 = tpu.vector_load %arg10[%swap3A_677, %swap3A_678] {strides = array<i32>} : memref<128x16xf32, #tpu.memory_space<vmem>>, vector<1x16xf32>,
    %swap3A_680 = vector.shape_cast %swap3A_679 : vector<1x16xf32> to vector<16xf32>
    %swap3A_681 = vector.shape_cast %broadcast_in_dim3A_28 : vector<16xf32> to vector<1x16xf32>
    tpu.vector_store %arg10[%swap3A_677, %swap3A_678], %swap3A_681 {strides = array<i32>} : memref<128x16xf32, #tpu.memory_space<vmem>>, vector<1x16xf32>,
    %swap3A_682 = arith.constant 109 : i32
    %swap3A_683 = arith.index_cast %swap3A_682 : i32 to index
    %swap3A_684 = arith.constant 0 : index
    %swap3A_685 = tpu.vector_load %arg10[%swap3A_683, %swap3A_684] {strides = array<i32>} : memref<128x16xf32, #tpu.memory_space<vmem>>, vector<1x16xf32>,
    %swap3A_686 = vector.shape_cast %swap3A_685 : vector<1x16xf32> to vector<16xf32>
    %swap3A_687 = vector.shape_cast %broadcast_in_dim3A_28 : vector<16xf32> to vector<1x16xf32>
    tpu.vector_store %arg10[%swap3A_683, %swap3A_684], %swap3A_687 {strides = array<i32>} : memref<128x16xf32, #tpu.memory_space<vmem>>, vector<1x16xf32>,
    %swap3A_688 = arith.constant 110 : i32
    %swap3A_689 = arith.index_cast %swap3A_688 : i32 to index
    %swap3A_690 = arith.constant 0 : index
    %swap3A_691 = tpu.vector_load %arg10[%swap3A_689, %swap3A_690] {strides = array<i32>} : memref<128x16xf32, #tpu.memory_space<vmem>>, vector<1x16xf32>,
    %swap3A_692 = vector.shape_cast %swap3A_691 : vector<1x16xf32> to vector<16xf32>
    %swap3A_693 = vector.shape_cast %broadcast_in_dim3A_28 : vector<16xf32> to vector<1x16xf32>
    tpu.vector_store %arg10[%swap3A_689, %swap3A_690], %swap3A_693 {strides = array<i32>} : memref<128x16xf32, #tpu.memory_space<vmem>>, vector<1x16xf32>,
    %swap3A_694 = arith.constant 111 : i32
    %swap3A_695 = arith.index_cast %swap3A_694 : i32 to index
    %swap3A_696 = arith.constant 0 : index
    %swap3A_697 = tpu.vector_load %arg10[%swap3A_695, %swap3A_696] {strides = array<i32>} : memref<128x16xf32, #tpu.memory_space<vmem>>, vector<1x16xf32>,
    %swap3A_698 = vector.shape_cast %swap3A_697 : vector<1x16xf32> to vector<16xf32>
    %swap3A_699 = vector.shape_cast %broadcast_in_dim3A_28 : vector<16xf32> to vector<1x16xf32>
    tpu.vector_store %arg10[%swap3A_695, %swap3A_696], %swap3A_699 {strides = array<i32>} : memref<128x16xf32, #tpu.memory_space<vmem>>, vector<1x16xf32>,
    %swap3A_700 = arith.constant 112 : i32
    %swap3A_701 = arith.index_cast %swap3A_700 : i32 to index
    %swap3A_702 = arith.constant 0 : index
    %swap3A_703 = tpu.vector_load %arg10[%swap3A_701, %swap3A_702] {strides = array<i32>} : memref<128x16xf32, #tpu.memory_space<vmem>>, vector<1x16xf32>,
    %swap3A_704 = vector.shape_cast %swap3A_703 : vector<1x16xf32> to vector<16xf32>
    %swap3A_705 = vector.shape_cast %broadcast_in_dim3A_28 : vector<16xf32> to vector<1x16xf32>
    tpu.vector_store %arg10[%swap3A_701, %swap3A_702], %swap3A_705 {strides = array<i32>} : memref<128x16xf32, #tpu.memory_space<vmem>>, vector<1x16xf32>,
    %swap3A_706 = arith.constant 113 : i32
    %swap3A_707 = arith.index_cast %swap3A_706 : i32 to index
    %swap3A_708 = arith.constant 0 : index
    %swap3A_709 = tpu.vector_load %arg10[%swap3A_707, %swap3A_708] {strides = array<i32>} : memref<128x16xf32, #tpu.memory_space<vmem>>, vector<1x16xf32>,
    %swap3A_710 = vector.shape_cast %swap3A_709 : vector<1x16xf32> to vector<16xf32>
    %swap3A_711 = vector.shape_cast %broadcast_in_dim3A_28 : vector<16xf32> to vector<1x16xf32>
    tpu.vector_store %arg10[%swap3A_707, %swap3A_708], %swap3A_711 {strides = array<i32>} : memref<128x16xf32, #tpu.memory_space<vmem>>, vector<1x16xf32>,
    %swap3A_712 = arith.constant 114 : i32
    %swap3A_713 = arith.index_cast %swap3A_712 : i32 to index
    %swap3A_714 = arith.constant 0 : index
    %swap3A_715 = tpu.vector_load %arg10[%swap3A_713, %swap3A_714] {strides = array<i32>} : memref<128x16xf32, #tpu.memory_space<vmem>>, vector<1x16xf32>,
    %swap3A_716 = vector.shape_cast %swap3A_715 : vector<1x16xf32> to vector<16xf32>
    %swap3A_717 = vector.shape_cast %broadcast_in_dim3A_28 : vector<16xf32> to vector<1x16xf32>
    tpu.vector_store %arg10[%swap3A_713, %swap3A_714], %swap3A_717 {strides = array<i32>} : memref<128x16xf32, #tpu.memory_space<vmem>>, vector<1x16xf32>,
    %swap3A_718 = arith.constant 115 : i32
    %swap3A_719 = arith.index_cast %swap3A_718 : i32 to index
    %swap3A_720 = arith.constant 0 : index
    %swap3A_721 = tpu.vector_load %arg10[%swap3A_719, %swap3A_720] {strides = array<i32>} : memref<128x16xf32, #tpu.memory_space<vmem>>, vector<1x16xf32>,
    %swap3A_722 = vector.shape_cast %swap3A_721 : vector<1x16xf32> to vector<16xf32>
    %swap3A_723 = vector.shape_cast %broadcast_in_dim3A_28 : vector<16xf32> to vector<1x16xf32>
    tpu.vector_store %arg10[%swap3A_719, %swap3A_720], %swap3A_723 {strides = array<i32>} : memref<128x16xf32, #tpu.memory_space<vmem>>, vector<1x16xf32>,
    %swap3A_724 = arith.constant 116 : i32
    %swap3A_725 = arith.index_cast %swap3A_724 : i32 to index
    %swap3A_726 = arith.constant 0 : index
    %swap3A_727 = tpu.vector_load %arg10[%swap3A_725, %swap3A_726] {strides = array<i32>} : memref<128x16xf32, #tpu.memory_space<vmem>>, vector<1x16xf32>,
    %swap3A_728 = vector.shape_cast %swap3A_727 : vector<1x16xf32> to vector<16xf32>
    %swap3A_729 = vector.shape_cast %broadcast_in_dim3A_28 : vector<16xf32> to vector<1x16xf32>
    tpu.vector_store %arg10[%swap3A_725, %swap3A_726], %swap3A_729 {strides = array<i32>} : memref<128x16xf32, #tpu.memory_space<vmem>>, vector<1x16xf32>,
    %swap3A_730 = arith.constant 117 : i32
    %swap3A_731 = arith.index_cast %swap3A_730 : i32 to index
    %swap3A_732 = arith.constant 0 : index
    %swap3A_733 = tpu.vector_load %arg10[%swap3A_731, %swap3A_732] {strides = array<i32>} : memref<128x16xf32, #tpu.memory_space<vmem>>, vector<1x16xf32>,
    %swap3A_734 = vector.shape_cast %swap3A_733 : vector<1x16xf32> to vector<16xf32>
    %swap3A_735 = vector.shape_cast %broadcast_in_dim3A_28 : vector<16xf32> to vector<1x16xf32>
    tpu.vector_store %arg10[%swap3A_731, %swap3A_732], %swap3A_735 {strides = array<i32>} : memref<128x16xf32, #tpu.memory_space<vmem>>, vector<1x16xf32>,
    %swap3A_736 = arith.constant 118 : i32
    %swap3A_737 = arith.index_cast %swap3A_736 : i32 to index
    %swap3A_738 = arith.constant 0 : index
    %swap3A_739 = tpu.vector_load %arg10[%swap3A_737, %swap3A_738] {strides = array<i32>} : memref<128x16xf32, #tpu.memory_space<vmem>>, vector<1x16xf32>,
    %swap3A_740 = vector.shape_cast %swap3A_739 : vector<1x16xf32> to vector<16xf32>
    %swap3A_741 = vector.shape_cast %broadcast_in_dim3A_28 : vector<16xf32> to vector<1x16xf32>
    tpu.vector_store %arg10[%swap3A_737, %swap3A_738], %swap3A_741 {strides = array<i32>} : memref<128x16xf32, #tpu.memory_space<vmem>>, vector<1x16xf32>,
    %swap3A_742 = arith.constant 119 : i32
    %swap3A_743 = arith.index_cast %swap3A_742 : i32 to index
    %swap3A_744 = arith.constant 0 : index
    %swap3A_745 = tpu.vector_load %arg10[%swap3A_743, %swap3A_744] {strides = array<i32>} : memref<128x16xf32, #tpu.memory_space<vmem>>, vector<1x16xf32>,
    %swap3A_746 = vector.shape_cast %swap3A_745 : vector<1x16xf32> to vector<16xf32>
    %swap3A_747 = vector.shape_cast %broadcast_in_dim3A_28 : vector<16xf32> to vector<1x16xf32>
    tpu.vector_store %arg10[%swap3A_743, %swap3A_744], %swap3A_747 {strides = array<i32>} : memref<128x16xf32, #tpu.memory_space<vmem>>, vector<1x16xf32>,
    %swap3A_748 = arith.constant 120 : i32
    %swap3A_749 = arith.index_cast %swap3A_748 : i32 to index
    %swap3A_750 = arith.constant 0 : index
    %swap3A_751 = tpu.vector_load %arg10[%swap3A_749, %swap3A_750] {strides = array<i32>} : memref<128x16xf32, #tpu.memory_space<vmem>>, vector<1x16xf32>,
    %swap3A_752 = vector.shape_cast %swap3A_751 : vector<1x16xf32> to vector<16xf32>
    %swap3A_753 = vector.shape_cast %broadcast_in_dim3A_28 : vector<16xf32> to vector<1x16xf32>
    tpu.vector_store %arg10[%swap3A_749, %swap3A_750], %swap3A_753 {strides = array<i32>} : memref<128x16xf32, #tpu.memory_space<vmem>>, vector<1x16xf32>,
    %swap3A_754 = arith.constant 121 : i32
    %swap3A_755 = arith.index_cast %swap3A_754 : i32 to index
    %swap3A_756 = arith.constant 0 : index
    %swap3A_757 = tpu.vector_load %arg10[%swap3A_755, %swap3A_756] {strides = array<i32>} : memref<128x16xf32, #tpu.memory_space<vmem>>, vector<1x16xf32>,
    %swap3A_758 = vector.shape_cast %swap3A_757 : vector<1x16xf32> to vector<16xf32>
    %swap3A_759 = vector.shape_cast %broadcast_in_dim3A_28 : vector<16xf32> to vector<1x16xf32>
    tpu.vector_store %arg10[%swap3A_755, %swap3A_756], %swap3A_759 {strides = array<i32>} : memref<128x16xf32, #tpu.memory_space<vmem>>, vector<1x16xf32>,
    %swap3A_760 = arith.constant 122 : i32
    %swap3A_761 = arith.index_cast %swap3A_760 : i32 to index
    %swap3A_762 = arith.constant 0 : index
    %swap3A_763 = tpu.vector_load %arg10[%swap3A_761, %swap3A_762] {strides = array<i32>} : memref<128x16xf32, #tpu.memory_space<vmem>>, vector<1x16xf32>,
    %swap3A_764 = vector.shape_cast %swap3A_763 : vector<1x16xf32> to vector<16xf32>
    %swap3A_765 = vector.shape_cast %broadcast_in_dim3A_28 : vector<16xf32> to vector<1x16xf32>
    tpu.vector_store %arg10[%swap3A_761, %swap3A_762], %swap3A_765 {strides = array<i32>} : memref<128x16xf32, #tpu.memory_space<vmem>>, vector<1x16xf32>,
    %swap3A_766 = arith.constant 123 : i32
    %swap3A_767 = arith.index_cast %swap3A_766 : i32 to index
    %swap3A_768 = arith.constant 0 : index
    %swap3A_769 = tpu.vector_load %arg10[%swap3A_767, %swap3A_768] {strides = array<i32>} : memref<128x16xf32, #tpu.memory_space<vmem>>, vector<1x16xf32>,
    %swap3A_770 = vector.shape_cast %swap3A_769 : vector<1x16xf32> to vector<16xf32>
    %swap3A_771 = vector.shape_cast %broadcast_in_dim3A_28 : vector<16xf32> to vector<1x16xf32>
    tpu.vector_store %arg10[%swap3A_767, %swap3A_768], %swap3A_771 {strides = array<i32>} : memref<128x16xf32, #tpu.memory_space<vmem>>, vector<1x16xf32>,
    %swap3A_772 = arith.constant 124 : i32
    %swap3A_773 = arith.index_cast %swap3A_772 : i32 to index
    %swap3A_774 = arith.constant 0 : index
    %swap3A_775 = tpu.vector_load %arg10[%swap3A_773, %swap3A_774] {strides = array<i32>} : memref<128x16xf32, #tpu.memory_space<vmem>>, vector<1x16xf32>,
    %swap3A_776 = vector.shape_cast %swap3A_775 : vector<1x16xf32> to vector<16xf32>
    %swap3A_777 = vector.shape_cast %broadcast_in_dim3A_28 : vector<16xf32> to vector<1x16xf32>
    tpu.vector_store %arg10[%swap3A_773, %swap3A_774], %swap3A_777 {strides = array<i32>} : memref<128x16xf32, #tpu.memory_space<vmem>>, vector<1x16xf32>,
    %swap3A_778 = arith.constant 125 : i32
    %swap3A_779 = arith.index_cast %swap3A_778 : i32 to index
    %swap3A_780 = arith.constant 0 : index
    %swap3A_781 = tpu.vector_load %arg10[%swap3A_779, %swap3A_780] {strides = array<i32>} : memref<128x16xf32, #tpu.memory_space<vmem>>, vector<1x16xf32>,
    %swap3A_782 = vector.shape_cast %swap3A_781 : vector<1x16xf32> to vector<16xf32>
    %swap3A_783 = vector.shape_cast %broadcast_in_dim3A_28 : vector<16xf32> to vector<1x16xf32>
    tpu.vector_store %arg10[%swap3A_779, %swap3A_780], %swap3A_783 {strides = array<i32>} : memref<128x16xf32, #tpu.memory_space<vmem>>, vector<1x16xf32>,
    %swap3A_784 = arith.constant 126 : i32
    %swap3A_785 = arith.index_cast %swap3A_784 : i32 to index
    %swap3A_786 = arith.constant 0 : index
    %swap3A_787 = tpu.vector_load %arg10[%swap3A_785, %swap3A_786] {strides = array<i32>} : memref<128x16xf32, #tpu.memory_space<vmem>>, vector<1x16xf32>,
    %swap3A_788 = vector.shape_cast %swap3A_787 : vector<1x16xf32> to vector<16xf32>
    %swap3A_789 = vector.shape_cast %broadcast_in_dim3A_28 : vector<16xf32> to vector<1x16xf32>
    tpu.vector_store %arg10[%swap3A_785, %swap3A_786], %swap3A_789 {strides = array<i32>} : memref<128x16xf32, #tpu.memory_space<vmem>>, vector<1x16xf32>,
    %swap3A_790 = arith.constant 127 : i32
    %swap3A_791 = arith.index_cast %swap3A_790 : i32 to index
    %swap3A_792 = arith.constant 0 : index
    %swap3A_793 = tpu.vector_load %arg10[%swap3A_791, %swap3A_792] {strides = array<i32>} : memref<128x16xf32, #tpu.memory_space<vmem>>, vector<1x16xf32>,
    %swap3A_794 = vector.shape_cast %swap3A_793 : vector<1x16xf32> to vector<16xf32>
    %swap3A_795 = vector.shape_cast %broadcast_in_dim3A_28 : vector<16xf32> to vector<1x16xf32>
    tpu.vector_store %arg10[%swap3A_791, %swap3A_792], %swap3A_795 {strides = array<i32>} : memref<128x16xf32, #tpu.memory_space<vmem>>, vector<1x16xf32>,
    %eq3A = arith.constant 0 : i32
    %eq3A_796 = arith.cmpi eq, %arg1, %eq3A : i32
    %convert_element_type3A = arith.extui %eq3A_796 : i1 to i32
    %cond3A = arith.constant 0 : i32
    %cond3A_797 = arith.cmpi ne, %convert_element_type3A, %cond3A : i32
    scf.if %cond3A_797 {
      %broadcast_in_dim3A_874 = arith.constant 0.000000e+00 : f32
      %broadcast_in_dim3A_875 = vector.broadcast %broadcast_in_dim3A_874 : f32 to vector<16xf32>
      %swap3A_876 = arith.constant 0 : i32
      %swap3A_877 = arith.index_cast %swap3A_876 : i32 to index
      %swap3A_878 = arith.constant 0 : index
      %swap3A_879 = tpu.vector_load %arg11[%swap3A_877, %swap3A_878] {strides = array<i32>} : memref<16x128xf32, #tpu.memory_space<vmem>>, vector<1x16xf32>,
      %swap3A_880 = vector.shape_cast %swap3A_879 : vector<1x16xf32> to vector<16xf32>
      %swap3A_881 = vector.shape_cast %broadcast_in_dim3A_875 : vector<16xf32> to vector<1x16xf32>
      tpu.vector_store %arg11[%swap3A_877, %swap3A_878], %swap3A_881 {strides = array<i32>} : memref<16x128xf32, #tpu.memory_space<vmem>>, vector<1x16xf32>,
      %swap3A_882 = arith.constant 0 : i32
      %swap3A_883 = arith.index_cast %swap3A_882 : i32 to index
      %swap3A_884 = arith.constant 16 : index
      %swap3A_885 = tpu.vector_load %arg11[%swap3A_883, %swap3A_884] {strides = array<i32>} : memref<16x128xf32, #tpu.memory_space<vmem>>, vector<1x16xf32>,
      %swap3A_886 = vector.shape_cast %swap3A_885 : vector<1x16xf32> to vector<16xf32>
      %swap3A_887 = vector.shape_cast %broadcast_in_dim3A_875 : vector<16xf32> to vector<1x16xf32>
      tpu.vector_store %arg11[%swap3A_883, %swap3A_884], %swap3A_887 {strides = array<i32>} : memref<16x128xf32, #tpu.memory_space<vmem>>, vector<1x16xf32>,
      %swap3A_888 = arith.constant 0 : i32
      %swap3A_889 = arith.index_cast %swap3A_888 : i32 to index
      %swap3A_890 = arith.constant 32 : index
      %swap3A_891 = tpu.vector_load %arg11[%swap3A_889, %swap3A_890] {strides = array<i32>} : memref<16x128xf32, #tpu.memory_space<vmem>>, vector<1x16xf32>,
      %swap3A_892 = vector.shape_cast %swap3A_891 : vector<1x16xf32> to vector<16xf32>
      %swap3A_893 = vector.shape_cast %broadcast_in_dim3A_875 : vector<16xf32> to vector<1x16xf32>
      tpu.vector_store %arg11[%swap3A_889, %swap3A_890], %swap3A_893 {strides = array<i32>} : memref<16x128xf32, #tpu.memory_space<vmem>>, vector<1x16xf32>,
      %swap3A_894 = arith.constant 0 : i32
      %swap3A_895 = arith.index_cast %swap3A_894 : i32 to index
      %swap3A_896 = arith.constant 48 : index
      %swap3A_897 = tpu.vector_load %arg11[%swap3A_895, %swap3A_896] {strides = array<i32>} : memref<16x128xf32, #tpu.memory_space<vmem>>, vector<1x16xf32>,
      %swap3A_898 = vector.shape_cast %swap3A_897 : vector<1x16xf32> to vector<16xf32>
      %swap3A_899 = vector.shape_cast %broadcast_in_dim3A_875 : vector<16xf32> to vector<1x16xf32>
      tpu.vector_store %arg11[%swap3A_895, %swap3A_896], %swap3A_899 {strides = array<i32>} : memref<16x128xf32, #tpu.memory_space<vmem>>, vector<1x16xf32>,
      %swap3A_900 = arith.constant 0 : i32
      %swap3A_901 = arith.index_cast %swap3A_900 : i32 to index
      %swap3A_902 = arith.constant 64 : index
      %swap3A_903 = tpu.vector_load %arg11[%swap3A_901, %swap3A_902] {strides = array<i32>} : memref<16x128xf32, #tpu.memory_space<vmem>>, vector<1x16xf32>,
      %swap3A_904 = vector.shape_cast %swap3A_903 : vector<1x16xf32> to vector<16xf32>
      %swap3A_905 = vector.shape_cast %broadcast_in_dim3A_875 : vector<16xf32> to vector<1x16xf32>
      tpu.vector_store %arg11[%swap3A_901, %swap3A_902], %swap3A_905 {strides = array<i32>} : memref<16x128xf32, #tpu.memory_space<vmem>>, vector<1x16xf32>,
      %swap3A_906 = arith.constant 0 : i32
      %swap3A_907 = arith.index_cast %swap3A_906 : i32 to index
      %swap3A_908 = arith.constant 80 : index
      %swap3A_909 = tpu.vector_load %arg11[%swap3A_907, %swap3A_908] {strides = array<i32>} : memref<16x128xf32, #tpu.memory_space<vmem>>, vector<1x16xf32>,
      %swap3A_910 = vector.shape_cast %swap3A_909 : vector<1x16xf32> to vector<16xf32>
      %swap3A_911 = vector.shape_cast %broadcast_in_dim3A_875 : vector<16xf32> to vector<1x16xf32>
      tpu.vector_store %arg11[%swap3A_907, %swap3A_908], %swap3A_911 {strides = array<i32>} : memref<16x128xf32, #tpu.memory_space<vmem>>, vector<1x16xf32>,
      %swap3A_912 = arith.constant 0 : i32
      %swap3A_913 = arith.index_cast %swap3A_912 : i32 to index
      %swap3A_914 = arith.constant 96 : index
      %swap3A_915 = tpu.vector_load %arg11[%swap3A_913, %swap3A_914] {strides = array<i32>} : memref<16x128xf32, #tpu.memory_space<vmem>>, vector<1x16xf32>,
      %swap3A_916 = vector.shape_cast %swap3A_915 : vector<1x16xf32> to vector<16xf32>
      %swap3A_917 = vector.shape_cast %broadcast_in_dim3A_875 : vector<16xf32> to vector<1x16xf32>
      tpu.vector_store %arg11[%swap3A_913, %swap3A_914], %swap3A_917 {strides = array<i32>} : memref<16x128xf32, #tpu.memory_space<vmem>>, vector<1x16xf32>,
      %swap3A_918 = arith.constant 0 : i32
      %swap3A_919 = arith.index_cast %swap3A_918 : i32 to index
      %swap3A_920 = arith.constant 112 : index
      %swap3A_921 = tpu.vector_load %arg11[%swap3A_919, %swap3A_920] {strides = array<i32>} : memref<16x128xf32, #tpu.memory_space<vmem>>, vector<1x16xf32>,
      %swap3A_922 = vector.shape_cast %swap3A_921 : vector<1x16xf32> to vector<16xf32>
      %swap3A_923 = vector.shape_cast %broadcast_in_dim3A_875 : vector<16xf32> to vector<1x16xf32>
      tpu.vector_store %arg11[%swap3A_919, %swap3A_920], %swap3A_923 {strides = array<i32>} : memref<16x128xf32, #tpu.memory_space<vmem>>, vector<1x16xf32>,
      %swap3A_924 = arith.constant 0 : i32
      %swap3A_925 = arith.index_cast %swap3A_924 : i32 to index
      %swap3A_926 = arith.constant 0 : index
      %swap3A_927 = tpu.vector_load %arg12[%swap3A_925, %swap3A_926] {strides = array<i32>} : memref<16x16xf32, #tpu.memory_space<vmem>>, vector<1x16xf32>,
      %swap3A_928 = vector.shape_cast %swap3A_927 : vector<1x16xf32> to vector<16xf32>
      %swap3A_929 = vector.shape_cast %broadcast_in_dim3A_875 : vector<16xf32> to vector<1x16xf32>
      tpu.vector_store %arg12[%swap3A_925, %swap3A_926], %swap3A_929 {strides = array<i32>} : memref<16x16xf32, #tpu.memory_space<vmem>>, vector<1x16xf32>,
      %swap3A_930 = arith.constant 1 : i32
      %swap3A_931 = arith.index_cast %swap3A_930 : i32 to index
      %swap3A_932 = arith.constant 0 : index
      %swap3A_933 = tpu.vector_load %arg11[%swap3A_931, %swap3A_932] {strides = array<i32>} : memref<16x128xf32, #tpu.memory_space<vmem>>, vector<1x16xf32>,
      %swap3A_934 = vector.shape_cast %swap3A_933 : vector<1x16xf32> to vector<16xf32>
      %swap3A_935 = vector.shape_cast %broadcast_in_dim3A_875 : vector<16xf32> to vector<1x16xf32>
      tpu.vector_store %arg11[%swap3A_931, %swap3A_932], %swap3A_935 {strides = array<i32>} : memref<16x128xf32, #tpu.memory_space<vmem>>, vector<1x16xf32>,
      %swap3A_936 = arith.constant 1 : i32
      %swap3A_937 = arith.index_cast %swap3A_936 : i32 to index
      %swap3A_938 = arith.constant 16 : index
      %swap3A_939 = tpu.vector_load %arg11[%swap3A_937, %swap3A_938] {strides = array<i32>} : memref<16x128xf32, #tpu.memory_space<vmem>>, vector<1x16xf32>,
      %swap3A_940 = vector.shape_cast %swap3A_939 : vector<1x16xf32> to vector<16xf32>
      %swap3A_941 = vector.shape_cast %broadcast_in_dim3A_875 : vector<16xf32> to vector<1x16xf32>
      tpu.vector_store %arg11[%swap3A_937, %swap3A_938], %swap3A_941 {strides = array<i32>} : memref<16x128xf32, #tpu.memory_space<vmem>>, vector<1x16xf32>,
      %swap3A_942 = arith.constant 1 : i32
      %swap3A_943 = arith.index_cast %swap3A_942 : i32 to index
      %swap3A_944 = arith.constant 32 : index
      %swap3A_945 = tpu.vector_load %arg11[%swap3A_943, %swap3A_944] {strides = array<i32>} : memref<16x128xf32, #tpu.memory_space<vmem>>, vector<1x16xf32>,
      %swap3A_946 = vector.shape_cast %swap3A_945 : vector<1x16xf32> to vector<16xf32>
      %swap3A_947 = vector.shape_cast %broadcast_in_dim3A_875 : vector<16xf32> to vector<1x16xf32>
      tpu.vector_store %arg11[%swap3A_943, %swap3A_944], %swap3A_947 {strides = array<i32>} : memref<16x128xf32, #tpu.memory_space<vmem>>, vector<1x16xf32>,
      %swap3A_948 = arith.constant 1 : i32
      %swap3A_949 = arith.index_cast %swap3A_948 : i32 to index
      %swap3A_950 = arith.constant 48 : index
      %swap3A_951 = tpu.vector_load %arg11[%swap3A_949, %swap3A_950] {strides = array<i32>} : memref<16x128xf32, #tpu.memory_space<vmem>>, vector<1x16xf32>,
      %swap3A_952 = vector.shape_cast %swap3A_951 : vector<1x16xf32> to vector<16xf32>
      %swap3A_953 = vector.shape_cast %broadcast_in_dim3A_875 : vector<16xf32> to vector<1x16xf32>
      tpu.vector_store %arg11[%swap3A_949, %swap3A_950], %swap3A_953 {strides = array<i32>} : memref<16x128xf32, #tpu.memory_space<vmem>>, vector<1x16xf32>,
      %swap3A_954 = arith.constant 1 : i32
      %swap3A_955 = arith.index_cast %swap3A_954 : i32 to index
      %swap3A_956 = arith.constant 64 : index
      %swap3A_957 = tpu.vector_load %arg11[%swap3A_955, %swap3A_956] {strides = array<i32>} : memref<16x128xf32, #tpu.memory_space<vmem>>, vector<1x16xf32>,
      %swap3A_958 = vector.shape_cast %swap3A_957 : vector<1x16xf32> to vector<16xf32>
      %swap3A_959 = vector.shape_cast %broadcast_in_dim3A_875 : vector<16xf32> to vector<1x16xf32>
      tpu.vector_store %arg11[%swap3A_955, %swap3A_956], %swap3A_959 {strides = array<i32>} : memref<16x128xf32, #tpu.memory_space<vmem>>, vector<1x16xf32>,
      %swap3A_960 = arith.constant 1 : i32
      %swap3A_961 = arith.index_cast %swap3A_960 : i32 to index
      %swap3A_962 = arith.constant 80 : index
      %swap3A_963 = tpu.vector_load %arg11[%swap3A_961, %swap3A_962] {strides = array<i32>} : memref<16x128xf32, #tpu.memory_space<vmem>>, vector<1x16xf32>,
      %swap3A_964 = vector.shape_cast %swap3A_963 : vector<1x16xf32> to vector<16xf32>
      %swap3A_965 = vector.shape_cast %broadcast_in_dim3A_875 : vector<16xf32> to vector<1x16xf32>
      tpu.vector_store %arg11[%swap3A_961, %swap3A_962], %swap3A_965 {strides = array<i32>} : memref<16x128xf32, #tpu.memory_space<vmem>>, vector<1x16xf32>,
      %swap3A_966 = arith.constant 1 : i32
      %swap3A_967 = arith.index_cast %swap3A_966 : i32 to index
      %swap3A_968 = arith.constant 96 : index
      %swap3A_969 = tpu.vector_load %arg11[%swap3A_967, %swap3A_968] {strides = array<i32>} : memref<16x128xf32, #tpu.memory_space<vmem>>, vector<1x16xf32>,
      %swap3A_970 = vector.shape_cast %swap3A_969 : vector<1x16xf32> to vector<16xf32>
      %swap3A_971 = vector.shape_cast %broadcast_in_dim3A_875 : vector<16xf32> to vector<1x16xf32>
      tpu.vector_store %arg11[%swap3A_967, %swap3A_968], %swap3A_971 {strides = array<i32>} : memref<16x128xf32, #tpu.memory_space<vmem>>, vector<1x16xf32>,
      %swap3A_972 = arith.constant 1 : i32
      %swap3A_973 = arith.index_cast %swap3A_972 : i32 to index
      %swap3A_974 = arith.constant 112 : index
      %swap3A_975 = tpu.vector_load %arg11[%swap3A_973, %swap3A_974] {strides = array<i32>} : memref<16x128xf32, #tpu.memory_space<vmem>>, vector<1x16xf32>,
      %swap3A_976 = vector.shape_cast %swap3A_975 : vector<1x16xf32> to vector<16xf32>
      %swap3A_977 = vector.shape_cast %broadcast_in_dim3A_875 : vector<16xf32> to vector<1x16xf32>
      tpu.vector_store %arg11[%swap3A_973, %swap3A_974], %swap3A_977 {strides = array<i32>} : memref<16x128xf32, #tpu.memory_space<vmem>>, vector<1x16xf32>,
      %swap3A_978 = arith.constant 1 : i32
      %swap3A_979 = arith.index_cast %swap3A_978 : i32 to index
      %swap3A_980 = arith.constant 0 : index
      %swap3A_981 = tpu.vector_load %arg12[%swap3A_979, %swap3A_980] {strides = array<i32>} : memref<16x16xf32, #tpu.memory_space<vmem>>, vector<1x16xf32>,
      %swap3A_982 = vector.shape_cast %swap3A_981 : vector<1x16xf32> to vector<16xf32>
      %swap3A_983 = vector.shape_cast %broadcast_in_dim3A_875 : vector<16xf32> to vector<1x16xf32>
      tpu.vector_store %arg12[%swap3A_979, %swap3A_980], %swap3A_983 {strides = array<i32>} : memref<16x16xf32, #tpu.memory_space<vmem>>, vector<1x16xf32>,
      %swap3A_984 = arith.constant 2 : i32
      %swap3A_985 = arith.index_cast %swap3A_984 : i32 to index
      %swap3A_986 = arith.constant 0 : index
      %swap3A_987 = tpu.vector_load %arg11[%swap3A_985, %swap3A_986] {strides = array<i32>} : memref<16x128xf32, #tpu.memory_space<vmem>>, vector<1x16xf32>,
      %swap3A_988 = vector.shape_cast %swap3A_987 : vector<1x16xf32> to vector<16xf32>
      %swap3A_989 = vector.shape_cast %broadcast_in_dim3A_875 : vector<16xf32> to vector<1x16xf32>
      tpu.vector_store %arg11[%swap3A_985, %swap3A_986], %swap3A_989 {strides = array<i32>} : memref<16x128xf32, #tpu.memory_space<vmem>>, vector<1x16xf32>,
      %swap3A_990 = arith.constant 2 : i32
      %swap3A_991 = arith.index_cast %swap3A_990 : i32 to index
      %swap3A_992 = arith.constant 16 : index
      %swap3A_993 = tpu.vector_load %arg11[%swap3A_991, %swap3A_992] {strides = array<i32>} : memref<16x128xf32, #tpu.memory_space<vmem>>, vector<1x16xf32>,
      %swap3A_994 = vector.shape_cast %swap3A_993 : vector<1x16xf32> to vector<16xf32>
      %swap3A_995 = vector.shape_cast %broadcast_in_dim3A_875 : vector<16xf32> to vector<1x16xf32>
      tpu.vector_store %arg11[%swap3A_991, %swap3A_992], %swap3A_995 {strides = array<i32>} : memref<16x128xf32, #tpu.memory_space<vmem>>, vector<1x16xf32>,
      %swap3A_996 = arith.constant 2 : i32
      %swap3A_997 = arith.index_cast %swap3A_996 : i32 to index
      %swap3A_998 = arith.constant 32 : index
      %swap3A_999 = tpu.vector_load %arg11[%swap3A_997, %swap3A_998] {strides = array<i32>} : memref<16x128xf32, #tpu.memory_space<vmem>>, vector<1x16xf32>,
      %swap3A_1000 = vector.shape_cast %swap3A_999 : vector<1x16xf32> to vector<16xf32>
      %swap3A_1001 = vector.shape_cast %broadcast_in_dim3A_875 : vector<16xf32> to vector<1x16xf32>
      tpu.vector_store %arg11[%swap3A_997, %swap3A_998], %swap3A_1001 {strides = array<i32>} : memref<16x128xf32, #tpu.memory_space<vmem>>, vector<1x16xf32>,
      %swap3A_1002 = arith.constant 2 : i32
      %swap3A_1003 = arith.index_cast %swap3A_1002 : i32 to index
      %swap3A_1004 = arith.constant 48 : index
      %swap3A_1005 = tpu.vector_load %arg11[%swap3A_1003, %swap3A_1004] {strides = array<i32>} : memref<16x128xf32, #tpu.memory_space<vmem>>, vector<1x16xf32>,
      %swap3A_1006 = vector.shape_cast %swap3A_1005 : vector<1x16xf32> to vector<16xf32>
      %swap3A_1007 = vector.shape_cast %broadcast_in_dim3A_875 : vector<16xf32> to vector<1x16xf32>
      tpu.vector_store %arg11[%swap3A_1003, %swap3A_1004], %swap3A_1007 {strides = array<i32>} : memref<16x128xf32, #tpu.memory_space<vmem>>, vector<1x16xf32>,
      %swap3A_1008 = arith.constant 2 : i32
      %swap3A_1009 = arith.index_cast %swap3A_1008 : i32 to index
      %swap3A_1010 = arith.constant 64 : index
      %swap3A_1011 = tpu.vector_load %arg11[%swap3A_1009, %swap3A_1010] {strides = array<i32>} : memref<16x128xf32, #tpu.memory_space<vmem>>, vector<1x16xf32>,
      %swap3A_1012 = vector.shape_cast %swap3A_1011 : vector<1x16xf32> to vector<16xf32>
      %swap3A_1013 = vector.shape_cast %broadcast_in_dim3A_875 : vector<16xf32> to vector<1x16xf32>
      tpu.vector_store %arg11[%swap3A_1009, %swap3A_1010], %swap3A_1013 {strides = array<i32>} : memref<16x128xf32, #tpu.memory_space<vmem>>, vector<1x16xf32>,
      %swap3A_1014 = arith.constant 2 : i32
      %swap3A_1015 = arith.index_cast %swap3A_1014 : i32 to index
      %swap3A_1016 = arith.constant 80 : index
      %swap3A_1017 = tpu.vector_load %arg11[%swap3A_1015, %swap3A_1016] {strides = array<i32>} : memref<16x128xf32, #tpu.memory_space<vmem>>, vector<1x16xf32>,
      %swap3A_1018 = vector.shape_cast %swap3A_1017 : vector<1x16xf32> to vector<16xf32>
      %swap3A_1019 = vector.shape_cast %broadcast_in_dim3A_875 : vector<16xf32> to vector<1x16xf32>
      tpu.vector_store %arg11[%swap3A_1015, %swap3A_1016], %swap3A_1019 {strides = array<i32>} : memref<16x128xf32, #tpu.memory_space<vmem>>, vector<1x16xf32>,
      %swap3A_1020 = arith.constant 2 : i32
      %swap3A_1021 = arith.index_cast %swap3A_1020 : i32 to index
      %swap3A_1022 = arith.constant 96 : index
      %swap3A_1023 = tpu.vector_load %arg11[%swap3A_1021, %swap3A_1022] {strides = array<i32>} : memref<16x128xf32, #tpu.memory_space<vmem>>, vector<1x16xf32>,
      %swap3A_1024 = vector.shape_cast %swap3A_1023 : vector<1x16xf32> to vector<16xf32>
      %swap3A_1025 = vector.shape_cast %broadcast_in_dim3A_875 : vector<16xf32> to vector<1x16xf32>
      tpu.vector_store %arg11[%swap3A_1021, %swap3A_1022], %swap3A_1025 {strides = array<i32>} : memref<16x128xf32, #tpu.memory_space<vmem>>, vector<1x16xf32>,
      %swap3A_1026 = arith.constant 2 : i32
      %swap3A_1027 = arith.index_cast %swap3A_1026 : i32 to index
      %swap3A_1028 = arith.constant 112 : index
      %swap3A_1029 = tpu.vector_load %arg11[%swap3A_1027, %swap3A_1028] {strides = array<i32>} : memref<16x128xf32, #tpu.memory_space<vmem>>, vector<1x16xf32>,
      %swap3A_1030 = vector.shape_cast %swap3A_1029 : vector<1x16xf32> to vector<16xf32>
      %swap3A_1031 = vector.shape_cast %broadcast_in_dim3A_875 : vector<16xf32> to vector<1x16xf32>
      tpu.vector_store %arg11[%swap3A_1027, %swap3A_1028], %swap3A_1031 {strides = array<i32>} : memref<16x128xf32, #tpu.memory_space<vmem>>, vector<1x16xf32>,
      %swap3A_1032 = arith.constant 2 : i32
      %swap3A_1033 = arith.index_cast %swap3A_1032 : i32 to index
      %swap3A_1034 = arith.constant 0 : index
      %swap3A_1035 = tpu.vector_load %arg12[%swap3A_1033, %swap3A_1034] {strides = array<i32>} : memref<16x16xf32, #tpu.memory_space<vmem>>, vector<1x16xf32>,
      %swap3A_1036 = vector.shape_cast %swap3A_1035 : vector<1x16xf32> to vector<16xf32>
      %swap3A_1037 = vector.shape_cast %broadcast_in_dim3A_875 : vector<16xf32> to vector<1x16xf32>
      tpu.vector_store %arg12[%swap3A_1033, %swap3A_1034], %swap3A_1037 {strides = array<i32>} : memref<16x16xf32, #tpu.memory_space<vmem>>, vector<1x16xf32>,
      %swap3A_1038 = arith.constant 3 : i32
      %swap3A_1039 = arith.index_cast %swap3A_1038 : i32 to index
      %swap3A_1040 = arith.constant 0 : index
      %swap3A_1041 = tpu.vector_load %arg11[%swap3A_1039, %swap3A_1040] {strides = array<i32>} : memref<16x128xf32, #tpu.memory_space<vmem>>, vector<1x16xf32>,
      %swap3A_1042 = vector.shape_cast %swap3A_1041 : vector<1x16xf32> to vector<16xf32>
      %swap3A_1043 = vector.shape_cast %broadcast_in_dim3A_875 : vector<16xf32> to vector<1x16xf32>
      tpu.vector_store %arg11[%swap3A_1039, %swap3A_1040], %swap3A_1043 {strides = array<i32>} : memref<16x128xf32, #tpu.memory_space<vmem>>, vector<1x16xf32>,
      %swap3A_1044 = arith.constant 3 : i32
      %swap3A_1045 = arith.index_cast %swap3A_1044 : i32 to index
      %swap3A_1046 = arith.constant 16 : index
      %swap3A_1047 = tpu.vector_load %arg11[%swap3A_1045, %swap3A_1046] {strides = array<i32>} : memref<16x128xf32, #tpu.memory_space<vmem>>, vector<1x16xf32>,
      %swap3A_1048 = vector.shape_cast %swap3A_1047 : vector<1x16xf32> to vector<16xf32>
      %swap3A_1049 = vector.shape_cast %broadcast_in_dim3A_875 : vector<16xf32> to vector<1x16xf32>
      tpu.vector_store %arg11[%swap3A_1045, %swap3A_1046], %swap3A_1049 {strides = array<i32>} : memref<16x128xf32, #tpu.memory_space<vmem>>, vector<1x16xf32>,
      %swap3A_1050 = arith.constant 3 : i32
      %swap3A_1051 = arith.index_cast %swap3A_1050 : i32 to index
      %swap3A_1052 = arith.constant 32 : index
      %swap3A_1053 = tpu.vector_load %arg11[%swap3A_1051, %swap3A_1052] {strides = array<i32>} : memref<16x128xf32, #tpu.memory_space<vmem>>, vector<1x16xf32>,
      %swap3A_1054 = vector.shape_cast %swap3A_1053 : vector<1x16xf32> to vector<16xf32>
      %swap3A_1055 = vector.shape_cast %broadcast_in_dim3A_875 : vector<16xf32> to vector<1x16xf32>
      tpu.vector_store %arg11[%swap3A_1051, %swap3A_1052], %swap3A_1055 {strides = array<i32>} : memref<16x128xf32, #tpu.memory_space<vmem>>, vector<1x16xf32>,
      %swap3A_1056 = arith.constant 3 : i32
      %swap3A_1057 = arith.index_cast %swap3A_1056 : i32 to index
      %swap3A_1058 = arith.constant 48 : index
      %swap3A_1059 = tpu.vector_load %arg11[%swap3A_1057, %swap3A_1058] {strides = array<i32>} : memref<16x128xf32, #tpu.memory_space<vmem>>, vector<1x16xf32>,
      %swap3A_1060 = vector.shape_cast %swap3A_1059 : vector<1x16xf32> to vector<16xf32>
      %swap3A_1061 = vector.shape_cast %broadcast_in_dim3A_875 : vector<16xf32> to vector<1x16xf32>
      tpu.vector_store %arg11[%swap3A_1057, %swap3A_1058], %swap3A_1061 {strides = array<i32>} : memref<16x128xf32, #tpu.memory_space<vmem>>, vector<1x16xf32>,
      %swap3A_1062 = arith.constant 3 : i32
      %swap3A_1063 = arith.index_cast %swap3A_1062 : i32 to index
      %swap3A_1064 = arith.constant 64 : index
      %swap3A_1065 = tpu.vector_load %arg11[%swap3A_1063, %swap3A_1064] {strides = array<i32>} : memref<16x128xf32, #tpu.memory_space<vmem>>, vector<1x16xf32>,
      %swap3A_1066 = vector.shape_cast %swap3A_1065 : vector<1x16xf32> to vector<16xf32>
      %swap3A_1067 = vector.shape_cast %broadcast_in_dim3A_875 : vector<16xf32> to vector<1x16xf32>
      tpu.vector_store %arg11[%swap3A_1063, %swap3A_1064], %swap3A_1067 {strides = array<i32>} : memref<16x128xf32, #tpu.memory_space<vmem>>, vector<1x16xf32>,
      %swap3A_1068 = arith.constant 3 : i32
      %swap3A_1069 = arith.index_cast %swap3A_1068 : i32 to index
      %swap3A_1070 = arith.constant 80 : index
      %swap3A_1071 = tpu.vector_load %arg11[%swap3A_1069, %swap3A_1070] {strides = array<i32>} : memref<16x128xf32, #tpu.memory_space<vmem>>, vector<1x16xf32>,
      %swap3A_1072 = vector.shape_cast %swap3A_1071 : vector<1x16xf32> to vector<16xf32>
      %swap3A_1073 = vector.shape_cast %broadcast_in_dim3A_875 : vector<16xf32> to vector<1x16xf32>
      tpu.vector_store %arg11[%swap3A_1069, %swap3A_1070], %swap3A_1073 {strides = array<i32>} : memref<16x128xf32, #tpu.memory_space<vmem>>, vector<1x16xf32>,
      %swap3A_1074 = arith.constant 3 : i32
      %swap3A_1075 = arith.index_cast %swap3A_1074 : i32 to index
      %swap3A_1076 = arith.constant 96 : index
      %swap3A_1077 = tpu.vector_load %arg11[%swap3A_1075, %swap3A_1076] {strides = array<i32>} : memref<16x128xf32, #tpu.memory_space<vmem>>, vector<1x16xf32>,
      %swap3A_1078 = vector.shape_cast %swap3A_1077 : vector<1x16xf32> to vector<16xf32>
      %swap3A_1079 = vector.shape_cast %broadcast_in_dim3A_875 : vector<16xf32> to vector<1x16xf32>
      tpu.vector_store %arg11[%swap3A_1075, %swap3A_1076], %swap3A_1079 {strides = array<i32>} : memref<16x128xf32, #tpu.memory_space<vmem>>, vector<1x16xf32>,
      %swap3A_1080 = arith.constant 3 : i32
      %swap3A_1081 = arith.index_cast %swap3A_1080 : i32 to index
      %swap3A_1082 = arith.constant 112 : index
      %swap3A_1083 = tpu.vector_load %arg11[%swap3A_1081, %swap3A_1082] {strides = array<i32>} : memref<16x128xf32, #tpu.memory_space<vmem>>, vector<1x16xf32>,
      %swap3A_1084 = vector.shape_cast %swap3A_1083 : vector<1x16xf32> to vector<16xf32>
      %swap3A_1085 = vector.shape_cast %broadcast_in_dim3A_875 : vector<16xf32> to vector<1x16xf32>
      tpu.vector_store %arg11[%swap3A_1081, %swap3A_1082], %swap3A_1085 {strides = array<i32>} : memref<16x128xf32, #tpu.memory_space<vmem>>, vector<1x16xf32>,
      %swap3A_1086 = arith.constant 3 : i32
      %swap3A_1087 = arith.index_cast %swap3A_1086 : i32 to index
      %swap3A_1088 = arith.constant 0 : index
      %swap3A_1089 = tpu.vector_load %arg12[%swap3A_1087, %swap3A_1088] {strides = array<i32>} : memref<16x16xf32, #tpu.memory_space<vmem>>, vector<1x16xf32>,
      %swap3A_1090 = vector.shape_cast %swap3A_1089 : vector<1x16xf32> to vector<16xf32>
      %swap3A_1091 = vector.shape_cast %broadcast_in_dim3A_875 : vector<16xf32> to vector<1x16xf32>
      tpu.vector_store %arg12[%swap3A_1087, %swap3A_1088], %swap3A_1091 {strides = array<i32>} : memref<16x16xf32, #tpu.memory_space<vmem>>, vector<1x16xf32>,
      %swap3A_1092 = arith.constant 4 : i32
      %swap3A_1093 = arith.index_cast %swap3A_1092 : i32 to index
      %swap3A_1094 = arith.constant 0 : index
      %swap3A_1095 = tpu.vector_load %arg11[%swap3A_1093, %swap3A_1094] {strides = array<i32>} : memref<16x128xf32, #tpu.memory_space<vmem>>, vector<1x16xf32>,
      %swap3A_1096 = vector.shape_cast %swap3A_1095 : vector<1x16xf32> to vector<16xf32>
      %swap3A_1097 = vector.shape_cast %broadcast_in_dim3A_875 : vector<16xf32> to vector<1x16xf32>
      tpu.vector_store %arg11[%swap3A_1093, %swap3A_1094], %swap3A_1097 {strides = array<i32>} : memref<16x128xf32, #tpu.memory_space<vmem>>, vector<1x16xf32>,
      %swap3A_1098 = arith.constant 4 : i32
      %swap3A_1099 = arith.index_cast %swap3A_1098 : i32 to index
      %swap3A_1100 = arith.constant 16 : index
      %swap3A_1101 = tpu.vector_load %arg11[%swap3A_1099, %swap3A_1100] {strides = array<i32>} : memref<16x128xf32, #tpu.memory_space<vmem>>, vector<1x16xf32>,
      %swap3A_1102 = vector.shape_cast %swap3A_1101 : vector<1x16xf32> to vector<16xf32>
      %swap3A_1103 = vector.shape_cast %broadcast_in_dim3A_875 : vector<16xf32> to vector<1x16xf32>
      tpu.vector_store %arg11[%swap3A_1099, %swap3A_1100], %swap3A_1103 {strides = array<i32>} : memref<16x128xf32, #tpu.memory_space<vmem>>, vector<1x16xf32>,
      %swap3A_1104 = arith.constant 4 : i32
      %swap3A_1105 = arith.index_cast %swap3A_1104 : i32 to index
      %swap3A_1106 = arith.constant 32 : index
      %swap3A_1107 = tpu.vector_load %arg11[%swap3A_1105, %swap3A_1106] {strides = array<i32>} : memref<16x128xf32, #tpu.memory_space<vmem>>, vector<1x16xf32>,
      %swap3A_1108 = vector.shape_cast %swap3A_1107 : vector<1x16xf32> to vector<16xf32>
      %swap3A_1109 = vector.shape_cast %broadcast_in_dim3A_875 : vector<16xf32> to vector<1x16xf32>
      tpu.vector_store %arg11[%swap3A_1105, %swap3A_1106], %swap3A_1109 {strides = array<i32>} : memref<16x128xf32, #tpu.memory_space<vmem>>, vector<1x16xf32>,
      %swap3A_1110 = arith.constant 4 : i32
      %swap3A_1111 = arith.index_cast %swap3A_1110 : i32 to index
      %swap3A_1112 = arith.constant 48 : index
      %swap3A_1113 = tpu.vector_load %arg11[%swap3A_1111, %swap3A_1112] {strides = array<i32>} : memref<16x128xf32, #tpu.memory_space<vmem>>, vector<1x16xf32>,
      %swap3A_1114 = vector.shape_cast %swap3A_1113 : vector<1x16xf32> to vector<16xf32>
      %swap3A_1115 = vector.shape_cast %broadcast_in_dim3A_875 : vector<16xf32> to vector<1x16xf32>
      tpu.vector_store %arg11[%swap3A_1111, %swap3A_1112], %swap3A_1115 {strides = array<i32>} : memref<16x128xf32, #tpu.memory_space<vmem>>, vector<1x16xf32>,
      %swap3A_1116 = arith.constant 4 : i32
      %swap3A_1117 = arith.index_cast %swap3A_1116 : i32 to index
      %swap3A_1118 = arith.constant 64 : index
      %swap3A_1119 = tpu.vector_load %arg11[%swap3A_1117, %swap3A_1118] {strides = array<i32>} : memref<16x128xf32, #tpu.memory_space<vmem>>, vector<1x16xf32>,
      %swap3A_1120 = vector.shape_cast %swap3A_1119 : vector<1x16xf32> to vector<16xf32>
      %swap3A_1121 = vector.shape_cast %broadcast_in_dim3A_875 : vector<16xf32> to vector<1x16xf32>
      tpu.vector_store %arg11[%swap3A_1117, %swap3A_1118], %swap3A_1121 {strides = array<i32>} : memref<16x128xf32, #tpu.memory_space<vmem>>, vector<1x16xf32>,
      %swap3A_1122 = arith.constant 4 : i32
      %swap3A_1123 = arith.index_cast %swap3A_1122 : i32 to index
      %swap3A_1124 = arith.constant 80 : index
      %swap3A_1125 = tpu.vector_load %arg11[%swap3A_1123, %swap3A_1124] {strides = array<i32>} : memref<16x128xf32, #tpu.memory_space<vmem>>, vector<1x16xf32>,
      %swap3A_1126 = vector.shape_cast %swap3A_1125 : vector<1x16xf32> to vector<16xf32>
      %swap3A_1127 = vector.shape_cast %broadcast_in_dim3A_875 : vector<16xf32> to vector<1x16xf32>
      tpu.vector_store %arg11[%swap3A_1123, %swap3A_1124], %swap3A_1127 {strides = array<i32>} : memref<16x128xf32, #tpu.memory_space<vmem>>, vector<1x16xf32>,
      %swap3A_1128 = arith.constant 4 : i32
      %swap3A_1129 = arith.index_cast %swap3A_1128 : i32 to index
      %swap3A_1130 = arith.constant 96 : index
      %swap3A_1131 = tpu.vector_load %arg11[%swap3A_1129, %swap3A_1130] {strides = array<i32>} : memref<16x128xf32, #tpu.memory_space<vmem>>, vector<1x16xf32>,
      %swap3A_1132 = vector.shape_cast %swap3A_1131 : vector<1x16xf32> to vector<16xf32>
      %swap3A_1133 = vector.shape_cast %broadcast_in_dim3A_875 : vector<16xf32> to vector<1x16xf32>
      tpu.vector_store %arg11[%swap3A_1129, %swap3A_1130], %swap3A_1133 {strides = array<i32>} : memref<16x128xf32, #tpu.memory_space<vmem>>, vector<1x16xf32>,
      %swap3A_1134 = arith.constant 4 : i32
      %swap3A_1135 = arith.index_cast %swap3A_1134 : i32 to index
      %swap3A_1136 = arith.constant 112 : index
      %swap3A_1137 = tpu.vector_load %arg11[%swap3A_1135, %swap3A_1136] {strides = array<i32>} : memref<16x128xf32, #tpu.memory_space<vmem>>, vector<1x16xf32>,
      %swap3A_1138 = vector.shape_cast %swap3A_1137 : vector<1x16xf32> to vector<16xf32>
      %swap3A_1139 = vector.shape_cast %broadcast_in_dim3A_875 : vector<16xf32> to vector<1x16xf32>
      tpu.vector_store %arg11[%swap3A_1135, %swap3A_1136], %swap3A_1139 {strides = array<i32>} : memref<16x128xf32, #tpu.memory_space<vmem>>, vector<1x16xf32>,
      %swap3A_1140 = arith.constant 4 : i32
      %swap3A_1141 = arith.index_cast %swap3A_1140 : i32 to index
      %swap3A_1142 = arith.constant 0 : index
      %swap3A_1143 = tpu.vector_load %arg12[%swap3A_1141, %swap3A_1142] {strides = array<i32>} : memref<16x16xf32, #tpu.memory_space<vmem>>, vector<1x16xf32>,
      %swap3A_1144 = vector.shape_cast %swap3A_1143 : vector<1x16xf32> to vector<16xf32>
      %swap3A_1145 = vector.shape_cast %broadcast_in_dim3A_875 : vector<16xf32> to vector<1x16xf32>
      tpu.vector_store %arg12[%swap3A_1141, %swap3A_1142], %swap3A_1145 {strides = array<i32>} : memref<16x16xf32, #tpu.memory_space<vmem>>, vector<1x16xf32>,
      %swap3A_1146 = arith.constant 5 : i32
      %swap3A_1147 = arith.index_cast %swap3A_1146 : i32 to index
      %swap3A_1148 = arith.constant 0 : index
      %swap3A_1149 = tpu.vector_load %arg11[%swap3A_1147, %swap3A_1148] {strides = array<i32>} : memref<16x128xf32, #tpu.memory_space<vmem>>, vector<1x16xf32>,
      %swap3A_1150 = vector.shape_cast %swap3A_1149 : vector<1x16xf32> to vector<16xf32>
      %swap3A_1151 = vector.shape_cast %broadcast_in_dim3A_875 : vector<16xf32> to vector<1x16xf32>
      tpu.vector_store %arg11[%swap3A_1147, %swap3A_1148], %swap3A_1151 {strides = array<i32>} : memref<16x128xf32, #tpu.memory_space<vmem>>, vector<1x16xf32>,
      %swap3A_1152 = arith.constant 5 : i32
      %swap3A_1153 = arith.index_cast %swap3A_1152 : i32 to index
      %swap3A_1154 = arith.constant 16 : index
      %swap3A_1155 = tpu.vector_load %arg11[%swap3A_1153, %swap3A_1154] {strides = array<i32>} : memref<16x128xf32, #tpu.memory_space<vmem>>, vector<1x16xf32>,
      %swap3A_1156 = vector.shape_cast %swap3A_1155 : vector<1x16xf32> to vector<16xf32>
      %swap3A_1157 = vector.shape_cast %broadcast_in_dim3A_875 : vector<16xf32> to vector<1x16xf32>
      tpu.vector_store %arg11[%swap3A_1153, %swap3A_1154], %swap3A_1157 {strides = array<i32>} : memref<16x128xf32, #tpu.memory_space<vmem>>, vector<1x16xf32>,
      %swap3A_1158 = arith.constant 5 : i32
      %swap3A_1159 = arith.index_cast %swap3A_1158 : i32 to index
      %swap3A_1160 = arith.constant 32 : index
      %swap3A_1161 = tpu.vector_load %arg11[%swap3A_1159, %swap3A_1160] {strides = array<i32>} : memref<16x128xf32, #tpu.memory_space<vmem>>, vector<1x16xf32>,
      %swap3A_1162 = vector.shape_cast %swap3A_1161 : vector<1x16xf32> to vector<16xf32>
      %swap3A_1163 = vector.shape_cast %broadcast_in_dim3A_875 : vector<16xf32> to vector<1x16xf32>
      tpu.vector_store %arg11[%swap3A_1159, %swap3A_1160], %swap3A_1163 {strides = array<i32>} : memref<16x128xf32, #tpu.memory_space<vmem>>, vector<1x16xf32>,
      %swap3A_1164 = arith.constant 5 : i32
      %swap3A_1165 = arith.index_cast %swap3A_1164 : i32 to index
      %swap3A_1166 = arith.constant 48 : index
      %swap3A_1167 = tpu.vector_load %arg11[%swap3A_1165, %swap3A_1166] {strides = array<i32>} : memref<16x128xf32, #tpu.memory_space<vmem>>, vector<1x16xf32>,
      %swap3A_1168 = vector.shape_cast %swap3A_1167 : vector<1x16xf32> to vector<16xf32>
      %swap3A_1169 = vector.shape_cast %broadcast_in_dim3A_875 : vector<16xf32> to vector<1x16xf32>
      tpu.vector_store %arg11[%swap3A_1165, %swap3A_1166], %swap3A_1169 {strides = array<i32>} : memref<16x128xf32, #tpu.memory_space<vmem>>, vector<1x16xf32>,
      %swap3A_1170 = arith.constant 5 : i32
      %swap3A_1171 = arith.index_cast %swap3A_1170 : i32 to index
      %swap3A_1172 = arith.constant 64 : index
      %swap3A_1173 = tpu.vector_load %arg11[%swap3A_1171, %swap3A_1172] {strides = array<i32>} : memref<16x128xf32, #tpu.memory_space<vmem>>, vector<1x16xf32>,
      %swap3A_1174 = vector.shape_cast %swap3A_1173 : vector<1x16xf32> to vector<16xf32>
      %swap3A_1175 = vector.shape_cast %broadcast_in_dim3A_875 : vector<16xf32> to vector<1x16xf32>
      tpu.vector_store %arg11[%swap3A_1171, %swap3A_1172], %swap3A_1175 {strides = array<i32>} : memref<16x128xf32, #tpu.memory_space<vmem>>, vector<1x16xf32>,
      %swap3A_1176 = arith.constant 5 : i32
      %swap3A_1177 = arith.index_cast %swap3A_1176 : i32 to index
      %swap3A_1178 = arith.constant 80 : index
      %swap3A_1179 = tpu.vector_load %arg11[%swap3A_1177, %swap3A_1178] {strides = array<i32>} : memref<16x128xf32, #tpu.memory_space<vmem>>, vector<1x16xf32>,
      %swap3A_1180 = vector.shape_cast %swap3A_1179 : vector<1x16xf32> to vector<16xf32>
      %swap3A_1181 = vector.shape_cast %broadcast_in_dim3A_875 : vector<16xf32> to vector<1x16xf32>
      tpu.vector_store %arg11[%swap3A_1177, %swap3A_1178], %swap3A_1181 {strides = array<i32>} : memref<16x128xf32, #tpu.memory_space<vmem>>, vector<1x16xf32>,
      %swap3A_1182 = arith.constant 5 : i32
      %swap3A_1183 = arith.index_cast %swap3A_1182 : i32 to index
      %swap3A_1184 = arith.constant 96 : index
      %swap3A_1185 = tpu.vector_load %arg11[%swap3A_1183, %swap3A_1184] {strides = array<i32>} : memref<16x128xf32, #tpu.memory_space<vmem>>, vector<1x16xf32>,
      %swap3A_1186 = vector.shape_cast %swap3A_1185 : vector<1x16xf32> to vector<16xf32>
      %swap3A_1187 = vector.shape_cast %broadcast_in_dim3A_875 : vector<16xf32> to vector<1x16xf32>
      tpu.vector_store %arg11[%swap3A_1183, %swap3A_1184], %swap3A_1187 {strides = array<i32>} : memref<16x128xf32, #tpu.memory_space<vmem>>, vector<1x16xf32>,
      %swap3A_1188 = arith.constant 5 : i32
      %swap3A_1189 = arith.index_cast %swap3A_1188 : i32 to index
      %swap3A_1190 = arith.constant 112 : index
      %swap3A_1191 = tpu.vector_load %arg11[%swap3A_1189, %swap3A_1190] {strides = array<i32>} : memref<16x128xf32, #tpu.memory_space<vmem>>, vector<1x16xf32>,
      %swap3A_1192 = vector.shape_cast %swap3A_1191 : vector<1x16xf32> to vector<16xf32>
      %swap3A_1193 = vector.shape_cast %broadcast_in_dim3A_875 : vector<16xf32> to vector<1x16xf32>
      tpu.vector_store %arg11[%swap3A_1189, %swap3A_1190], %swap3A_1193 {strides = array<i32>} : memref<16x128xf32, #tpu.memory_space<vmem>>, vector<1x16xf32>,
      %swap3A_1194 = arith.constant 5 : i32
      %swap3A_1195 = arith.index_cast %swap3A_1194 : i32 to index
      %swap3A_1196 = arith.constant 0 : index
      %swap3A_1197 = tpu.vector_load %arg12[%swap3A_1195, %swap3A_1196] {strides = array<i32>} : memref<16x16xf32, #tpu.memory_space<vmem>>, vector<1x16xf32>,
      %swap3A_1198 = vector.shape_cast %swap3A_1197 : vector<1x16xf32> to vector<16xf32>
      %swap3A_1199 = vector.shape_cast %broadcast_in_dim3A_875 : vector<16xf32> to vector<1x16xf32>
      tpu.vector_store %arg12[%swap3A_1195, %swap3A_1196], %swap3A_1199 {strides = array<i32>} : memref<16x16xf32, #tpu.memory_space<vmem>>, vector<1x16xf32>,
      %swap3A_1200 = arith.constant 6 : i32
      %swap3A_1201 = arith.index_cast %swap3A_1200 : i32 to index
      %swap3A_1202 = arith.constant 0 : index
      %swap3A_1203 = tpu.vector_load %arg11[%swap3A_1201, %swap3A_1202] {strides = array<i32>} : memref<16x128xf32, #tpu.memory_space<vmem>>, vector<1x16xf32>,
      %swap3A_1204 = vector.shape_cast %swap3A_1203 : vector<1x16xf32> to vector<16xf32>
      %swap3A_1205 = vector.shape_cast %broadcast_in_dim3A_875 : vector<16xf32> to vector<1x16xf32>
      tpu.vector_store %arg11[%swap3A_1201, %swap3A_1202], %swap3A_1205 {strides = array<i32>} : memref<16x128xf32, #tpu.memory_space<vmem>>, vector<1x16xf32>,
      %swap3A_1206 = arith.constant 6 : i32
      %swap3A_1207 = arith.index_cast %swap3A_1206 : i32 to index
      %swap3A_1208 = arith.constant 16 : index
      %swap3A_1209 = tpu.vector_load %arg11[%swap3A_1207, %swap3A_1208] {strides = array<i32>} : memref<16x128xf32, #tpu.memory_space<vmem>>, vector<1x16xf32>,
      %swap3A_1210 = vector.shape_cast %swap3A_1209 : vector<1x16xf32> to vector<16xf32>
      %swap3A_1211 = vector.shape_cast %broadcast_in_dim3A_875 : vector<16xf32> to vector<1x16xf32>
      tpu.vector_store %arg11[%swap3A_1207, %swap3A_1208], %swap3A_1211 {strides = array<i32>} : memref<16x128xf32, #tpu.memory_space<vmem>>, vector<1x16xf32>,
      %swap3A_1212 = arith.constant 6 : i32
      %swap3A_1213 = arith.index_cast %swap3A_1212 : i32 to index
      %swap3A_1214 = arith.constant 32 : index
      %swap3A_1215 = tpu.vector_load %arg11[%swap3A_1213, %swap3A_1214] {strides = array<i32>} : memref<16x128xf32, #tpu.memory_space<vmem>>, vector<1x16xf32>,
      %swap3A_1216 = vector.shape_cast %swap3A_1215 : vector<1x16xf32> to vector<16xf32>
      %swap3A_1217 = vector.shape_cast %broadcast_in_dim3A_875 : vector<16xf32> to vector<1x16xf32>
      tpu.vector_store %arg11[%swap3A_1213, %swap3A_1214], %swap3A_1217 {strides = array<i32>} : memref<16x128xf32, #tpu.memory_space<vmem>>, vector<1x16xf32>,
      %swap3A_1218 = arith.constant 6 : i32
      %swap3A_1219 = arith.index_cast %swap3A_1218 : i32 to index
      %swap3A_1220 = arith.constant 48 : index
      %swap3A_1221 = tpu.vector_load %arg11[%swap3A_1219, %swap3A_1220] {strides = array<i32>} : memref<16x128xf32, #tpu.memory_space<vmem>>, vector<1x16xf32>,
      %swap3A_1222 = vector.shape_cast %swap3A_1221 : vector<1x16xf32> to vector<16xf32>
      %swap3A_1223 = vector.shape_cast %broadcast_in_dim3A_875 : vector<16xf32> to vector<1x16xf32>
      tpu.vector_store %arg11[%swap3A_1219, %swap3A_1220], %swap3A_1223 {strides = array<i32>} : memref<16x128xf32, #tpu.memory_space<vmem>>, vector<1x16xf32>,
      %swap3A_1224 = arith.constant 6 : i32
      %swap3A_1225 = arith.index_cast %swap3A_1224 : i32 to index
      %swap3A_1226 = arith.constant 64 : index
      %swap3A_1227 = tpu.vector_load %arg11[%swap3A_1225, %swap3A_1226] {strides = array<i32>} : memref<16x128xf32, #tpu.memory_space<vmem>>, vector<1x16xf32>,
      %swap3A_1228 = vector.shape_cast %swap3A_1227 : vector<1x16xf32> to vector<16xf32>
      %swap3A_1229 = vector.shape_cast %broadcast_in_dim3A_875 : vector<16xf32> to vector<1x16xf32>
      tpu.vector_store %arg11[%swap3A_1225, %swap3A_1226], %swap3A_1229 {strides = array<i32>} : memref<16x128xf32, #tpu.memory_space<vmem>>, vector<1x16xf32>,
      %swap3A_1230 = arith.constant 6 : i32
      %swap3A_1231 = arith.index_cast %swap3A_1230 : i32 to index
      %swap3A_1232 = arith.constant 80 : index
      %swap3A_1233 = tpu.vector_load %arg11[%swap3A_1231, %swap3A_1232] {strides = array<i32>} : memref<16x128xf32, #tpu.memory_space<vmem>>, vector<1x16xf32>,
      %swap3A_1234 = vector.shape_cast %swap3A_1233 : vector<1x16xf32> to vector<16xf32>
      %swap3A_1235 = vector.shape_cast %broadcast_in_dim3A_875 : vector<16xf32> to vector<1x16xf32>
      tpu.vector_store %arg11[%swap3A_1231, %swap3A_1232], %swap3A_1235 {strides = array<i32>} : memref<16x128xf32, #tpu.memory_space<vmem>>, vector<1x16xf32>,
      %swap3A_1236 = arith.constant 6 : i32
      %swap3A_1237 = arith.index_cast %swap3A_1236 : i32 to index
      %swap3A_1238 = arith.constant 96 : index
      %swap3A_1239 = tpu.vector_load %arg11[%swap3A_1237, %swap3A_1238] {strides = array<i32>} : memref<16x128xf32, #tpu.memory_space<vmem>>, vector<1x16xf32>,
      %swap3A_1240 = vector.shape_cast %swap3A_1239 : vector<1x16xf32> to vector<16xf32>
      %swap3A_1241 = vector.shape_cast %broadcast_in_dim3A_875 : vector<16xf32> to vector<1x16xf32>
      tpu.vector_store %arg11[%swap3A_1237, %swap3A_1238], %swap3A_1241 {strides = array<i32>} : memref<16x128xf32, #tpu.memory_space<vmem>>, vector<1x16xf32>,
      %swap3A_1242 = arith.constant 6 : i32
      %swap3A_1243 = arith.index_cast %swap3A_1242 : i32 to index
      %swap3A_1244 = arith.constant 112 : index
      %swap3A_1245 = tpu.vector_load %arg11[%swap3A_1243, %swap3A_1244] {strides = array<i32>} : memref<16x128xf32, #tpu.memory_space<vmem>>, vector<1x16xf32>,
      %swap3A_1246 = vector.shape_cast %swap3A_1245 : vector<1x16xf32> to vector<16xf32>
      %swap3A_1247 = vector.shape_cast %broadcast_in_dim3A_875 : vector<16xf32> to vector<1x16xf32>
      tpu.vector_store %arg11[%swap3A_1243, %swap3A_1244], %swap3A_1247 {strides = array<i32>} : memref<16x128xf32, #tpu.memory_space<vmem>>, vector<1x16xf32>,
      %swap3A_1248 = arith.constant 6 : i32
      %swap3A_1249 = arith.index_cast %swap3A_1248 : i32 to index
      %swap3A_1250 = arith.constant 0 : index
      %swap3A_1251 = tpu.vector_load %arg12[%swap3A_1249, %swap3A_1250] {strides = array<i32>} : memref<16x16xf32, #tpu.memory_space<vmem>>, vector<1x16xf32>,
      %swap3A_1252 = vector.shape_cast %swap3A_1251 : vector<1x16xf32> to vector<16xf32>
      %swap3A_1253 = vector.shape_cast %broadcast_in_dim3A_875 : vector<16xf32> to vector<1x16xf32>
      tpu.vector_store %arg12[%swap3A_1249, %swap3A_1250], %swap3A_1253 {strides = array<i32>} : memref<16x16xf32, #tpu.memory_space<vmem>>, vector<1x16xf32>,
      %swap3A_1254 = arith.constant 7 : i32
      %swap3A_1255 = arith.index_cast %swap3A_1254 : i32 to index
      %swap3A_1256 = arith.constant 0 : index
      %swap3A_1257 = tpu.vector_load %arg11[%swap3A_1255, %swap3A_1256] {strides = array<i32>} : memref<16x128xf32, #tpu.memory_space<vmem>>, vector<1x16xf32>,
      %swap3A_1258 = vector.shape_cast %swap3A_1257 : vector<1x16xf32> to vector<16xf32>
      %swap3A_1259 = vector.shape_cast %broadcast_in_dim3A_875 : vector<16xf32> to vector<1x16xf32>
      tpu.vector_store %arg11[%swap3A_1255, %swap3A_1256], %swap3A_1259 {strides = array<i32>} : memref<16x128xf32, #tpu.memory_space<vmem>>, vector<1x16xf32>,
      %swap3A_1260 = arith.constant 7 : i32
      %swap3A_1261 = arith.index_cast %swap3A_1260 : i32 to index
      %swap3A_1262 = arith.constant 16 : index
      %swap3A_1263 = tpu.vector_load %arg11[%swap3A_1261, %swap3A_1262] {strides = array<i32>} : memref<16x128xf32, #tpu.memory_space<vmem>>, vector<1x16xf32>,
      %swap3A_1264 = vector.shape_cast %swap3A_1263 : vector<1x16xf32> to vector<16xf32>
      %swap3A_1265 = vector.shape_cast %broadcast_in_dim3A_875 : vector<16xf32> to vector<1x16xf32>
      tpu.vector_store %arg11[%swap3A_1261, %swap3A_1262], %swap3A_1265 {strides = array<i32>} : memref<16x128xf32, #tpu.memory_space<vmem>>, vector<1x16xf32>,
      %swap3A_1266 = arith.constant 7 : i32
      %swap3A_1267 = arith.index_cast %swap3A_1266 : i32 to index
      %swap3A_1268 = arith.constant 32 : index
      %swap3A_1269 = tpu.vector_load %arg11[%swap3A_1267, %swap3A_1268] {strides = array<i32>} : memref<16x128xf32, #tpu.memory_space<vmem>>, vector<1x16xf32>,
      %swap3A_1270 = vector.shape_cast %swap3A_1269 : vector<1x16xf32> to vector<16xf32>
      %swap3A_1271 = vector.shape_cast %broadcast_in_dim3A_875 : vector<16xf32> to vector<1x16xf32>
      tpu.vector_store %arg11[%swap3A_1267, %swap3A_1268], %swap3A_1271 {strides = array<i32>} : memref<16x128xf32, #tpu.memory_space<vmem>>, vector<1x16xf32>,
      %swap3A_1272 = arith.constant 7 : i32
      %swap3A_1273 = arith.index_cast %swap3A_1272 : i32 to index
      %swap3A_1274 = arith.constant 48 : index
      %swap3A_1275 = tpu.vector_load %arg11[%swap3A_1273, %swap3A_1274] {strides = array<i32>} : memref<16x128xf32, #tpu.memory_space<vmem>>, vector<1x16xf32>,
      %swap3A_1276 = vector.shape_cast %swap3A_1275 : vector<1x16xf32> to vector<16xf32>
      %swap3A_1277 = vector.shape_cast %broadcast_in_dim3A_875 : vector<16xf32> to vector<1x16xf32>
      tpu.vector_store %arg11[%swap3A_1273, %swap3A_1274], %swap3A_1277 {strides = array<i32>} : memref<16x128xf32, #tpu.memory_space<vmem>>, vector<1x16xf32>,
      %swap3A_1278 = arith.constant 7 : i32
      %swap3A_1279 = arith.index_cast %swap3A_1278 : i32 to index
      %swap3A_1280 = arith.constant 64 : index
      %swap3A_1281 = tpu.vector_load %arg11[%swap3A_1279, %swap3A_1280] {strides = array<i32>} : memref<16x128xf32, #tpu.memory_space<vmem>>, vector<1x16xf32>,
      %swap3A_1282 = vector.shape_cast %swap3A_1281 : vector<1x16xf32> to vector<16xf32>
      %swap3A_1283 = vector.shape_cast %broadcast_in_dim3A_875 : vector<16xf32> to vector<1x16xf32>
      tpu.vector_store %arg11[%swap3A_1279, %swap3A_1280], %swap3A_1283 {strides = array<i32>} : memref<16x128xf32, #tpu.memory_space<vmem>>, vector<1x16xf32>,
      %swap3A_1284 = arith.constant 7 : i32
      %swap3A_1285 = arith.index_cast %swap3A_1284 : i32 to index
      %swap3A_1286 = arith.constant 80 : index
      %swap3A_1287 = tpu.vector_load %arg11[%swap3A_1285, %swap3A_1286] {strides = array<i32>} : memref<16x128xf32, #tpu.memory_space<vmem>>, vector<1x16xf32>,
      %swap3A_1288 = vector.shape_cast %swap3A_1287 : vector<1x16xf32> to vector<16xf32>
      %swap3A_1289 = vector.shape_cast %broadcast_in_dim3A_875 : vector<16xf32> to vector<1x16xf32>
      tpu.vector_store %arg11[%swap3A_1285, %swap3A_1286], %swap3A_1289 {strides = array<i32>} : memref<16x128xf32, #tpu.memory_space<vmem>>, vector<1x16xf32>,
      %swap3A_1290 = arith.constant 7 : i32
      %swap3A_1291 = arith.index_cast %swap3A_1290 : i32 to index
      %swap3A_1292 = arith.constant 96 : index
      %swap3A_1293 = tpu.vector_load %arg11[%swap3A_1291, %swap3A_1292] {strides = array<i32>} : memref<16x128xf32, #tpu.memory_space<vmem>>, vector<1x16xf32>,
      %swap3A_1294 = vector.shape_cast %swap3A_1293 : vector<1x16xf32> to vector<16xf32>
      %swap3A_1295 = vector.shape_cast %broadcast_in_dim3A_875 : vector<16xf32> to vector<1x16xf32>
      tpu.vector_store %arg11[%swap3A_1291, %swap3A_1292], %swap3A_1295 {strides = array<i32>} : memref<16x128xf32, #tpu.memory_space<vmem>>, vector<1x16xf32>,
      %swap3A_1296 = arith.constant 7 : i32
      %swap3A_1297 = arith.index_cast %swap3A_1296 : i32 to index
      %swap3A_1298 = arith.constant 112 : index
      %swap3A_1299 = tpu.vector_load %arg11[%swap3A_1297, %swap3A_1298] {strides = array<i32>} : memref<16x128xf32, #tpu.memory_space<vmem>>, vector<1x16xf32>,
      %swap3A_1300 = vector.shape_cast %swap3A_1299 : vector<1x16xf32> to vector<16xf32>
      %swap3A_1301 = vector.shape_cast %broadcast_in_dim3A_875 : vector<16xf32> to vector<1x16xf32>
      tpu.vector_store %arg11[%swap3A_1297, %swap3A_1298], %swap3A_1301 {strides = array<i32>} : memref<16x128xf32, #tpu.memory_space<vmem>>, vector<1x16xf32>,
      %swap3A_1302 = arith.constant 7 : i32
      %swap3A_1303 = arith.index_cast %swap3A_1302 : i32 to index
      %swap3A_1304 = arith.constant 0 : index
      %swap3A_1305 = tpu.vector_load %arg12[%swap3A_1303, %swap3A_1304] {strides = array<i32>} : memref<16x16xf32, #tpu.memory_space<vmem>>, vector<1x16xf32>,
      %swap3A_1306 = vector.shape_cast %swap3A_1305 : vector<1x16xf32> to vector<16xf32>
      %swap3A_1307 = vector.shape_cast %broadcast_in_dim3A_875 : vector<16xf32> to vector<1x16xf32>
      tpu.vector_store %arg12[%swap3A_1303, %swap3A_1304], %swap3A_1307 {strides = array<i32>} : memref<16x16xf32, #tpu.memory_space<vmem>>, vector<1x16xf32>,
      %swap3A_1308 = arith.constant 8 : i32
      %swap3A_1309 = arith.index_cast %swap3A_1308 : i32 to index
      %swap3A_1310 = arith.constant 0 : index
      %swap3A_1311 = tpu.vector_load %arg11[%swap3A_1309, %swap3A_1310] {strides = array<i32>} : memref<16x128xf32, #tpu.memory_space<vmem>>, vector<1x16xf32>,
      %swap3A_1312 = vector.shape_cast %swap3A_1311 : vector<1x16xf32> to vector<16xf32>
      %swap3A_1313 = vector.shape_cast %broadcast_in_dim3A_875 : vector<16xf32> to vector<1x16xf32>
      tpu.vector_store %arg11[%swap3A_1309, %swap3A_1310], %swap3A_1313 {strides = array<i32>} : memref<16x128xf32, #tpu.memory_space<vmem>>, vector<1x16xf32>,
      %swap3A_1314 = arith.constant 8 : i32
      %swap3A_1315 = arith.index_cast %swap3A_1314 : i32 to index
      %swap3A_1316 = arith.constant 16 : index
      %swap3A_1317 = tpu.vector_load %arg11[%swap3A_1315, %swap3A_1316] {strides = array<i32>} : memref<16x128xf32, #tpu.memory_space<vmem>>, vector<1x16xf32>,
      %swap3A_1318 = vector.shape_cast %swap3A_1317 : vector<1x16xf32> to vector<16xf32>
      %swap3A_1319 = vector.shape_cast %broadcast_in_dim3A_875 : vector<16xf32> to vector<1x16xf32>
      tpu.vector_store %arg11[%swap3A_1315, %swap3A_1316], %swap3A_1319 {strides = array<i32>} : memref<16x128xf32, #tpu.memory_space<vmem>>, vector<1x16xf32>,
      %swap3A_1320 = arith.constant 8 : i32
      %swap3A_1321 = arith.index_cast %swap3A_1320 : i32 to index
      %swap3A_1322 = arith.constant 32 : index
      %swap3A_1323 = tpu.vector_load %arg11[%swap3A_1321, %swap3A_1322] {strides = array<i32>} : memref<16x128xf32, #tpu.memory_space<vmem>>, vector<1x16xf32>,
      %swap3A_1324 = vector.shape_cast %swap3A_1323 : vector<1x16xf32> to vector<16xf32>
      %swap3A_1325 = vector.shape_cast %broadcast_in_dim3A_875 : vector<16xf32> to vector<1x16xf32>
      tpu.vector_store %arg11[%swap3A_1321, %swap3A_1322], %swap3A_1325 {strides = array<i32>} : memref<16x128xf32, #tpu.memory_space<vmem>>, vector<1x16xf32>,
      %swap3A_1326 = arith.constant 8 : i32
      %swap3A_1327 = arith.index_cast %swap3A_1326 : i32 to index
      %swap3A_1328 = arith.constant 48 : index
      %swap3A_1329 = tpu.vector_load %arg11[%swap3A_1327, %swap3A_1328] {strides = array<i32>} : memref<16x128xf32, #tpu.memory_space<vmem>>, vector<1x16xf32>,
      %swap3A_1330 = vector.shape_cast %swap3A_1329 : vector<1x16xf32> to vector<16xf32>
      %swap3A_1331 = vector.shape_cast %broadcast_in_dim3A_875 : vector<16xf32> to vector<1x16xf32>
      tpu.vector_store %arg11[%swap3A_1327, %swap3A_1328], %swap3A_1331 {strides = array<i32>} : memref<16x128xf32, #tpu.memory_space<vmem>>, vector<1x16xf32>,
      %swap3A_1332 = arith.constant 8 : i32
      %swap3A_1333 = arith.index_cast %swap3A_1332 : i32 to index
      %swap3A_1334 = arith.constant 64 : index
      %swap3A_1335 = tpu.vector_load %arg11[%swap3A_1333, %swap3A_1334] {strides = array<i32>} : memref<16x128xf32, #tpu.memory_space<vmem>>, vector<1x16xf32>,
      %swap3A_1336 = vector.shape_cast %swap3A_1335 : vector<1x16xf32> to vector<16xf32>
      %swap3A_1337 = vector.shape_cast %broadcast_in_dim3A_875 : vector<16xf32> to vector<1x16xf32>
      tpu.vector_store %arg11[%swap3A_1333, %swap3A_1334], %swap3A_1337 {strides = array<i32>} : memref<16x128xf32, #tpu.memory_space<vmem>>, vector<1x16xf32>,
      %swap3A_1338 = arith.constant 8 : i32
      %swap3A_1339 = arith.index_cast %swap3A_1338 : i32 to index
      %swap3A_1340 = arith.constant 80 : index
      %swap3A_1341 = tpu.vector_load %arg11[%swap3A_1339, %swap3A_1340] {strides = array<i32>} : memref<16x128xf32, #tpu.memory_space<vmem>>, vector<1x16xf32>,
      %swap3A_1342 = vector.shape_cast %swap3A_1341 : vector<1x16xf32> to vector<16xf32>
      %swap3A_1343 = vector.shape_cast %broadcast_in_dim3A_875 : vector<16xf32> to vector<1x16xf32>
      tpu.vector_store %arg11[%swap3A_1339, %swap3A_1340], %swap3A_1343 {strides = array<i32>} : memref<16x128xf32, #tpu.memory_space<vmem>>, vector<1x16xf32>,
      %swap3A_1344 = arith.constant 8 : i32
      %swap3A_1345 = arith.index_cast %swap3A_1344 : i32 to index
      %swap3A_1346 = arith.constant 96 : index
      %swap3A_1347 = tpu.vector_load %arg11[%swap3A_1345, %swap3A_1346] {strides = array<i32>} : memref<16x128xf32, #tpu.memory_space<vmem>>, vector<1x16xf32>,
      %swap3A_1348 = vector.shape_cast %swap3A_1347 : vector<1x16xf32> to vector<16xf32>
      %swap3A_1349 = vector.shape_cast %broadcast_in_dim3A_875 : vector<16xf32> to vector<1x16xf32>
      tpu.vector_store %arg11[%swap3A_1345, %swap3A_1346], %swap3A_1349 {strides = array<i32>} : memref<16x128xf32, #tpu.memory_space<vmem>>, vector<1x16xf32>,
      %swap3A_1350 = arith.constant 8 : i32
      %swap3A_1351 = arith.index_cast %swap3A_1350 : i32 to index
      %swap3A_1352 = arith.constant 112 : index
      %swap3A_1353 = tpu.vector_load %arg11[%swap3A_1351, %swap3A_1352] {strides = array<i32>} : memref<16x128xf32, #tpu.memory_space<vmem>>, vector<1x16xf32>,
      %swap3A_1354 = vector.shape_cast %swap3A_1353 : vector<1x16xf32> to vector<16xf32>
      %swap3A_1355 = vector.shape_cast %broadcast_in_dim3A_875 : vector<16xf32> to vector<1x16xf32>
      tpu.vector_store %arg11[%swap3A_1351, %swap3A_1352], %swap3A_1355 {strides = array<i32>} : memref<16x128xf32, #tpu.memory_space<vmem>>, vector<1x16xf32>,
      %swap3A_1356 = arith.constant 8 : i32
      %swap3A_1357 = arith.index_cast %swap3A_1356 : i32 to index
      %swap3A_1358 = arith.constant 0 : index
      %swap3A_1359 = tpu.vector_load %arg12[%swap3A_1357, %swap3A_1358] {strides = array<i32>} : memref<16x16xf32, #tpu.memory_space<vmem>>, vector<1x16xf32>,
      %swap3A_1360 = vector.shape_cast %swap3A_1359 : vector<1x16xf32> to vector<16xf32>
      %swap3A_1361 = vector.shape_cast %broadcast_in_dim3A_875 : vector<16xf32> to vector<1x16xf32>
      tpu.vector_store %arg12[%swap3A_1357, %swap3A_1358], %swap3A_1361 {strides = array<i32>} : memref<16x16xf32, #tpu.memory_space<vmem>>, vector<1x16xf32>,
      %swap3A_1362 = arith.constant 9 : i32
      %swap3A_1363 = arith.index_cast %swap3A_1362 : i32 to index
      %swap3A_1364 = arith.constant 0 : index
      %swap3A_1365 = tpu.vector_load %arg11[%swap3A_1363, %swap3A_1364] {strides = array<i32>} : memref<16x128xf32, #tpu.memory_space<vmem>>, vector<1x16xf32>,
      %swap3A_1366 = vector.shape_cast %swap3A_1365 : vector<1x16xf32> to vector<16xf32>
      %swap3A_1367 = vector.shape_cast %broadcast_in_dim3A_875 : vector<16xf32> to vector<1x16xf32>
      tpu.vector_store %arg11[%swap3A_1363, %swap3A_1364], %swap3A_1367 {strides = array<i32>} : memref<16x128xf32, #tpu.memory_space<vmem>>, vector<1x16xf32>,
      %swap3A_1368 = arith.constant 9 : i32
      %swap3A_1369 = arith.index_cast %swap3A_1368 : i32 to index
      %swap3A_1370 = arith.constant 16 : index
      %swap3A_1371 = tpu.vector_load %arg11[%swap3A_1369, %swap3A_1370] {strides = array<i32>} : memref<16x128xf32, #tpu.memory_space<vmem>>, vector<1x16xf32>,
      %swap3A_1372 = vector.shape_cast %swap3A_1371 : vector<1x16xf32> to vector<16xf32>
      %swap3A_1373 = vector.shape_cast %broadcast_in_dim3A_875 : vector<16xf32> to vector<1x16xf32>
      tpu.vector_store %arg11[%swap3A_1369, %swap3A_1370], %swap3A_1373 {strides = array<i32>} : memref<16x128xf32, #tpu.memory_space<vmem>>, vector<1x16xf32>,
      %swap3A_1374 = arith.constant 9 : i32
      %swap3A_1375 = arith.index_cast %swap3A_1374 : i32 to index
      %swap3A_1376 = arith.constant 32 : index
      %swap3A_1377 = tpu.vector_load %arg11[%swap3A_1375, %swap3A_1376] {strides = array<i32>} : memref<16x128xf32, #tpu.memory_space<vmem>>, vector<1x16xf32>,
      %swap3A_1378 = vector.shape_cast %swap3A_1377 : vector<1x16xf32> to vector<16xf32>
      %swap3A_1379 = vector.shape_cast %broadcast_in_dim3A_875 : vector<16xf32> to vector<1x16xf32>
      tpu.vector_store %arg11[%swap3A_1375, %swap3A_1376], %swap3A_1379 {strides = array<i32>} : memref<16x128xf32, #tpu.memory_space<vmem>>, vector<1x16xf32>,
      %swap3A_1380 = arith.constant 9 : i32
      %swap3A_1381 = arith.index_cast %swap3A_1380 : i32 to index
      %swap3A_1382 = arith.constant 48 : index
      %swap3A_1383 = tpu.vector_load %arg11[%swap3A_1381, %swap3A_1382] {strides = array<i32>} : memref<16x128xf32, #tpu.memory_space<vmem>>, vector<1x16xf32>,
      %swap3A_1384 = vector.shape_cast %swap3A_1383 : vector<1x16xf32> to vector<16xf32>
      %swap3A_1385 = vector.shape_cast %broadcast_in_dim3A_875 : vector<16xf32> to vector<1x16xf32>
      tpu.vector_store %arg11[%swap3A_1381, %swap3A_1382], %swap3A_1385 {strides = array<i32>} : memref<16x128xf32, #tpu.memory_space<vmem>>, vector<1x16xf32>,
      %swap3A_1386 = arith.constant 9 : i32
      %swap3A_1387 = arith.index_cast %swap3A_1386 : i32 to index
      %swap3A_1388 = arith.constant 64 : index
      %swap3A_1389 = tpu.vector_load %arg11[%swap3A_1387, %swap3A_1388] {strides = array<i32>} : memref<16x128xf32, #tpu.memory_space<vmem>>, vector<1x16xf32>,
      %swap3A_1390 = vector.shape_cast %swap3A_1389 : vector<1x16xf32> to vector<16xf32>
      %swap3A_1391 = vector.shape_cast %broadcast_in_dim3A_875 : vector<16xf32> to vector<1x16xf32>
      tpu.vector_store %arg11[%swap3A_1387, %swap3A_1388], %swap3A_1391 {strides = array<i32>} : memref<16x128xf32, #tpu.memory_space<vmem>>, vector<1x16xf32>,
      %swap3A_1392 = arith.constant 9 : i32
      %swap3A_1393 = arith.index_cast %swap3A_1392 : i32 to index
      %swap3A_1394 = arith.constant 80 : index
      %swap3A_1395 = tpu.vector_load %arg11[%swap3A_1393, %swap3A_1394] {strides = array<i32>} : memref<16x128xf32, #tpu.memory_space<vmem>>, vector<1x16xf32>,
      %swap3A_1396 = vector.shape_cast %swap3A_1395 : vector<1x16xf32> to vector<16xf32>
      %swap3A_1397 = vector.shape_cast %broadcast_in_dim3A_875 : vector<16xf32> to vector<1x16xf32>
      tpu.vector_store %arg11[%swap3A_1393, %swap3A_1394], %swap3A_1397 {strides = array<i32>} : memref<16x128xf32, #tpu.memory_space<vmem>>, vector<1x16xf32>,
      %swap3A_1398 = arith.constant 9 : i32
      %swap3A_1399 = arith.index_cast %swap3A_1398 : i32 to index
      %swap3A_1400 = arith.constant 96 : index
      %swap3A_1401 = tpu.vector_load %arg11[%swap3A_1399, %swap3A_1400] {strides = array<i32>} : memref<16x128xf32, #tpu.memory_space<vmem>>, vector<1x16xf32>,
      %swap3A_1402 = vector.shape_cast %swap3A_1401 : vector<1x16xf32> to vector<16xf32>
      %swap3A_1403 = vector.shape_cast %broadcast_in_dim3A_875 : vector<16xf32> to vector<1x16xf32>
      tpu.vector_store %arg11[%swap3A_1399, %swap3A_1400], %swap3A_1403 {strides = array<i32>} : memref<16x128xf32, #tpu.memory_space<vmem>>, vector<1x16xf32>,
      %swap3A_1404 = arith.constant 9 : i32
      %swap3A_1405 = arith.index_cast %swap3A_1404 : i32 to index
      %swap3A_1406 = arith.constant 112 : index
      %swap3A_1407 = tpu.vector_load %arg11[%swap3A_1405, %swap3A_1406] {strides = array<i32>} : memref<16x128xf32, #tpu.memory_space<vmem>>, vector<1x16xf32>,
      %swap3A_1408 = vector.shape_cast %swap3A_1407 : vector<1x16xf32> to vector<16xf32>
      %swap3A_1409 = vector.shape_cast %broadcast_in_dim3A_875 : vector<16xf32> to vector<1x16xf32>
      tpu.vector_store %arg11[%swap3A_1405, %swap3A_1406], %swap3A_1409 {strides = array<i32>} : memref<16x128xf32, #tpu.memory_space<vmem>>, vector<1x16xf32>,
      %swap3A_1410 = arith.constant 9 : i32
      %swap3A_1411 = arith.index_cast %swap3A_1410 : i32 to index
      %swap3A_1412 = arith.constant 0 : index
      %swap3A_1413 = tpu.vector_load %arg12[%swap3A_1411, %swap3A_1412] {strides = array<i32>} : memref<16x16xf32, #tpu.memory_space<vmem>>, vector<1x16xf32>,
      %swap3A_1414 = vector.shape_cast %swap3A_1413 : vector<1x16xf32> to vector<16xf32>
      %swap3A_1415 = vector.shape_cast %broadcast_in_dim3A_875 : vector<16xf32> to vector<1x16xf32>
      tpu.vector_store %arg12[%swap3A_1411, %swap3A_1412], %swap3A_1415 {strides = array<i32>} : memref<16x16xf32, #tpu.memory_space<vmem>>, vector<1x16xf32>,
      %swap3A_1416 = arith.constant 10 : i32
      %swap3A_1417 = arith.index_cast %swap3A_1416 : i32 to index
      %swap3A_1418 = arith.constant 0 : index
      %swap3A_1419 = tpu.vector_load %arg11[%swap3A_1417, %swap3A_1418] {strides = array<i32>} : memref<16x128xf32, #tpu.memory_space<vmem>>, vector<1x16xf32>,
      %swap3A_1420 = vector.shape_cast %swap3A_1419 : vector<1x16xf32> to vector<16xf32>
      %swap3A_1421 = vector.shape_cast %broadcast_in_dim3A_875 : vector<16xf32> to vector<1x16xf32>
      tpu.vector_store %arg11[%swap3A_1417, %swap3A_1418], %swap3A_1421 {strides = array<i32>} : memref<16x128xf32, #tpu.memory_space<vmem>>, vector<1x16xf32>,
      %swap3A_1422 = arith.constant 10 : i32
      %swap3A_1423 = arith.index_cast %swap3A_1422 : i32 to index
      %swap3A_1424 = arith.constant 16 : index
      %swap3A_1425 = tpu.vector_load %arg11[%swap3A_1423, %swap3A_1424] {strides = array<i32>} : memref<16x128xf32, #tpu.memory_space<vmem>>, vector<1x16xf32>,
      %swap3A_1426 = vector.shape_cast %swap3A_1425 : vector<1x16xf32> to vector<16xf32>
      %swap3A_1427 = vector.shape_cast %broadcast_in_dim3A_875 : vector<16xf32> to vector<1x16xf32>
      tpu.vector_store %arg11[%swap3A_1423, %swap3A_1424], %swap3A_1427 {strides = array<i32>} : memref<16x128xf32, #tpu.memory_space<vmem>>, vector<1x16xf32>,
      %swap3A_1428 = arith.constant 10 : i32
      %swap3A_1429 = arith.index_cast %swap3A_1428 : i32 to index
      %swap3A_1430 = arith.constant 32 : index
      %swap3A_1431 = tpu.vector_load %arg11[%swap3A_1429, %swap3A_1430] {strides = array<i32>} : memref<16x128xf32, #tpu.memory_space<vmem>>, vector<1x16xf32>,
      %swap3A_1432 = vector.shape_cast %swap3A_1431 : vector<1x16xf32> to vector<16xf32>
      %swap3A_1433 = vector.shape_cast %broadcast_in_dim3A_875 : vector<16xf32> to vector<1x16xf32>
      tpu.vector_store %arg11[%swap3A_1429, %swap3A_1430], %swap3A_1433 {strides = array<i32>} : memref<16x128xf32, #tpu.memory_space<vmem>>, vector<1x16xf32>,
      %swap3A_1434 = arith.constant 10 : i32
      %swap3A_1435 = arith.index_cast %swap3A_1434 : i32 to index
      %swap3A_1436 = arith.constant 48 : index
      %swap3A_1437 = tpu.vector_load %arg11[%swap3A_1435, %swap3A_1436] {strides = array<i32>} : memref<16x128xf32, #tpu.memory_space<vmem>>, vector<1x16xf32>,
      %swap3A_1438 = vector.shape_cast %swap3A_1437 : vector<1x16xf32> to vector<16xf32>
      %swap3A_1439 = vector.shape_cast %broadcast_in_dim3A_875 : vector<16xf32> to vector<1x16xf32>
      tpu.vector_store %arg11[%swap3A_1435, %swap3A_1436], %swap3A_1439 {strides = array<i32>} : memref<16x128xf32, #tpu.memory_space<vmem>>, vector<1x16xf32>,
      %swap3A_1440 = arith.constant 10 : i32
      %swap3A_1441 = arith.index_cast %swap3A_1440 : i32 to index
      %swap3A_1442 = arith.constant 64 : index
      %swap3A_1443 = tpu.vector_load %arg11[%swap3A_1441, %swap3A_1442] {strides = array<i32>} : memref<16x128xf32, #tpu.memory_space<vmem>>, vector<1x16xf32>,
      %swap3A_1444 = vector.shape_cast %swap3A_1443 : vector<1x16xf32> to vector<16xf32>
      %swap3A_1445 = vector.shape_cast %broadcast_in_dim3A_875 : vector<16xf32> to vector<1x16xf32>
      tpu.vector_store %arg11[%swap3A_1441, %swap3A_1442], %swap3A_1445 {strides = array<i32>} : memref<16x128xf32, #tpu.memory_space<vmem>>, vector<1x16xf32>,
      %swap3A_1446 = arith.constant 10 : i32
      %swap3A_1447 = arith.index_cast %swap3A_1446 : i32 to index
      %swap3A_1448 = arith.constant 80 : index
      %swap3A_1449 = tpu.vector_load %arg11[%swap3A_1447, %swap3A_1448] {strides = array<i32>} : memref<16x128xf32, #tpu.memory_space<vmem>>, vector<1x16xf32>,
      %swap3A_1450 = vector.shape_cast %swap3A_1449 : vector<1x16xf32> to vector<16xf32>
      %swap3A_1451 = vector.shape_cast %broadcast_in_dim3A_875 : vector<16xf32> to vector<1x16xf32>
      tpu.vector_store %arg11[%swap3A_1447, %swap3A_1448], %swap3A_1451 {strides = array<i32>} : memref<16x128xf32, #tpu.memory_space<vmem>>, vector<1x16xf32>,
      %swap3A_1452 = arith.constant 10 : i32
      %swap3A_1453 = arith.index_cast %swap3A_1452 : i32 to index
      %swap3A_1454 = arith.constant 96 : index
      %swap3A_1455 = tpu.vector_load %arg11[%swap3A_1453, %swap3A_1454] {strides = array<i32>} : memref<16x128xf32, #tpu.memory_space<vmem>>, vector<1x16xf32>,
      %swap3A_1456 = vector.shape_cast %swap3A_1455 : vector<1x16xf32> to vector<16xf32>
      %swap3A_1457 = vector.shape_cast %broadcast_in_dim3A_875 : vector<16xf32> to vector<1x16xf32>
      tpu.vector_store %arg11[%swap3A_1453, %swap3A_1454], %swap3A_1457 {strides = array<i32>} : memref<16x128xf32, #tpu.memory_space<vmem>>, vector<1x16xf32>,
      %swap3A_1458 = arith.constant 10 : i32
      %swap3A_1459 = arith.index_cast %swap3A_1458 : i32 to index
      %swap3A_1460 = arith.constant 112 : index
      %swap3A_1461 = tpu.vector_load %arg11[%swap3A_1459, %swap3A_1460] {strides = array<i32>} : memref<16x128xf32, #tpu.memory_space<vmem>>, vector<1x16xf32>,
      %swap3A_1462 = vector.shape_cast %swap3A_1461 : vector<1x16xf32> to vector<16xf32>
      %swap3A_1463 = vector.shape_cast %broadcast_in_dim3A_875 : vector<16xf32> to vector<1x16xf32>
      tpu.vector_store %arg11[%swap3A_1459, %swap3A_1460], %swap3A_1463 {strides = array<i32>} : memref<16x128xf32, #tpu.memory_space<vmem>>, vector<1x16xf32>,
      %swap3A_1464 = arith.constant 10 : i32
      %swap3A_1465 = arith.index_cast %swap3A_1464 : i32 to index
      %swap3A_1466 = arith.constant 0 : index
      %swap3A_1467 = tpu.vector_load %arg12[%swap3A_1465, %swap3A_1466] {strides = array<i32>} : memref<16x16xf32, #tpu.memory_space<vmem>>, vector<1x16xf32>,
      %swap3A_1468 = vector.shape_cast %swap3A_1467 : vector<1x16xf32> to vector<16xf32>
      %swap3A_1469 = vector.shape_cast %broadcast_in_dim3A_875 : vector<16xf32> to vector<1x16xf32>
      tpu.vector_store %arg12[%swap3A_1465, %swap3A_1466], %swap3A_1469 {strides = array<i32>} : memref<16x16xf32, #tpu.memory_space<vmem>>, vector<1x16xf32>,
      %swap3A_1470 = arith.constant 11 : i32
      %swap3A_1471 = arith.index_cast %swap3A_1470 : i32 to index
      %swap3A_1472 = arith.constant 0 : index
      %swap3A_1473 = tpu.vector_load %arg11[%swap3A_1471, %swap3A_1472] {strides = array<i32>} : memref<16x128xf32, #tpu.memory_space<vmem>>, vector<1x16xf32>,
      %swap3A_1474 = vector.shape_cast %swap3A_1473 : vector<1x16xf32> to vector<16xf32>
      %swap3A_1475 = vector.shape_cast %broadcast_in_dim3A_875 : vector<16xf32> to vector<1x16xf32>
      tpu.vector_store %arg11[%swap3A_1471, %swap3A_1472], %swap3A_1475 {strides = array<i32>} : memref<16x128xf32, #tpu.memory_space<vmem>>, vector<1x16xf32>,
      %swap3A_1476 = arith.constant 11 : i32
      %swap3A_1477 = arith.index_cast %swap3A_1476 : i32 to index
      %swap3A_1478 = arith.constant 16 : index
      %swap3A_1479 = tpu.vector_load %arg11[%swap3A_1477, %swap3A_1478] {strides = array<i32>} : memref<16x128xf32, #tpu.memory_space<vmem>>, vector<1x16xf32>,
      %swap3A_1480 = vector.shape_cast %swap3A_1479 : vector<1x16xf32> to vector<16xf32>
      %swap3A_1481 = vector.shape_cast %broadcast_in_dim3A_875 : vector<16xf32> to vector<1x16xf32>
      tpu.vector_store %arg11[%swap3A_1477, %swap3A_1478], %swap3A_1481 {strides = array<i32>} : memref<16x128xf32, #tpu.memory_space<vmem>>, vector<1x16xf32>,
      %swap3A_1482 = arith.constant 11 : i32
      %swap3A_1483 = arith.index_cast %swap3A_1482 : i32 to index
      %swap3A_1484 = arith.constant 32 : index
      %swap3A_1485 = tpu.vector_load %arg11[%swap3A_1483, %swap3A_1484] {strides = array<i32>} : memref<16x128xf32, #tpu.memory_space<vmem>>, vector<1x16xf32>,
      %swap3A_1486 = vector.shape_cast %swap3A_1485 : vector<1x16xf32> to vector<16xf32>
      %swap3A_1487 = vector.shape_cast %broadcast_in_dim3A_875 : vector<16xf32> to vector<1x16xf32>
      tpu.vector_store %arg11[%swap3A_1483, %swap3A_1484], %swap3A_1487 {strides = array<i32>} : memref<16x128xf32, #tpu.memory_space<vmem>>, vector<1x16xf32>,
      %swap3A_1488 = arith.constant 11 : i32
      %swap3A_1489 = arith.index_cast %swap3A_1488 : i32 to index
      %swap3A_1490 = arith.constant 48 : index
      %swap3A_1491 = tpu.vector_load %arg11[%swap3A_1489, %swap3A_1490] {strides = array<i32>} : memref<16x128xf32, #tpu.memory_space<vmem>>, vector<1x16xf32>,
      %swap3A_1492 = vector.shape_cast %swap3A_1491 : vector<1x16xf32> to vector<16xf32>
      %swap3A_1493 = vector.shape_cast %broadcast_in_dim3A_875 : vector<16xf32> to vector<1x16xf32>
      tpu.vector_store %arg11[%swap3A_1489, %swap3A_1490], %swap3A_1493 {strides = array<i32>} : memref<16x128xf32, #tpu.memory_space<vmem>>, vector<1x16xf32>,
      %swap3A_1494 = arith.constant 11 : i32
      %swap3A_1495 = arith.index_cast %swap3A_1494 : i32 to index
      %swap3A_1496 = arith.constant 64 : index
      %swap3A_1497 = tpu.vector_load %arg11[%swap3A_1495, %swap3A_1496] {strides = array<i32>} : memref<16x128xf32, #tpu.memory_space<vmem>>, vector<1x16xf32>,
      %swap3A_1498 = vector.shape_cast %swap3A_1497 : vector<1x16xf32> to vector<16xf32>
      %swap3A_1499 = vector.shape_cast %broadcast_in_dim3A_875 : vector<16xf32> to vector<1x16xf32>
      tpu.vector_store %arg11[%swap3A_1495, %swap3A_1496], %swap3A_1499 {strides = array<i32>} : memref<16x128xf32, #tpu.memory_space<vmem>>, vector<1x16xf32>,
      %swap3A_1500 = arith.constant 11 : i32
      %swap3A_1501 = arith.index_cast %swap3A_1500 : i32 to index
      %swap3A_1502 = arith.constant 80 : index
      %swap3A_1503 = tpu.vector_load %arg11[%swap3A_1501, %swap3A_1502] {strides = array<i32>} : memref<16x128xf32, #tpu.memory_space<vmem>>, vector<1x16xf32>,
      %swap3A_1504 = vector.shape_cast %swap3A_1503 : vector<1x16xf32> to vector<16xf32>
      %swap3A_1505 = vector.shape_cast %broadcast_in_dim3A_875 : vector<16xf32> to vector<1x16xf32>
      tpu.vector_store %arg11[%swap3A_1501, %swap3A_1502], %swap3A_1505 {strides = array<i32>} : memref<16x128xf32, #tpu.memory_space<vmem>>, vector<1x16xf32>,
      %swap3A_1506 = arith.constant 11 : i32
      %swap3A_1507 = arith.index_cast %swap3A_1506 : i32 to index
      %swap3A_1508 = arith.constant 96 : index
      %swap3A_1509 = tpu.vector_load %arg11[%swap3A_1507, %swap3A_1508] {strides = array<i32>} : memref<16x128xf32, #tpu.memory_space<vmem>>, vector<1x16xf32>,
      %swap3A_1510 = vector.shape_cast %swap3A_1509 : vector<1x16xf32> to vector<16xf32>
      %swap3A_1511 = vector.shape_cast %broadcast_in_dim3A_875 : vector<16xf32> to vector<1x16xf32>
      tpu.vector_store %arg11[%swap3A_1507, %swap3A_1508], %swap3A_1511 {strides = array<i32>} : memref<16x128xf32, #tpu.memory_space<vmem>>, vector<1x16xf32>,
      %swap3A_1512 = arith.constant 11 : i32
      %swap3A_1513 = arith.index_cast %swap3A_1512 : i32 to index
      %swap3A_1514 = arith.constant 112 : index
      %swap3A_1515 = tpu.vector_load %arg11[%swap3A_1513, %swap3A_1514] {strides = array<i32>} : memref<16x128xf32, #tpu.memory_space<vmem>>, vector<1x16xf32>,
      %swap3A_1516 = vector.shape_cast %swap3A_1515 : vector<1x16xf32> to vector<16xf32>
      %swap3A_1517 = vector.shape_cast %broadcast_in_dim3A_875 : vector<16xf32> to vector<1x16xf32>
      tpu.vector_store %arg11[%swap3A_1513, %swap3A_1514], %swap3A_1517 {strides = array<i32>} : memref<16x128xf32, #tpu.memory_space<vmem>>, vector<1x16xf32>,
      %swap3A_1518 = arith.constant 11 : i32
      %swap3A_1519 = arith.index_cast %swap3A_1518 : i32 to index
      %swap3A_1520 = arith.constant 0 : index
      %swap3A_1521 = tpu.vector_load %arg12[%swap3A_1519, %swap3A_1520] {strides = array<i32>} : memref<16x16xf32, #tpu.memory_space<vmem>>, vector<1x16xf32>,
      %swap3A_1522 = vector.shape_cast %swap3A_1521 : vector<1x16xf32> to vector<16xf32>
      %swap3A_1523 = vector.shape_cast %broadcast_in_dim3A_875 : vector<16xf32> to vector<1x16xf32>
      tpu.vector_store %arg12[%swap3A_1519, %swap3A_1520], %swap3A_1523 {strides = array<i32>} : memref<16x16xf32, #tpu.memory_space<vmem>>, vector<1x16xf32>,
      %swap3A_1524 = arith.constant 12 : i32
      %swap3A_1525 = arith.index_cast %swap3A_1524 : i32 to index
      %swap3A_1526 = arith.constant 0 : index
      %swap3A_1527 = tpu.vector_load %arg11[%swap3A_1525, %swap3A_1526] {strides = array<i32>} : memref<16x128xf32, #tpu.memory_space<vmem>>, vector<1x16xf32>,
      %swap3A_1528 = vector.shape_cast %swap3A_1527 : vector<1x16xf32> to vector<16xf32>
      %swap3A_1529 = vector.shape_cast %broadcast_in_dim3A_875 : vector<16xf32> to vector<1x16xf32>
      tpu.vector_store %arg11[%swap3A_1525, %swap3A_1526], %swap3A_1529 {strides = array<i32>} : memref<16x128xf32, #tpu.memory_space<vmem>>, vector<1x16xf32>,
      %swap3A_1530 = arith.constant 12 : i32
      %swap3A_1531 = arith.index_cast %swap3A_1530 : i32 to index
      %swap3A_1532 = arith.constant 16 : index
      %swap3A_1533 = tpu.vector_load %arg11[%swap3A_1531, %swap3A_1532] {strides = array<i32>} : memref<16x128xf32, #tpu.memory_space<vmem>>, vector<1x16xf32>,
      %swap3A_1534 = vector.shape_cast %swap3A_1533 : vector<1x16xf32> to vector<16xf32>
      %swap3A_1535 = vector.shape_cast %broadcast_in_dim3A_875 : vector<16xf32> to vector<1x16xf32>
      tpu.vector_store %arg11[%swap3A_1531, %swap3A_1532], %swap3A_1535 {strides = array<i32>} : memref<16x128xf32, #tpu.memory_space<vmem>>, vector<1x16xf32>,
      %swap3A_1536 = arith.constant 12 : i32
      %swap3A_1537 = arith.index_cast %swap3A_1536 : i32 to index
      %swap3A_1538 = arith.constant 32 : index
      %swap3A_1539 = tpu.vector_load %arg11[%swap3A_1537, %swap3A_1538] {strides = array<i32>} : memref<16x128xf32, #tpu.memory_space<vmem>>, vector<1x16xf32>,
      %swap3A_1540 = vector.shape_cast %swap3A_1539 : vector<1x16xf32> to vector<16xf32>
      %swap3A_1541 = vector.shape_cast %broadcast_in_dim3A_875 : vector<16xf32> to vector<1x16xf32>
      tpu.vector_store %arg11[%swap3A_1537, %swap3A_1538], %swap3A_1541 {strides = array<i32>} : memref<16x128xf32, #tpu.memory_space<vmem>>, vector<1x16xf32>,
      %swap3A_1542 = arith.constant 12 : i32
      %swap3A_1543 = arith.index_cast %swap3A_1542 : i32 to index
      %swap3A_1544 = arith.constant 48 : index
      %swap3A_1545 = tpu.vector_load %arg11[%swap3A_1543, %swap3A_1544] {strides = array<i32>} : memref<16x128xf32, #tpu.memory_space<vmem>>, vector<1x16xf32>,
      %swap3A_1546 = vector.shape_cast %swap3A_1545 : vector<1x16xf32> to vector<16xf32>
      %swap3A_1547 = vector.shape_cast %broadcast_in_dim3A_875 : vector<16xf32> to vector<1x16xf32>
      tpu.vector_store %arg11[%swap3A_1543, %swap3A_1544], %swap3A_1547 {strides = array<i32>} : memref<16x128xf32, #tpu.memory_space<vmem>>, vector<1x16xf32>,
      %swap3A_1548 = arith.constant 12 : i32
      %swap3A_1549 = arith.index_cast %swap3A_1548 : i32 to index
      %swap3A_1550 = arith.constant 64 : index
      %swap3A_1551 = tpu.vector_load %arg11[%swap3A_1549, %swap3A_1550] {strides = array<i32>} : memref<16x128xf32, #tpu.memory_space<vmem>>, vector<1x16xf32>,
      %swap3A_1552 = vector.shape_cast %swap3A_1551 : vector<1x16xf32> to vector<16xf32>
      %swap3A_1553 = vector.shape_cast %broadcast_in_dim3A_875 : vector<16xf32> to vector<1x16xf32>
      tpu.vector_store %arg11[%swap3A_1549, %swap3A_1550], %swap3A_1553 {strides = array<i32>} : memref<16x128xf32, #tpu.memory_space<vmem>>, vector<1x16xf32>,
      %swap3A_1554 = arith.constant 12 : i32
      %swap3A_1555 = arith.index_cast %swap3A_1554 : i32 to index
      %swap3A_1556 = arith.constant 80 : index
      %swap3A_1557 = tpu.vector_load %arg11[%swap3A_1555, %swap3A_1556] {strides = array<i32>} : memref<16x128xf32, #tpu.memory_space<vmem>>, vector<1x16xf32>,
      %swap3A_1558 = vector.shape_cast %swap3A_1557 : vector<1x16xf32> to vector<16xf32>
      %swap3A_1559 = vector.shape_cast %broadcast_in_dim3A_875 : vector<16xf32> to vector<1x16xf32>
      tpu.vector_store %arg11[%swap3A_1555, %swap3A_1556], %swap3A_1559 {strides = array<i32>} : memref<16x128xf32, #tpu.memory_space<vmem>>, vector<1x16xf32>,
      %swap3A_1560 = arith.constant 12 : i32
      %swap3A_1561 = arith.index_cast %swap3A_1560 : i32 to index
      %swap3A_1562 = arith.constant 96 : index
      %swap3A_1563 = tpu.vector_load %arg11[%swap3A_1561, %swap3A_1562] {strides = array<i32>} : memref<16x128xf32, #tpu.memory_space<vmem>>, vector<1x16xf32>,
      %swap3A_1564 = vector.shape_cast %swap3A_1563 : vector<1x16xf32> to vector<16xf32>
      %swap3A_1565 = vector.shape_cast %broadcast_in_dim3A_875 : vector<16xf32> to vector<1x16xf32>
      tpu.vector_store %arg11[%swap3A_1561, %swap3A_1562], %swap3A_1565 {strides = array<i32>} : memref<16x128xf32, #tpu.memory_space<vmem>>, vector<1x16xf32>,
      %swap3A_1566 = arith.constant 12 : i32
      %swap3A_1567 = arith.index_cast %swap3A_1566 : i32 to index
      %swap3A_1568 = arith.constant 112 : index
      %swap3A_1569 = tpu.vector_load %arg11[%swap3A_1567, %swap3A_1568] {strides = array<i32>} : memref<16x128xf32, #tpu.memory_space<vmem>>, vector<1x16xf32>,
      %swap3A_1570 = vector.shape_cast %swap3A_1569 : vector<1x16xf32> to vector<16xf32>
      %swap3A_1571 = vector.shape_cast %broadcast_in_dim3A_875 : vector<16xf32> to vector<1x16xf32>
      tpu.vector_store %arg11[%swap3A_1567, %swap3A_1568], %swap3A_1571 {strides = array<i32>} : memref<16x128xf32, #tpu.memory_space<vmem>>, vector<1x16xf32>,
      %swap3A_1572 = arith.constant 12 : i32
      %swap3A_1573 = arith.index_cast %swap3A_1572 : i32 to index
      %swap3A_1574 = arith.constant 0 : index
      %swap3A_1575 = tpu.vector_load %arg12[%swap3A_1573, %swap3A_1574] {strides = array<i32>} : memref<16x16xf32, #tpu.memory_space<vmem>>, vector<1x16xf32>,
      %swap3A_1576 = vector.shape_cast %swap3A_1575 : vector<1x16xf32> to vector<16xf32>
      %swap3A_1577 = vector.shape_cast %broadcast_in_dim3A_875 : vector<16xf32> to vector<1x16xf32>
      tpu.vector_store %arg12[%swap3A_1573, %swap3A_1574], %swap3A_1577 {strides = array<i32>} : memref<16x16xf32, #tpu.memory_space<vmem>>, vector<1x16xf32>,
      %swap3A_1578 = arith.constant 13 : i32
      %swap3A_1579 = arith.index_cast %swap3A_1578 : i32 to index
      %swap3A_1580 = arith.constant 0 : index
      %swap3A_1581 = tpu.vector_load %arg11[%swap3A_1579, %swap3A_1580] {strides = array<i32>} : memref<16x128xf32, #tpu.memory_space<vmem>>, vector<1x16xf32>,
      %swap3A_1582 = vector.shape_cast %swap3A_1581 : vector<1x16xf32> to vector<16xf32>
      %swap3A_1583 = vector.shape_cast %broadcast_in_dim3A_875 : vector<16xf32> to vector<1x16xf32>
      tpu.vector_store %arg11[%swap3A_1579, %swap3A_1580], %swap3A_1583 {strides = array<i32>} : memref<16x128xf32, #tpu.memory_space<vmem>>, vector<1x16xf32>,
      %swap3A_1584 = arith.constant 13 : i32
      %swap3A_1585 = arith.index_cast %swap3A_1584 : i32 to index
      %swap3A_1586 = arith.constant 16 : index
      %swap3A_1587 = tpu.vector_load %arg11[%swap3A_1585, %swap3A_1586] {strides = array<i32>} : memref<16x128xf32, #tpu.memory_space<vmem>>, vector<1x16xf32>,
      %swap3A_1588 = vector.shape_cast %swap3A_1587 : vector<1x16xf32> to vector<16xf32>
      %swap3A_1589 = vector.shape_cast %broadcast_in_dim3A_875 : vector<16xf32> to vector<1x16xf32>
      tpu.vector_store %arg11[%swap3A_1585, %swap3A_1586], %swap3A_1589 {strides = array<i32>} : memref<16x128xf32, #tpu.memory_space<vmem>>, vector<1x16xf32>,
      %swap3A_1590 = arith.constant 13 : i32
      %swap3A_1591 = arith.index_cast %swap3A_1590 : i32 to index
      %swap3A_1592 = arith.constant 32 : index
      %swap3A_1593 = tpu.vector_load %arg11[%swap3A_1591, %swap3A_1592] {strides = array<i32>} : memref<16x128xf32, #tpu.memory_space<vmem>>, vector<1x16xf32>,
      %swap3A_1594 = vector.shape_cast %swap3A_1593 : vector<1x16xf32> to vector<16xf32>
      %swap3A_1595 = vector.shape_cast %broadcast_in_dim3A_875 : vector<16xf32> to vector<1x16xf32>
      tpu.vector_store %arg11[%swap3A_1591, %swap3A_1592], %swap3A_1595 {strides = array<i32>} : memref<16x128xf32, #tpu.memory_space<vmem>>, vector<1x16xf32>,
      %swap3A_1596 = arith.constant 13 : i32
      %swap3A_1597 = arith.index_cast %swap3A_1596 : i32 to index
      %swap3A_1598 = arith.constant 48 : index
      %swap3A_1599 = tpu.vector_load %arg11[%swap3A_1597, %swap3A_1598] {strides = array<i32>} : memref<16x128xf32, #tpu.memory_space<vmem>>, vector<1x16xf32>,
      %swap3A_1600 = vector.shape_cast %swap3A_1599 : vector<1x16xf32> to vector<16xf32>
      %swap3A_1601 = vector.shape_cast %broadcast_in_dim3A_875 : vector<16xf32> to vector<1x16xf32>
      tpu.vector_store %arg11[%swap3A_1597, %swap3A_1598], %swap3A_1601 {strides = array<i32>} : memref<16x128xf32, #tpu.memory_space<vmem>>, vector<1x16xf32>,
      %swap3A_1602 = arith.constant 13 : i32
      %swap3A_1603 = arith.index_cast %swap3A_1602 : i32 to index
      %swap3A_1604 = arith.constant 64 : index
      %swap3A_1605 = tpu.vector_load %arg11[%swap3A_1603, %swap3A_1604] {strides = array<i32>} : memref<16x128xf32, #tpu.memory_space<vmem>>, vector<1x16xf32>,
      %swap3A_1606 = vector.shape_cast %swap3A_1605 : vector<1x16xf32> to vector<16xf32>
      %swap3A_1607 = vector.shape_cast %broadcast_in_dim3A_875 : vector<16xf32> to vector<1x16xf32>
      tpu.vector_store %arg11[%swap3A_1603, %swap3A_1604], %swap3A_1607 {strides = array<i32>} : memref<16x128xf32, #tpu.memory_space<vmem>>, vector<1x16xf32>,
      %swap3A_1608 = arith.constant 13 : i32
      %swap3A_1609 = arith.index_cast %swap3A_1608 : i32 to index
      %swap3A_1610 = arith.constant 80 : index
      %swap3A_1611 = tpu.vector_load %arg11[%swap3A_1609, %swap3A_1610] {strides = array<i32>} : memref<16x128xf32, #tpu.memory_space<vmem>>, vector<1x16xf32>,
      %swap3A_1612 = vector.shape_cast %swap3A_1611 : vector<1x16xf32> to vector<16xf32>
      %swap3A_1613 = vector.shape_cast %broadcast_in_dim3A_875 : vector<16xf32> to vector<1x16xf32>
      tpu.vector_store %arg11[%swap3A_1609, %swap3A_1610], %swap3A_1613 {strides = array<i32>} : memref<16x128xf32, #tpu.memory_space<vmem>>, vector<1x16xf32>,
      %swap3A_1614 = arith.constant 13 : i32
      %swap3A_1615 = arith.index_cast %swap3A_1614 : i32 to index
      %swap3A_1616 = arith.constant 96 : index
      %swap3A_1617 = tpu.vector_load %arg11[%swap3A_1615, %swap3A_1616] {strides = array<i32>} : memref<16x128xf32, #tpu.memory_space<vmem>>, vector<1x16xf32>,
      %swap3A_1618 = vector.shape_cast %swap3A_1617 : vector<1x16xf32> to vector<16xf32>
      %swap3A_1619 = vector.shape_cast %broadcast_in_dim3A_875 : vector<16xf32> to vector<1x16xf32>
      tpu.vector_store %arg11[%swap3A_1615, %swap3A_1616], %swap3A_1619 {strides = array<i32>} : memref<16x128xf32, #tpu.memory_space<vmem>>, vector<1x16xf32>,
      %swap3A_1620 = arith.constant 13 : i32
      %swap3A_1621 = arith.index_cast %swap3A_1620 : i32 to index
      %swap3A_1622 = arith.constant 112 : index
      %swap3A_1623 = tpu.vector_load %arg11[%swap3A_1621, %swap3A_1622] {strides = array<i32>} : memref<16x128xf32, #tpu.memory_space<vmem>>, vector<1x16xf32>,
      %swap3A_1624 = vector.shape_cast %swap3A_1623 : vector<1x16xf32> to vector<16xf32>
      %swap3A_1625 = vector.shape_cast %broadcast_in_dim3A_875 : vector<16xf32> to vector<1x16xf32>
      tpu.vector_store %arg11[%swap3A_1621, %swap3A_1622], %swap3A_1625 {strides = array<i32>} : memref<16x128xf32, #tpu.memory_space<vmem>>, vector<1x16xf32>,
      %swap3A_1626 = arith.constant 13 : i32
      %swap3A_1627 = arith.index_cast %swap3A_1626 : i32 to index
      %swap3A_1628 = arith.constant 0 : index
      %swap3A_1629 = tpu.vector_load %arg12[%swap3A_1627, %swap3A_1628] {strides = array<i32>} : memref<16x16xf32, #tpu.memory_space<vmem>>, vector<1x16xf32>,
      %swap3A_1630 = vector.shape_cast %swap3A_1629 : vector<1x16xf32> to vector<16xf32>
      %swap3A_1631 = vector.shape_cast %broadcast_in_dim3A_875 : vector<16xf32> to vector<1x16xf32>
      tpu.vector_store %arg12[%swap3A_1627, %swap3A_1628], %swap3A_1631 {strides = array<i32>} : memref<16x16xf32, #tpu.memory_space<vmem>>, vector<1x16xf32>,
      %swap3A_1632 = arith.constant 14 : i32
      %swap3A_1633 = arith.index_cast %swap3A_1632 : i32 to index
      %swap3A_1634 = arith.constant 0 : index
      %swap3A_1635 = tpu.vector_load %arg11[%swap3A_1633, %swap3A_1634] {strides = array<i32>} : memref<16x128xf32, #tpu.memory_space<vmem>>, vector<1x16xf32>,
      %swap3A_1636 = vector.shape_cast %swap3A_1635 : vector<1x16xf32> to vector<16xf32>
      %swap3A_1637 = vector.shape_cast %broadcast_in_dim3A_875 : vector<16xf32> to vector<1x16xf32>
      tpu.vector_store %arg11[%swap3A_1633, %swap3A_1634], %swap3A_1637 {strides = array<i32>} : memref<16x128xf32, #tpu.memory_space<vmem>>, vector<1x16xf32>,
      %swap3A_1638 = arith.constant 14 : i32
      %swap3A_1639 = arith.index_cast %swap3A_1638 : i32 to index
      %swap3A_1640 = arith.constant 16 : index
      %swap3A_1641 = tpu.vector_load %arg11[%swap3A_1639, %swap3A_1640] {strides = array<i32>} : memref<16x128xf32, #tpu.memory_space<vmem>>, vector<1x16xf32>,
      %swap3A_1642 = vector.shape_cast %swap3A_1641 : vector<1x16xf32> to vector<16xf32>
      %swap3A_1643 = vector.shape_cast %broadcast_in_dim3A_875 : vector<16xf32> to vector<1x16xf32>
      tpu.vector_store %arg11[%swap3A_1639, %swap3A_1640], %swap3A_1643 {strides = array<i32>} : memref<16x128xf32, #tpu.memory_space<vmem>>, vector<1x16xf32>,
      %swap3A_1644 = arith.constant 14 : i32
      %swap3A_1645 = arith.index_cast %swap3A_1644 : i32 to index
      %swap3A_1646 = arith.constant 32 : index
      %swap3A_1647 = tpu.vector_load %arg11[%swap3A_1645, %swap3A_1646] {strides = array<i32>} : memref<16x128xf32, #tpu.memory_space<vmem>>, vector<1x16xf32>,
      %swap3A_1648 = vector.shape_cast %swap3A_1647 : vector<1x16xf32> to vector<16xf32>
      %swap3A_1649 = vector.shape_cast %broadcast_in_dim3A_875 : vector<16xf32> to vector<1x16xf32>
      tpu.vector_store %arg11[%swap3A_1645, %swap3A_1646], %swap3A_1649 {strides = array<i32>} : memref<16x128xf32, #tpu.memory_space<vmem>>, vector<1x16xf32>,
      %swap3A_1650 = arith.constant 14 : i32
      %swap3A_1651 = arith.index_cast %swap3A_1650 : i32 to index
      %swap3A_1652 = arith.constant 48 : index
      %swap3A_1653 = tpu.vector_load %arg11[%swap3A_1651, %swap3A_1652] {strides = array<i32>} : memref<16x128xf32, #tpu.memory_space<vmem>>, vector<1x16xf32>,
      %swap3A_1654 = vector.shape_cast %swap3A_1653 : vector<1x16xf32> to vector<16xf32>
      %swap3A_1655 = vector.shape_cast %broadcast_in_dim3A_875 : vector<16xf32> to vector<1x16xf32>
      tpu.vector_store %arg11[%swap3A_1651, %swap3A_1652], %swap3A_1655 {strides = array<i32>} : memref<16x128xf32, #tpu.memory_space<vmem>>, vector<1x16xf32>,
      %swap3A_1656 = arith.constant 14 : i32
      %swap3A_1657 = arith.index_cast %swap3A_1656 : i32 to index
      %swap3A_1658 = arith.constant 64 : index
      %swap3A_1659 = tpu.vector_load %arg11[%swap3A_1657, %swap3A_1658] {strides = array<i32>} : memref<16x128xf32, #tpu.memory_space<vmem>>, vector<1x16xf32>,
      %swap3A_1660 = vector.shape_cast %swap3A_1659 : vector<1x16xf32> to vector<16xf32>
      %swap3A_1661 = vector.shape_cast %broadcast_in_dim3A_875 : vector<16xf32> to vector<1x16xf32>
      tpu.vector_store %arg11[%swap3A_1657, %swap3A_1658], %swap3A_1661 {strides = array<i32>} : memref<16x128xf32, #tpu.memory_space<vmem>>, vector<1x16xf32>,
      %swap3A_1662 = arith.constant 14 : i32
      %swap3A_1663 = arith.index_cast %swap3A_1662 : i32 to index
      %swap3A_1664 = arith.constant 80 : index
      %swap3A_1665 = tpu.vector_load %arg11[%swap3A_1663, %swap3A_1664] {strides = array<i32>} : memref<16x128xf32, #tpu.memory_space<vmem>>, vector<1x16xf32>,
      %swap3A_1666 = vector.shape_cast %swap3A_1665 : vector<1x16xf32> to vector<16xf32>
      %swap3A_1667 = vector.shape_cast %broadcast_in_dim3A_875 : vector<16xf32> to vector<1x16xf32>
      tpu.vector_store %arg11[%swap3A_1663, %swap3A_1664], %swap3A_1667 {strides = array<i32>} : memref<16x128xf32, #tpu.memory_space<vmem>>, vector<1x16xf32>,
      %swap3A_1668 = arith.constant 14 : i32
      %swap3A_1669 = arith.index_cast %swap3A_1668 : i32 to index
      %swap3A_1670 = arith.constant 96 : index
      %swap3A_1671 = tpu.vector_load %arg11[%swap3A_1669, %swap3A_1670] {strides = array<i32>} : memref<16x128xf32, #tpu.memory_space<vmem>>, vector<1x16xf32>,
      %swap3A_1672 = vector.shape_cast %swap3A_1671 : vector<1x16xf32> to vector<16xf32>
      %swap3A_1673 = vector.shape_cast %broadcast_in_dim3A_875 : vector<16xf32> to vector<1x16xf32>
      tpu.vector_store %arg11[%swap3A_1669, %swap3A_1670], %swap3A_1673 {strides = array<i32>} : memref<16x128xf32, #tpu.memory_space<vmem>>, vector<1x16xf32>,
      %swap3A_1674 = arith.constant 14 : i32
      %swap3A_1675 = arith.index_cast %swap3A_1674 : i32 to index
      %swap3A_1676 = arith.constant 112 : index
      %swap3A_1677 = tpu.vector_load %arg11[%swap3A_1675, %swap3A_1676] {strides = array<i32>} : memref<16x128xf32, #tpu.memory_space<vmem>>, vector<1x16xf32>,
      %swap3A_1678 = vector.shape_cast %swap3A_1677 : vector<1x16xf32> to vector<16xf32>
      %swap3A_1679 = vector.shape_cast %broadcast_in_dim3A_875 : vector<16xf32> to vector<1x16xf32>
      tpu.vector_store %arg11[%swap3A_1675, %swap3A_1676], %swap3A_1679 {strides = array<i32>} : memref<16x128xf32, #tpu.memory_space<vmem>>, vector<1x16xf32>,
      %swap3A_1680 = arith.constant 14 : i32
      %swap3A_1681 = arith.index_cast %swap3A_1680 : i32 to index
      %swap3A_1682 = arith.constant 0 : index
      %swap3A_1683 = tpu.vector_load %arg12[%swap3A_1681, %swap3A_1682] {strides = array<i32>} : memref<16x16xf32, #tpu.memory_space<vmem>>, vector<1x16xf32>,
      %swap3A_1684 = vector.shape_cast %swap3A_1683 : vector<1x16xf32> to vector<16xf32>
      %swap3A_1685 = vector.shape_cast %broadcast_in_dim3A_875 : vector<16xf32> to vector<1x16xf32>
      tpu.vector_store %arg12[%swap3A_1681, %swap3A_1682], %swap3A_1685 {strides = array<i32>} : memref<16x16xf32, #tpu.memory_space<vmem>>, vector<1x16xf32>,
      %swap3A_1686 = arith.constant 15 : i32
      %swap3A_1687 = arith.index_cast %swap3A_1686 : i32 to index
      %swap3A_1688 = arith.constant 0 : index
      %swap3A_1689 = tpu.vector_load %arg11[%swap3A_1687, %swap3A_1688] {strides = array<i32>} : memref<16x128xf32, #tpu.memory_space<vmem>>, vector<1x16xf32>,
      %swap3A_1690 = vector.shape_cast %swap3A_1689 : vector<1x16xf32> to vector<16xf32>
      %swap3A_1691 = vector.shape_cast %broadcast_in_dim3A_875 : vector<16xf32> to vector<1x16xf32>
      tpu.vector_store %arg11[%swap3A_1687, %swap3A_1688], %swap3A_1691 {strides = array<i32>} : memref<16x128xf32, #tpu.memory_space<vmem>>, vector<1x16xf32>,
      %swap3A_1692 = arith.constant 15 : i32
      %swap3A_1693 = arith.index_cast %swap3A_1692 : i32 to index
      %swap3A_1694 = arith.constant 16 : index
      %swap3A_1695 = tpu.vector_load %arg11[%swap3A_1693, %swap3A_1694] {strides = array<i32>} : memref<16x128xf32, #tpu.memory_space<vmem>>, vector<1x16xf32>,
      %swap3A_1696 = vector.shape_cast %swap3A_1695 : vector<1x16xf32> to vector<16xf32>
      %swap3A_1697 = vector.shape_cast %broadcast_in_dim3A_875 : vector<16xf32> to vector<1x16xf32>
      tpu.vector_store %arg11[%swap3A_1693, %swap3A_1694], %swap3A_1697 {strides = array<i32>} : memref<16x128xf32, #tpu.memory_space<vmem>>, vector<1x16xf32>,
      %swap3A_1698 = arith.constant 15 : i32
      %swap3A_1699 = arith.index_cast %swap3A_1698 : i32 to index
      %swap3A_1700 = arith.constant 32 : index
      %swap3A_1701 = tpu.vector_load %arg11[%swap3A_1699, %swap3A_1700] {strides = array<i32>} : memref<16x128xf32, #tpu.memory_space<vmem>>, vector<1x16xf32>,
      %swap3A_1702 = vector.shape_cast %swap3A_1701 : vector<1x16xf32> to vector<16xf32>
      %swap3A_1703 = vector.shape_cast %broadcast_in_dim3A_875 : vector<16xf32> to vector<1x16xf32>
      tpu.vector_store %arg11[%swap3A_1699, %swap3A_1700], %swap3A_1703 {strides = array<i32>} : memref<16x128xf32, #tpu.memory_space<vmem>>, vector<1x16xf32>,
      %swap3A_1704 = arith.constant 15 : i32
      %swap3A_1705 = arith.index_cast %swap3A_1704 : i32 to index
      %swap3A_1706 = arith.constant 48 : index
      %swap3A_1707 = tpu.vector_load %arg11[%swap3A_1705, %swap3A_1706] {strides = array<i32>} : memref<16x128xf32, #tpu.memory_space<vmem>>, vector<1x16xf32>,
      %swap3A_1708 = vector.shape_cast %swap3A_1707 : vector<1x16xf32> to vector<16xf32>
      %swap3A_1709 = vector.shape_cast %broadcast_in_dim3A_875 : vector<16xf32> to vector<1x16xf32>
      tpu.vector_store %arg11[%swap3A_1705, %swap3A_1706], %swap3A_1709 {strides = array<i32>} : memref<16x128xf32, #tpu.memory_space<vmem>>, vector<1x16xf32>,
      %swap3A_1710 = arith.constant 15 : i32
      %swap3A_1711 = arith.index_cast %swap3A_1710 : i32 to index
      %swap3A_1712 = arith.constant 64 : index
      %swap3A_1713 = tpu.vector_load %arg11[%swap3A_1711, %swap3A_1712] {strides = array<i32>} : memref<16x128xf32, #tpu.memory_space<vmem>>, vector<1x16xf32>,
      %swap3A_1714 = vector.shape_cast %swap3A_1713 : vector<1x16xf32> to vector<16xf32>
      %swap3A_1715 = vector.shape_cast %broadcast_in_dim3A_875 : vector<16xf32> to vector<1x16xf32>
      tpu.vector_store %arg11[%swap3A_1711, %swap3A_1712], %swap3A_1715 {strides = array<i32>} : memref<16x128xf32, #tpu.memory_space<vmem>>, vector<1x16xf32>,
      %swap3A_1716 = arith.constant 15 : i32
      %swap3A_1717 = arith.index_cast %swap3A_1716 : i32 to index
      %swap3A_1718 = arith.constant 80 : index
      %swap3A_1719 = tpu.vector_load %arg11[%swap3A_1717, %swap3A_1718] {strides = array<i32>} : memref<16x128xf32, #tpu.memory_space<vmem>>, vector<1x16xf32>,
      %swap3A_1720 = vector.shape_cast %swap3A_1719 : vector<1x16xf32> to vector<16xf32>
      %swap3A_1721 = vector.shape_cast %broadcast_in_dim3A_875 : vector<16xf32> to vector<1x16xf32>
      tpu.vector_store %arg11[%swap3A_1717, %swap3A_1718], %swap3A_1721 {strides = array<i32>} : memref<16x128xf32, #tpu.memory_space<vmem>>, vector<1x16xf32>,
      %swap3A_1722 = arith.constant 15 : i32
      %swap3A_1723 = arith.index_cast %swap3A_1722 : i32 to index
      %swap3A_1724 = arith.constant 96 : index
      %swap3A_1725 = tpu.vector_load %arg11[%swap3A_1723, %swap3A_1724] {strides = array<i32>} : memref<16x128xf32, #tpu.memory_space<vmem>>, vector<1x16xf32>,
      %swap3A_1726 = vector.shape_cast %swap3A_1725 : vector<1x16xf32> to vector<16xf32>
      %swap3A_1727 = vector.shape_cast %broadcast_in_dim3A_875 : vector<16xf32> to vector<1x16xf32>
      tpu.vector_store %arg11[%swap3A_1723, %swap3A_1724], %swap3A_1727 {strides = array<i32>} : memref<16x128xf32, #tpu.memory_space<vmem>>, vector<1x16xf32>,
      %swap3A_1728 = arith.constant 15 : i32
      %swap3A_1729 = arith.index_cast %swap3A_1728 : i32 to index
      %swap3A_1730 = arith.constant 112 : index
      %swap3A_1731 = tpu.vector_load %arg11[%swap3A_1729, %swap3A_1730] {strides = array<i32>} : memref<16x128xf32, #tpu.memory_space<vmem>>, vector<1x16xf32>,
      %swap3A_1732 = vector.shape_cast %swap3A_1731 : vector<1x16xf32> to vector<16xf32>
      %swap3A_1733 = vector.shape_cast %broadcast_in_dim3A_875 : vector<16xf32> to vector<1x16xf32>
      tpu.vector_store %arg11[%swap3A_1729, %swap3A_1730], %swap3A_1733 {strides = array<i32>} : memref<16x128xf32, #tpu.memory_space<vmem>>, vector<1x16xf32>,
      %swap3A_1734 = arith.constant 15 : i32
      %swap3A_1735 = arith.index_cast %swap3A_1734 : i32 to index
      %swap3A_1736 = arith.constant 0 : index
      %swap3A_1737 = tpu.vector_load %arg12[%swap3A_1735, %swap3A_1736] {strides = array<i32>} : memref<16x16xf32, #tpu.memory_space<vmem>>, vector<1x16xf32>,
      %swap3A_1738 = vector.shape_cast %swap3A_1737 : vector<1x16xf32> to vector<16xf32>
      %swap3A_1739 = vector.shape_cast %broadcast_in_dim3A_875 : vector<16xf32> to vector<1x16xf32>
      tpu.vector_store %arg12[%swap3A_1735, %swap3A_1736], %swap3A_1739 {strides = array<i32>} : memref<16x16xf32, #tpu.memory_space<vmem>>, vector<1x16xf32>,
      "tpu.region"() ({
        %run_scoped3A_1740 = tpu.sem_alloc : memref<!tpu.dma_semaphore, #tpu.memory_space<semaphore_mem>>
        tpu.enqueue_dma source(%arg11 : memref<16x128xf32, #tpu.memory_space<vmem>>) target(%arg13 : memref<16x128xf32, #tpu.memory_space<vmem_shared>>) target_semaphore(%run_scoped3A_1740 : memref<!tpu.dma_semaphore, #tpu.memory_space<semaphore_mem>>)
        tpu.wait_dma2 semaphore(%run_scoped3A_1740 : memref<!tpu.dma_semaphore, #tpu.memory_space<semaphore_mem>>) src(%arg11 : memref<16x128xf32, #tpu.memory_space<vmem>>) dst(%arg13 : memref<16x128xf32, #tpu.memory_space<vmem_shared>>)
        tpu.yield
      }) : () -> ()
      "tpu.region"() ({
        %run_scoped3A_1740 = tpu.sem_alloc : memref<!tpu.dma_semaphore, #tpu.memory_space<semaphore_mem>>
        tpu.enqueue_dma source(%arg11 : memref<16x128xf32, #tpu.memory_space<vmem>>) target(%arg14 : memref<16x128xf32, #tpu.memory_space<vmem_shared>>) target_semaphore(%run_scoped3A_1740 : memref<!tpu.dma_semaphore, #tpu.memory_space<semaphore_mem>>)
        tpu.wait_dma2 semaphore(%run_scoped3A_1740 : memref<!tpu.dma_semaphore, #tpu.memory_space<semaphore_mem>>) src(%arg11 : memref<16x128xf32, #tpu.memory_space<vmem>>) dst(%arg14 : memref<16x128xf32, #tpu.memory_space<vmem_shared>>)
        tpu.yield
      }) : () -> ()
      "tpu.region"() ({
        %run_scoped3A_1740 = tpu.sem_alloc : memref<!tpu.dma_semaphore, #tpu.memory_space<semaphore_mem>>
        tpu.enqueue_dma source(%arg12 : memref<16x16xf32, #tpu.memory_space<vmem>>) target(%arg15 : memref<16x16xf32, #tpu.memory_space<vmem_shared>>) target_semaphore(%run_scoped3A_1740 : memref<!tpu.dma_semaphore, #tpu.memory_space<semaphore_mem>>)
        tpu.wait_dma2 semaphore(%run_scoped3A_1740 : memref<!tpu.dma_semaphore, #tpu.memory_space<semaphore_mem>>) src(%arg12 : memref<16x16xf32, #tpu.memory_space<vmem>>) dst(%arg15 : memref<16x16xf32, #tpu.memory_space<vmem_shared>>)
        tpu.yield
      }) : () -> ()
      "tpu.region"() ({
        %run_scoped3A_1740 = tpu.sem_alloc : memref<!tpu.dma_semaphore, #tpu.memory_space<semaphore_mem>>
        tpu.enqueue_dma source(%arg12 : memref<16x16xf32, #tpu.memory_space<vmem>>) target(%arg16 : memref<16x16xf32, #tpu.memory_space<vmem_shared>>) target_semaphore(%run_scoped3A_1740 : memref<!tpu.dma_semaphore, #tpu.memory_space<semaphore_mem>>)
        tpu.wait_dma2 semaphore(%run_scoped3A_1740 : memref<!tpu.dma_semaphore, #tpu.memory_space<semaphore_mem>>) src(%arg12 : memref<16x16xf32, #tpu.memory_space<vmem>>) dst(%arg16 : memref<16x16xf32, #tpu.memory_space<vmem_shared>>)
        tpu.yield
      }) : () -> ()
    } else {
    }
    %barrier3A = arith.constant 0 : index
    tpu.barrier barrier_id(%barrier3A)
    %dma_start3A_798 = arith.constant 1 : i32
    %dma_start3A_799 = arith.constant 0 : i32
    %dma_start3A_800 = arith.constant 0 : i32
    %dma_start3A_801 = tpu.memref_slice %arg8[%dma_start3A_798, %dma_start3A_799, %dma_start3A_800] : memref<2x128x128xf32, #tpu.memory_space<vmem>> -> memref<1x128x128xf32, #tpu.memory_space<vmem>>
    %dma_start3A_802 = tpu.memref_squeeze %dma_start3A_801 : memref<1x128x128xf32, #tpu.memory_space<vmem>> -> memref<128x128xf32, #tpu.memory_space<vmem>>
    %dma_start3A_803 = arith.constant 0 : i32
    %dma_start3A_804 = tpu.memref_slice %arg3[%add3A_6, %dma_start3A_803] : memref<32768x128xf32, #tpu.memory_space<hbm>> -> memref<128x128xf32, #tpu.memory_space<hbm>>
    %dma_start3A_805 = arith.constant 0 : i32
    %dma_start3A_806 = arith.constant 0 : i32
    %dma_start3A_807 = tpu.memref_slice %arg8[%dma_start3A_798, %dma_start3A_805, %dma_start3A_806] : memref<2x128x128xf32, #tpu.memory_space<vmem>> -> memref<1x128x128xf32, #tpu.memory_space<vmem>>
    %dma_start3A_808 = tpu.memref_squeeze %dma_start3A_807 : memref<1x128x128xf32, #tpu.memory_space<vmem>> -> memref<128x128xf32, #tpu.memory_space<vmem>>
    %dma_start3A_809 = arith.constant 0 : i32
    %dma_start3A_810 = tpu.memref_slice %arg3[%add3A_6, %dma_start3A_809] : memref<32768x128xf32, #tpu.memory_space<hbm>> -> memref<128x128xf32, #tpu.memory_space<hbm>>
    tpu.enqueue_dma source(%dma_start3A_810 : memref<128x128xf32, #tpu.memory_space<hbm>>) target(%dma_start3A_808 : memref<128x128xf32, #tpu.memory_space<vmem>>) target_semaphore(%arg18 : memref<!tpu.dma_semaphore, #tpu.memory_space<semaphore_mem>>)
    %dma_start3A_811 = arith.constant 1 : i32
    %dma_start3A_812 = arith.constant 0 : i32
    %dma_start3A_813 = tpu.memref_slice %arg9[%dma_start3A_811, %dma_start3A_812] : memref<2x128xi32, #tpu.memory_space<vmem>> -> memref<1x128xi32, #tpu.memory_space<vmem>>
    %dma_start3A_814 = tpu.memref_squeeze %dma_start3A_813 : memref<1x128xi32, #tpu.memory_space<vmem>> -> memref<128xi32, #tpu.memory_space<vmem>>
    %dma_start3A_815 = tpu.memref_slice %arg5[%add3A_6] : memref<32768xi32, #tpu.memory_space<hbm>> -> memref<128xi32, #tpu.memory_space<hbm>>
    %dma_start3A_816 = arith.constant 0 : i32
    %dma_start3A_817 = tpu.memref_slice %arg9[%dma_start3A_811, %dma_start3A_816] : memref<2x128xi32, #tpu.memory_space<vmem>> -> memref<1x128xi32, #tpu.memory_space<vmem>>
    %dma_start3A_818 = tpu.memref_squeeze %dma_start3A_817 : memref<1x128xi32, #tpu.memory_space<vmem>> -> memref<128xi32, #tpu.memory_space<vmem>>
    %dma_start3A_819 = tpu.memref_slice %arg5[%add3A_6] : memref<32768xi32, #tpu.memory_space<hbm>> -> memref<128xi32, #tpu.memory_space<hbm>>
    tpu.enqueue_dma source(%dma_start3A_819 : memref<128xi32, #tpu.memory_space<hbm>>) target(%dma_start3A_818 : memref<128xi32, #tpu.memory_space<vmem>>) target_semaphore(%arg20 : memref<!tpu.dma_semaphore, #tpu.memory_space<semaphore_mem>>)
    %dma_wait3A = arith.constant 0 : i32
    %dma_wait3A_820 = arith.constant 0 : i32
    %dma_wait3A_821 = arith.constant 0 : i32
    %dma_wait3A_822 = tpu.memref_slice %arg8[%dma_wait3A, %dma_wait3A_820, %dma_wait3A_821] : memref<2x128x128xf32, #tpu.memory_space<vmem>> -> memref<1x128x128xf32, #tpu.memory_space<vmem>>
    %dma_wait3A_823 = tpu.memref_squeeze %dma_wait3A_822 : memref<1x128x128xf32, #tpu.memory_space<vmem>> -> memref<128x128xf32, #tpu.memory_space<vmem>>
    %dma_wait3A_824 = arith.constant 0 : i32
    %dma_wait3A_825 = tpu.memref_slice %arg2[%add3A_4, %dma_wait3A_824] : memref<32768x128xf32, #tpu.memory_space<hbm>> -> memref<128x128xf32, #tpu.memory_space<hbm>>
    %dma_wait3A_826 = arith.constant 0 : i32
    %dma_wait3A_827 = arith.constant 0 : i32
    %dma_wait3A_828 = tpu.memref_slice %arg8[%dma_wait3A, %dma_wait3A_826, %dma_wait3A_827] : memref<2x128x128xf32, #tpu.memory_space<vmem>> -> memref<1x128x128xf32, #tpu.memory_space<vmem>>
    %dma_wait3A_829 = tpu.memref_squeeze %dma_wait3A_828 : memref<1x128x128xf32, #tpu.memory_space<vmem>> -> memref<128x128xf32, #tpu.memory_space<vmem>>
    %dma_wait3A_830 = arith.constant 0 : i32
    %dma_wait3A_831 = tpu.memref_slice %arg2[%add3A_4, %dma_wait3A_830] : memref<32768x128xf32, #tpu.memory_space<hbm>> -> memref<128x128xf32, #tpu.memory_space<hbm>>
    tpu.wait_dma2 semaphore(%arg17 : memref<!tpu.dma_semaphore, #tpu.memory_space<semaphore_mem>>) src(%dma_wait3A_831 : memref<128x128xf32, #tpu.memory_space<hbm>>) dst(%dma_wait3A_829 : memref<128x128xf32, #tpu.memory_space<vmem>>)
    %dma_wait3A_832 = arith.constant 0 : i32
    %dma_wait3A_833 = arith.constant 0 : i32
    %dma_wait3A_834 = tpu.memref_slice %arg9[%dma_wait3A_832, %dma_wait3A_833] : memref<2x128xi32, #tpu.memory_space<vmem>> -> memref<1x128xi32, #tpu.memory_space<vmem>>
    %dma_wait3A_835 = tpu.memref_squeeze %dma_wait3A_834 : memref<1x128xi32, #tpu.memory_space<vmem>> -> memref<128xi32, #tpu.memory_space<vmem>>
    %dma_wait3A_836 = tpu.memref_slice %arg4[%add3A_4] : memref<32768xi32, #tpu.memory_space<hbm>> -> memref<128xi32, #tpu.memory_space<hbm>>
    %dma_wait3A_837 = arith.constant 0 : i32
    %dma_wait3A_838 = tpu.memref_slice %arg9[%dma_wait3A_832, %dma_wait3A_837] : memref<2x128xi32, #tpu.memory_space<vmem>> -> memref<1x128xi32, #tpu.memory_space<vmem>>
    %dma_wait3A_839 = tpu.memref_squeeze %dma_wait3A_838 : memref<1x128xi32, #tpu.memory_space<vmem>> -> memref<128xi32, #tpu.memory_space<vmem>>
    %dma_wait3A_840 = tpu.memref_slice %arg4[%add3A_4] : memref<32768xi32, #tpu.memory_space<hbm>> -> memref<128xi32, #tpu.memory_space<hbm>>
    tpu.wait_dma2 semaphore(%arg19 : memref<!tpu.dma_semaphore, #tpu.memory_space<semaphore_mem>>) src(%dma_wait3A_840 : memref<128xi32, #tpu.memory_space<hbm>>) dst(%dma_wait3A_839 : memref<128xi32, #tpu.memory_space<vmem>>)
    %run_scoped3A = arith.constant 0 : i32
    %run_scoped3A_841 = arith.constant 0 : i32
    "tpu.region"() ({
      %run_scoped3A_874 = tpu.sem_alloc : memref<!tpu.dma_semaphore, #tpu.memory_space<semaphore_mem>>
      %dma_start3A_875 = arith.constant 0 : i32
      %dma_start3A_876 = arith.constant 0 : i32
      %dma_start3A_877 = tpu.memref_slice %arg8[%run_scoped3A, %dma_start3A_875, %dma_start3A_876] : memref<2x128x128xf32, #tpu.memory_space<vmem>> -> memref<1x128x128xf32, #tpu.memory_space<vmem>>
      %dma_start3A_878 = tpu.memref_squeeze %dma_start3A_877 : memref<1x128x128xf32, #tpu.memory_space<vmem>> -> memref<128x128xf32, #tpu.memory_space<vmem>>
      %dma_start3A_879 = arith.constant 0 : i32
      %dma_start3A_880 = tpu.memref_slice %arg9[%run_scoped3A_841, %dma_start3A_879] : memref<2x128xi32, #tpu.memory_space<vmem>> -> memref<1x128xi32, #tpu.memory_space<vmem>>
      %dma_start3A_881 = tpu.memref_squeeze %dma_start3A_880 : memref<1x128xi32, #tpu.memory_space<vmem>> -> memref<128xi32, #tpu.memory_space<vmem>>
      %dma_start3A_882 = arith.constant 0 : i32
      %dma_start3A_883 = arith.constant 0 : i32
      %dma_start3A_884 = tpu.memref_slice %arg13[%dma_start3A_882, %dma_start3A_883] : memref<16x128xf32, #tpu.memory_space<vmem_shared>> -> memref<16x128xf32, #tpu.memory_space<vmem_shared>>
      tpu.enqueue_indirect_dma source(%dma_start3A_878 : memref<128x128xf32, #tpu.memory_space<vmem>>) target(%dma_start3A_884 : memref<16x128xf32, #tpu.memory_space<vmem_shared>>) offsets(%dma_start3A_881 : memref<128xi32, #tpu.memory_space<vmem>>) semaphore(%run_scoped3A_874 : memref<!tpu.dma_semaphore, #tpu.memory_space<semaphore_mem>>) {add = true}
      %dma_wait3A_885 = arith.constant 0 : i32
      %dma_wait3A_886 = arith.constant 0 : i32
      %dma_wait3A_887 = tpu.memref_slice %arg8[%run_scoped3A, %dma_wait3A_885, %dma_wait3A_886] : memref<2x128x128xf32, #tpu.memory_space<vmem>> -> memref<1x128x128xf32, #tpu.memory_space<vmem>>
      %dma_wait3A_888 = tpu.memref_squeeze %dma_wait3A_887 : memref<1x128x128xf32, #tpu.memory_space<vmem>> -> memref<128x128xf32, #tpu.memory_space<vmem>>
      %dma_wait3A_889 = arith.constant 0 : i32
      %dma_wait3A_890 = tpu.memref_slice %arg9[%run_scoped3A_841, %dma_wait3A_889] : memref<2x128xi32, #tpu.memory_space<vmem>> -> memref<1x128xi32, #tpu.memory_space<vmem>>
      %dma_wait3A_891 = tpu.memref_squeeze %dma_wait3A_890 : memref<1x128xi32, #tpu.memory_space<vmem>> -> memref<128xi32, #tpu.memory_space<vmem>>
      %dma_wait3A_892 = arith.constant 0 : i32
      %dma_wait3A_893 = arith.constant 0 : i32
      %dma_wait3A_894 = tpu.memref_slice %arg13[%dma_wait3A_892, %dma_wait3A_893] : memref<16x128xf32, #tpu.memory_space<vmem_shared>> -> memref<16x128xf32, #tpu.memory_space<vmem_shared>>
      tpu.wait_indirect_dma semaphore(%run_scoped3A_874 : memref<!tpu.dma_semaphore, #tpu.memory_space<semaphore_mem>>) src(%dma_wait3A_888 : memref<128x128xf32, #tpu.memory_space<vmem>>) dst(%dma_wait3A_894 : memref<16x128xf32, #tpu.memory_space<vmem_shared>>)
      tpu.yield
    }) : () -> ()
    %run_scoped3A_842 = arith.constant 0 : i32
    "tpu.region"() ({
      %run_scoped3A_874 = tpu.sem_alloc : memref<!tpu.dma_semaphore, #tpu.memory_space<semaphore_mem>>
      %dma_start3A_875 = arith.constant 0 : i32
      %dma_start3A_876 = tpu.memref_slice %arg9[%run_scoped3A_842, %dma_start3A_875] : memref<2x128xi32, #tpu.memory_space<vmem>> -> memref<1x128xi32, #tpu.memory_space<vmem>>
      %dma_start3A_877 = tpu.memref_squeeze %dma_start3A_876 : memref<1x128xi32, #tpu.memory_space<vmem>> -> memref<128xi32, #tpu.memory_space<vmem>>
      %dma_start3A_878 = arith.constant 0 : i32
      %dma_start3A_879 = arith.constant 0 : i32
      %dma_start3A_880 = tpu.memref_slice %arg15[%dma_start3A_878, %dma_start3A_879] : memref<16x16xf32, #tpu.memory_space<vmem_shared>> -> memref<16x16xf32, #tpu.memory_space<vmem_shared>>
      tpu.enqueue_indirect_dma source(%arg10 : memref<128x16xf32, #tpu.memory_space<vmem>>) target(%dma_start3A_880 : memref<16x16xf32, #tpu.memory_space<vmem_shared>>) offsets(%dma_start3A_877 : memref<128xi32, #tpu.memory_space<vmem>>) semaphore(%run_scoped3A_874 : memref<!tpu.dma_semaphore, #tpu.memory_space<semaphore_mem>>) {add = true}
      %dma_wait3A_881 = arith.constant 0 : i32
      %dma_wait3A_882 = tpu.memref_slice %arg9[%run_scoped3A_842, %dma_wait3A_881] : memref<2x128xi32, #tpu.memory_space<vmem>> -> memref<1x128xi32, #tpu.memory_space<vmem>>
      %dma_wait3A_883 = tpu.memref_squeeze %dma_wait3A_882 : memref<1x128xi32, #tpu.memory_space<vmem>> -> memref<128xi32, #tpu.memory_space<vmem>>
      %dma_wait3A_884 = arith.constant 0 : i32
      %dma_wait3A_885 = arith.constant 0 : i32
      %dma_wait3A_886 = tpu.memref_slice %arg15[%dma_wait3A_884, %dma_wait3A_885] : memref<16x16xf32, #tpu.memory_space<vmem_shared>> -> memref<16x16xf32, #tpu.memory_space<vmem_shared>>
      tpu.wait_indirect_dma semaphore(%run_scoped3A_874 : memref<!tpu.dma_semaphore, #tpu.memory_space<semaphore_mem>>) src(%arg10 : memref<128x16xf32, #tpu.memory_space<vmem>>) dst(%dma_wait3A_886 : memref<16x16xf32, #tpu.memory_space<vmem_shared>>)
      tpu.yield
    }) : () -> ()
    %dma_wait3A_843 = arith.constant 1 : i32
    %dma_wait3A_844 = arith.constant 0 : i32
    %dma_wait3A_845 = arith.constant 0 : i32
    %dma_wait3A_846 = tpu.memref_slice %arg8[%dma_wait3A_843, %dma_wait3A_844, %dma_wait3A_845] : memref<2x128x128xf32, #tpu.memory_space<vmem>> -> memref<1x128x128xf32, #tpu.memory_space<vmem>>
    %dma_wait3A_847 = tpu.memref_squeeze %dma_wait3A_846 : memref<1x128x128xf32, #tpu.memory_space<vmem>> -> memref<128x128xf32, #tpu.memory_space<vmem>>
    %dma_wait3A_848 = arith.constant 0 : i32
    %dma_wait3A_849 = tpu.memref_slice %arg3[%add3A_6, %dma_wait3A_848] : memref<32768x128xf32, #tpu.memory_space<hbm>> -> memref<128x128xf32, #tpu.memory_space<hbm>>
    %dma_wait3A_850 = arith.constant 0 : i32
    %dma_wait3A_851 = arith.constant 0 : i32
    %dma_wait3A_852 = tpu.memref_slice %arg8[%dma_wait3A_843, %dma_wait3A_850, %dma_wait3A_851] : memref<2x128x128xf32, #tpu.memory_space<vmem>> -> memref<1x128x128xf32, #tpu.memory_space<vmem>>
    %dma_wait3A_853 = tpu.memref_squeeze %dma_wait3A_852 : memref<1x128x128xf32, #tpu.memory_space<vmem>> -> memref<128x128xf32, #tpu.memory_space<vmem>>
    %dma_wait3A_854 = arith.constant 0 : i32
    %dma_wait3A_855 = tpu.memref_slice %arg3[%add3A_6, %dma_wait3A_854] : memref<32768x128xf32, #tpu.memory_space<hbm>> -> memref<128x128xf32, #tpu.memory_space<hbm>>
    tpu.wait_dma2 semaphore(%arg18 : memref<!tpu.dma_semaphore, #tpu.memory_space<semaphore_mem>>) src(%dma_wait3A_855 : memref<128x128xf32, #tpu.memory_space<hbm>>) dst(%dma_wait3A_853 : memref<128x128xf32, #tpu.memory_space<vmem>>)
    %dma_wait3A_856 = arith.constant 1 : i32
    %dma_wait3A_857 = arith.constant 0 : i32
    %dma_wait3A_858 = tpu.memref_slice %arg9[%dma_wait3A_856, %dma_wait3A_857] : memref<2x128xi32, #tpu.memory_space<vmem>> -> memref<1x128xi32, #tpu.memory_space<vmem>>
    %dma_wait3A_859 = tpu.memref_squeeze %dma_wait3A_858 : memref<1x128xi32, #tpu.memory_space<vmem>> -> memref<128xi32, #tpu.memory_space<vmem>>
    %dma_wait3A_860 = tpu.memref_slice %arg5[%add3A_6] : memref<32768xi32, #tpu.memory_space<hbm>> -> memref<128xi32, #tpu.memory_space<hbm>>
    %dma_wait3A_861 = arith.constant 0 : i32
    %dma_wait3A_862 = tpu.memref_slice %arg9[%dma_wait3A_856, %dma_wait3A_861] : memref<2x128xi32, #tpu.memory_space<vmem>> -> memref<1x128xi32, #tpu.memory_space<vmem>>
    %dma_wait3A_863 = tpu.memref_squeeze %dma_wait3A_862 : memref<1x128xi32, #tpu.memory_space<vmem>> -> memref<128xi32, #tpu.memory_space<vmem>>
    %dma_wait3A_864 = tpu.memref_slice %arg5[%add3A_6] : memref<32768xi32, #tpu.memory_space<hbm>> -> memref<128xi32, #tpu.memory_space<hbm>>
    tpu.wait_dma2 semaphore(%arg20 : memref<!tpu.dma_semaphore, #tpu.memory_space<semaphore_mem>>) src(%dma_wait3A_864 : memref<128xi32, #tpu.memory_space<hbm>>) dst(%dma_wait3A_863 : memref<128xi32, #tpu.memory_space<vmem>>)
    %run_scoped3A_865 = arith.constant 1 : i32
    %run_scoped3A_866 = arith.constant 1 : i32
    "tpu.region"() ({
      %run_scoped3A_874 = tpu.sem_alloc : memref<!tpu.dma_semaphore, #tpu.memory_space<semaphore_mem>>
      %dma_start3A_875 = arith.constant 0 : i32
      %dma_start3A_876 = arith.constant 0 : i32
      %dma_start3A_877 = tpu.memref_slice %arg8[%run_scoped3A_865, %dma_start3A_875, %dma_start3A_876] : memref<2x128x128xf32, #tpu.memory_space<vmem>> -> memref<1x128x128xf32, #tpu.memory_space<vmem>>
      %dma_start3A_878 = tpu.memref_squeeze %dma_start3A_877 : memref<1x128x128xf32, #tpu.memory_space<vmem>> -> memref<128x128xf32, #tpu.memory_space<vmem>>
      %dma_start3A_879 = arith.constant 0 : i32
      %dma_start3A_880 = tpu.memref_slice %arg9[%run_scoped3A_866, %dma_start3A_879] : memref<2x128xi32, #tpu.memory_space<vmem>> -> memref<1x128xi32, #tpu.memory_space<vmem>>
      %dma_start3A_881 = tpu.memref_squeeze %dma_start3A_880 : memref<1x128xi32, #tpu.memory_space<vmem>> -> memref<128xi32, #tpu.memory_space<vmem>>
      %dma_start3A_882 = arith.constant 0 : i32
      %dma_start3A_883 = arith.constant 0 : i32
      %dma_start3A_884 = tpu.memref_slice %arg14[%dma_start3A_882, %dma_start3A_883] : memref<16x128xf32, #tpu.memory_space<vmem_shared>> -> memref<16x128xf32, #tpu.memory_space<vmem_shared>>
      tpu.enqueue_indirect_dma source(%dma_start3A_878 : memref<128x128xf32, #tpu.memory_space<vmem>>) target(%dma_start3A_884 : memref<16x128xf32, #tpu.memory_space<vmem_shared>>) offsets(%dma_start3A_881 : memref<128xi32, #tpu.memory_space<vmem>>) semaphore(%run_scoped3A_874 : memref<!tpu.dma_semaphore, #tpu.memory_space<semaphore_mem>>) {add = true}
      %dma_wait3A_885 = arith.constant 0 : i32
      %dma_wait3A_886 = arith.constant 0 : i32
      %dma_wait3A_887 = tpu.memref_slice %arg8[%run_scoped3A_865, %dma_wait3A_885, %dma_wait3A_886] : memref<2x128x128xf32, #tpu.memory_space<vmem>> -> memref<1x128x128xf32, #tpu.memory_space<vmem>>
      %dma_wait3A_888 = tpu.memref_squeeze %dma_wait3A_887 : memref<1x128x128xf32, #tpu.memory_space<vmem>> -> memref<128x128xf32, #tpu.memory_space<vmem>>
      %dma_wait3A_889 = arith.constant 0 : i32
      %dma_wait3A_890 = tpu.memref_slice %arg9[%run_scoped3A_866, %dma_wait3A_889] : memref<2x128xi32, #tpu.memory_space<vmem>> -> memref<1x128xi32, #tpu.memory_space<vmem>>
      %dma_wait3A_891 = tpu.memref_squeeze %dma_wait3A_890 : memref<1x128xi32, #tpu.memory_space<vmem>> -> memref<128xi32, #tpu.memory_space<vmem>>
      %dma_wait3A_892 = arith.constant 0 : i32
      %dma_wait3A_893 = arith.constant 0 : i32
      %dma_wait3A_894 = tpu.memref_slice %arg14[%dma_wait3A_892, %dma_wait3A_893] : memref<16x128xf32, #tpu.memory_space<vmem_shared>> -> memref<16x128xf32, #tpu.memory_space<vmem_shared>>
      tpu.wait_indirect_dma semaphore(%run_scoped3A_874 : memref<!tpu.dma_semaphore, #tpu.memory_space<semaphore_mem>>) src(%dma_wait3A_888 : memref<128x128xf32, #tpu.memory_space<vmem>>) dst(%dma_wait3A_894 : memref<16x128xf32, #tpu.memory_space<vmem_shared>>)
      tpu.yield
    }) : () -> ()
    %run_scoped3A_867 = arith.constant 1 : i32
    "tpu.region"() ({
      %run_scoped3A_874 = tpu.sem_alloc : memref<!tpu.dma_semaphore, #tpu.memory_space<semaphore_mem>>
      %dma_start3A_875 = arith.constant 0 : i32
      %dma_start3A_876 = tpu.memref_slice %arg9[%run_scoped3A_867, %dma_start3A_875] : memref<2x128xi32, #tpu.memory_space<vmem>> -> memref<1x128xi32, #tpu.memory_space<vmem>>
      %dma_start3A_877 = tpu.memref_squeeze %dma_start3A_876 : memref<1x128xi32, #tpu.memory_space<vmem>> -> memref<128xi32, #tpu.memory_space<vmem>>
      %dma_start3A_878 = arith.constant 0 : i32
      %dma_start3A_879 = arith.constant 0 : i32
      %dma_start3A_880 = tpu.memref_slice %arg16[%dma_start3A_878, %dma_start3A_879] : memref<16x16xf32, #tpu.memory_space<vmem_shared>> -> memref<16x16xf32, #tpu.memory_space<vmem_shared>>
      tpu.enqueue_indirect_dma source(%arg10 : memref<128x16xf32, #tpu.memory_space<vmem>>) target(%dma_start3A_880 : memref<16x16xf32, #tpu.memory_space<vmem_shared>>) offsets(%dma_start3A_877 : memref<128xi32, #tpu.memory_space<vmem>>) semaphore(%run_scoped3A_874 : memref<!tpu.dma_semaphore, #tpu.memory_space<semaphore_mem>>) {add = true}
      %dma_wait3A_881 = arith.constant 0 : i32
      %dma_wait3A_882 = tpu.memref_slice %arg9[%run_scoped3A_867, %dma_wait3A_881] : memref<2x128xi32, #tpu.memory_space<vmem>> -> memref<1x128xi32, #tpu.memory_space<vmem>>
      %dma_wait3A_883 = tpu.memref_squeeze %dma_wait3A_882 : memref<1x128xi32, #tpu.memory_space<vmem>> -> memref<128xi32, #tpu.memory_space<vmem>>
      %dma_wait3A_884 = arith.constant 0 : i32
      %dma_wait3A_885 = arith.constant 0 : i32
      %dma_wait3A_886 = tpu.memref_slice %arg16[%dma_wait3A_884, %dma_wait3A_885] : memref<16x16xf32, #tpu.memory_space<vmem_shared>> -> memref<16x16xf32, #tpu.memory_space<vmem_shared>>
      tpu.wait_indirect_dma semaphore(%run_scoped3A_874 : memref<!tpu.dma_semaphore, #tpu.memory_space<semaphore_mem>>) src(%arg10 : memref<128x16xf32, #tpu.memory_space<vmem>>) dst(%dma_wait3A_886 : memref<16x16xf32, #tpu.memory_space<vmem_shared>>)
      tpu.yield
    }) : () -> ()
    %barrier3A_868 = arith.constant 0 : index
    tpu.barrier barrier_id(%barrier3A_868)
    %eq3A_869 = arith.constant 0 : i32
    %eq3A_870 = arith.cmpi eq, %arg1, %eq3A_869 : i32
    %convert_element_type3A_871 = arith.extui %eq3A_870 : i1 to i32
    %cond3A_872 = arith.constant 0 : i32
    %cond3A_873 = arith.cmpi ne, %convert_element_type3A_871, %cond3A_872 : i32
    scf.if %cond3A_873 {
      %run_scoped3A_874 = arith.constant 0 : i32
      "tpu.region"() ({
        %run_scoped3A_878 = tpu.sem_alloc : memref<!tpu.dma_semaphore, #tpu.memory_space<semaphore_mem>>
        %dma_start3A_879 = arith.constant 0 : i32
        %dma_start3A_880 = arith.constant 0 : i32
        %dma_start3A_881 = tpu.memref_slice %arg6[%arg0, %run_scoped3A_874, %dma_start3A_879, %dma_start3A_880] : memref<2x2x16x128xf32, #tpu.memory_space<hbm>> -> memref<1x1x16x128xf32, #tpu.memory_space<hbm>>
        %dma_start3A_882 = tpu.memref_squeeze %dma_start3A_881 : memref<1x1x16x128xf32, #tpu.memory_space<hbm>> -> memref<16x128xf32, #tpu.memory_space<hbm>>
        tpu.enqueue_dma source(%arg13 : memref<16x128xf32, #tpu.memory_space<vmem_shared>>) target(%dma_start3A_882 : memref<16x128xf32, #tpu.memory_space<hbm>>) target_semaphore(%run_scoped3A_878 : memref<!tpu.dma_semaphore, #tpu.memory_space<semaphore_mem>>)
        %dma_wait3A_883 = arith.constant 0 : i32
        %dma_wait3A_884 = arith.constant 0 : i32
        %dma_wait3A_885 = tpu.memref_slice %arg6[%arg0, %run_scoped3A_874, %dma_wait3A_883, %dma_wait3A_884] : memref<2x2x16x128xf32, #tpu.memory_space<hbm>> -> memref<1x1x16x128xf32, #tpu.memory_space<hbm>>
        %dma_wait3A_886 = tpu.memref_squeeze %dma_wait3A_885 : memref<1x1x16x128xf32, #tpu.memory_space<hbm>> -> memref<16x128xf32, #tpu.memory_space<hbm>>
        tpu.wait_dma2 semaphore(%run_scoped3A_878 : memref<!tpu.dma_semaphore, #tpu.memory_space<semaphore_mem>>) src(%arg13 : memref<16x128xf32, #tpu.memory_space<vmem_shared>>) dst(%dma_wait3A_886 : memref<16x128xf32, #tpu.memory_space<hbm>>)
        tpu.yield
      }) : () -> ()
      %run_scoped3A_875 = arith.constant 1 : i32
      "tpu.region"() ({
        %run_scoped3A_878 = tpu.sem_alloc : memref<!tpu.dma_semaphore, #tpu.memory_space<semaphore_mem>>
        %dma_start3A_879 = arith.constant 0 : i32
        %dma_start3A_880 = arith.constant 0 : i32
        %dma_start3A_881 = tpu.memref_slice %arg6[%arg0, %run_scoped3A_875, %dma_start3A_879, %dma_start3A_880] : memref<2x2x16x128xf32, #tpu.memory_space<hbm>> -> memref<1x1x16x128xf32, #tpu.memory_space<hbm>>
        %dma_start3A_882 = tpu.memref_squeeze %dma_start3A_881 : memref<1x1x16x128xf32, #tpu.memory_space<hbm>> -> memref<16x128xf32, #tpu.memory_space<hbm>>
        tpu.enqueue_dma source(%arg14 : memref<16x128xf32, #tpu.memory_space<vmem_shared>>) target(%dma_start3A_882 : memref<16x128xf32, #tpu.memory_space<hbm>>) target_semaphore(%run_scoped3A_878 : memref<!tpu.dma_semaphore, #tpu.memory_space<semaphore_mem>>)
        %dma_wait3A_883 = arith.constant 0 : i32
        %dma_wait3A_884 = arith.constant 0 : i32
        %dma_wait3A_885 = tpu.memref_slice %arg6[%arg0, %run_scoped3A_875, %dma_wait3A_883, %dma_wait3A_884] : memref<2x2x16x128xf32, #tpu.memory_space<hbm>> -> memref<1x1x16x128xf32, #tpu.memory_space<hbm>>
        %dma_wait3A_886 = tpu.memref_squeeze %dma_wait3A_885 : memref<1x1x16x128xf32, #tpu.memory_space<hbm>> -> memref<16x128xf32, #tpu.memory_space<hbm>>
        tpu.wait_dma2 semaphore(%run_scoped3A_878 : memref<!tpu.dma_semaphore, #tpu.memory_space<semaphore_mem>>) src(%arg14 : memref<16x128xf32, #tpu.memory_space<vmem_shared>>) dst(%dma_wait3A_886 : memref<16x128xf32, #tpu.memory_space<hbm>>)
        tpu.yield
      }) : () -> ()
      %run_scoped3A_876 = arith.constant 0 : i32
      "tpu.region"() ({
        %run_scoped3A_878 = tpu.sem_alloc : memref<!tpu.dma_semaphore, #tpu.memory_space<semaphore_mem>>
        %dma_start3A_879 = arith.constant 0 : i32
        %dma_start3A_880 = arith.constant 0 : i32
        %dma_start3A_881 = tpu.memref_slice %arg7[%arg0, %run_scoped3A_876, %dma_start3A_879, %dma_start3A_880] : memref<2x2x16x16xf32, #tpu.memory_space<hbm>> -> memref<1x1x16x16xf32, #tpu.memory_space<hbm>>
        %dma_start3A_882 = tpu.memref_squeeze %dma_start3A_881 : memref<1x1x16x16xf32, #tpu.memory_space<hbm>> -> memref<16x16xf32, #tpu.memory_space<hbm>>
        tpu.enqueue_dma source(%arg15 : memref<16x16xf32, #tpu.memory_space<vmem_shared>>) target(%dma_start3A_882 : memref<16x16xf32, #tpu.memory_space<hbm>>) target_semaphore(%run_scoped3A_878 : memref<!tpu.dma_semaphore, #tpu.memory_space<semaphore_mem>>)
        %dma_wait3A_883 = arith.constant 0 : i32
        %dma_wait3A_884 = arith.constant 0 : i32
        %dma_wait3A_885 = tpu.memref_slice %arg7[%arg0, %run_scoped3A_876, %dma_wait3A_883, %dma_wait3A_884] : memref<2x2x16x16xf32, #tpu.memory_space<hbm>> -> memref<1x1x16x16xf32, #tpu.memory_space<hbm>>
        %dma_wait3A_886 = tpu.memref_squeeze %dma_wait3A_885 : memref<1x1x16x16xf32, #tpu.memory_space<hbm>> -> memref<16x16xf32, #tpu.memory_space<hbm>>
        tpu.wait_dma2 semaphore(%run_scoped3A_878 : memref<!tpu.dma_semaphore, #tpu.memory_space<semaphore_mem>>) src(%arg15 : memref<16x16xf32, #tpu.memory_space<vmem_shared>>) dst(%dma_wait3A_886 : memref<16x16xf32, #tpu.memory_space<hbm>>)
        tpu.yield
      }) : () -> ()
      %run_scoped3A_877 = arith.constant 1 : i32
      "tpu.region"() ({
        %run_scoped3A_878 = tpu.sem_alloc : memref<!tpu.dma_semaphore, #tpu.memory_space<semaphore_mem>>
        %dma_start3A_879 = arith.constant 0 : i32
        %dma_start3A_880 = arith.constant 0 : i32
        %dma_start3A_881 = tpu.memref_slice %arg7[%arg0, %run_scoped3A_877, %dma_start3A_879, %dma_start3A_880] : memref<2x2x16x16xf32, #tpu.memory_space<hbm>> -> memref<1x1x16x16xf32, #tpu.memory_space<hbm>>
        %dma_start3A_882 = tpu.memref_squeeze %dma_start3A_881 : memref<1x1x16x16xf32, #tpu.memory_space<hbm>> -> memref<16x16xf32, #tpu.memory_space<hbm>>
        tpu.enqueue_dma source(%arg16 : memref<16x16xf32, #tpu.memory_space<vmem_shared>>) target(%dma_start3A_882 : memref<16x16xf32, #tpu.memory_space<hbm>>) target_semaphore(%run_scoped3A_878 : memref<!tpu.dma_semaphore, #tpu.memory_space<semaphore_mem>>)
        %dma_wait3A_883 = arith.constant 0 : i32
        %dma_wait3A_884 = arith.constant 0 : i32
        %dma_wait3A_885 = tpu.memref_slice %arg7[%arg0, %run_scoped3A_877, %dma_wait3A_883, %dma_wait3A_884] : memref<2x2x16x16xf32, #tpu.memory_space<hbm>> -> memref<1x1x16x16xf32, #tpu.memory_space<hbm>>
        %dma_wait3A_886 = tpu.memref_squeeze %dma_wait3A_885 : memref<1x1x16x16xf32, #tpu.memory_space<hbm>> -> memref<16x16xf32, #tpu.memory_space<hbm>>
        tpu.wait_dma2 semaphore(%run_scoped3A_878 : memref<!tpu.dma_semaphore, #tpu.memory_space<semaphore_mem>>) src(%arg16 : memref<16x16xf32, #tpu.memory_space<vmem_shared>>) dst(%dma_wait3A_886 : memref<16x16xf32, #tpu.memory_space<hbm>>)
        tpu.yield
      }) : () -> ()
    } else {
    }
    return
  }
}

module attributes {stable_mosaic.version = 14 : i64} {
  func.func @body(%arg0: i32, %arg1: memref<2048x128xf32, #tpu.memory_space<vmem>>, %arg2: memref<2048x128xf32, #tpu.memory_space<vmem>>, %arg3: memref<1x2048xi32, #tpu.memory_space<vmem>>, %arg4: memref<1x2048xi32, #tpu.memory_space<vmem>>, %arg5: memref<2x16x128xf32, #tpu.memory_space<vmem>>, %arg6: memref<2x16x1xf32, #tpu.memory_space<vmem>>, %arg7: memref<2x16x128xf32, #tpu.memory_space<vmem>>, %arg8: memref<2x16x1xf32, #tpu.memory_space<vmem>>) attributes {dimension_semantics = [#tpu.dimension_semantics<arbitrary>], iteration_bounds = array<i64: 14>, scalar_prefetch = 0 : i64, scratch_operands = 2 : i64, tpu.core_type = #tpu.core_type<tc>, window_params = [{transform_indices = @transform_0, window_bounds = array<i64: 2048, 128>}, {transform_indices = @transform_1, window_bounds = array<i64: 2048, 128>}, {transform_indices = @transform_2, window_bounds = array<i64: 1, 2048>}, {transform_indices = @transform_3, window_bounds = array<i64: 1, 2048>}, {pipeline_mode = #tpu.pipeline_mode<synchronous>, transform_indices = @transform_4, window_bounds = array<i64: 2, 16, 128>}, {pipeline_mode = #tpu.pipeline_mode<synchronous>, transform_indices = @transform_5, window_bounds = array<i64: 2, 16, 1>}]} {
    %eq3A = arith.constant 0 : i32
    %eq3A_0 = arith.cmpi eq, %arg0, %eq3A : i32
    %convert_element_type3A = arith.extui %eq3A_0 : i1 to i32
    %cond3A = arith.constant 0 : i32
    %cond3A_1 = arith.cmpi ne, %convert_element_type3A, %cond3A : i32
    scf.if %cond3A_1 {
      %broadcast_in_dim3A_83 = arith.constant 0.000000e+00 : f32
      %broadcast_in_dim3A_84 = vector.broadcast %broadcast_in_dim3A_83 : f32 to vector<2x16x128xf32>
      %swap3A_85 = arith.constant 0 : index
      %swap3A_86 = arith.constant 0 : index
      %swap3A_87 = arith.constant 0 : index
      %swap3A_88 = vector.load %arg7[%swap3A_85, %swap3A_86, %swap3A_87] : memref<2x16x128xf32, #tpu.memory_space<vmem>>, vector<2x16x128xf32>
      tpu.vector_store %arg7[%swap3A_85, %swap3A_86, %swap3A_87], %broadcast_in_dim3A_84 {strides = array<i32>} : memref<2x16x128xf32, #tpu.memory_space<vmem>>, vector<2x16x128xf32>,
      %broadcast_in_dim3A_89 = arith.constant 0.000000e+00 : f32
      %broadcast_in_dim3A_90 = vector.broadcast %broadcast_in_dim3A_89 : f32 to vector<2x16x1xf32>
      %swap3A_91 = arith.constant 0 : index
      %swap3A_92 = arith.constant 0 : index
      %swap3A_93 = arith.constant 0 : index
      %swap3A_94 = vector.load %arg8[%swap3A_91, %swap3A_92, %swap3A_93] : memref<2x16x1xf32, #tpu.memory_space<vmem>>, vector<2x16x1xf32>
      tpu.vector_store %arg8[%swap3A_91, %swap3A_92, %swap3A_93], %broadcast_in_dim3A_90 {strides = array<i32>} : memref<2x16x1xf32, #tpu.memory_space<vmem>>, vector<2x16x1xf32>,
    } else {
    }
    %iota3A = tpu.iota {dimensions = array<i32: 0>} : vector<16x2048xi32>
    %get3A = arith.constant 0 : index
    %get3A_2 = arith.constant 0 : index
    %get3A_3 = vector.load %arg3[%get3A, %get3A_2] : memref<1x2048xi32, #tpu.memory_space<vmem>>, vector<1x2048xi32>
    %eq3A_4 = vector.broadcast %get3A_3 : vector<1x2048xi32> to vector<16x2048xi32>
    %eq3A_5 = arith.cmpi eq, %iota3A, %eq3A_4 : vector<16x2048xi32>
    %jit3A = arith.constant 1.000000e+00 : f32
    %jit3A_6 = arith.constant 0.000000e+00 : f32
    %broadcast_in_dim3A = vector.broadcast %jit3A : f32 to vector<16x2048xf32>
    %broadcast_in_dim3A_7 = vector.broadcast %jit3A_6 : f32 to vector<16x2048xf32>
    %select_n3A = arith.select %eq3A_5, %broadcast_in_dim3A, %broadcast_in_dim3A_7 : vector<16x2048xi1>, vector<16x2048xf32>
    %get3A_8 = arith.constant 0 : index
    %get3A_9 = arith.constant 0 : index
    %get3A_10 = vector.load %arg4[%get3A_8, %get3A_9] : memref<1x2048xi32, #tpu.memory_space<vmem>>, vector<1x2048xi32>
    %eq3A_11 = vector.broadcast %get3A_10 : vector<1x2048xi32> to vector<16x2048xi32>
    %eq3A_12 = arith.cmpi eq, %iota3A, %eq3A_11 : vector<16x2048xi32>
    %jit3A_13 = arith.constant 1.000000e+00 : f32
    %jit3A_14 = arith.constant 0.000000e+00 : f32
    %broadcast_in_dim3A_15 = vector.broadcast %jit3A_13 : f32 to vector<16x2048xf32>
    %broadcast_in_dim3A_16 = vector.broadcast %jit3A_14 : f32 to vector<16x2048xf32>
    %select_n3A_17 = arith.select %eq3A_12, %broadcast_in_dim3A_15, %broadcast_in_dim3A_16 : vector<16x2048xi1>, vector<16x2048xf32>
    %get3A_18 = arith.constant 0 : index
    %get3A_19 = arith.constant 0 : index
    %get3A_20 = arith.constant 0 : index
    %get3A_21 = vector.load %arg7[%get3A_18, %get3A_19, %get3A_20] : memref<2x16x128xf32, #tpu.memory_space<vmem>>, vector<1x16x128xf32>
    %get3A_22 = vector.shape_cast %get3A_21 : vector<1x16x128xf32> to vector<16x128xf32>
    %get3A_23 = arith.constant 0 : index
    %get3A_24 = arith.constant 0 : index
    %get3A_25 = vector.load %arg1[%get3A_23, %get3A_24] : memref<2048x128xf32, #tpu.memory_space<vmem>>, vector<2048x128xf32>
    %dot_general3A = arith.constant dense<0.000000e+00> : vector<16x128xf32>
    %dot_general3A_26 = tpu.matmul %select_n3A, %get3A_25, %dot_general3A {dimension_numbers = #tpu.dot_dimension_numbers<[1], [0], [0], [1], [0, 0, 1, 1], [], []>, transpose_lhs_hint = false} : vector<16x2048xf32>, vector<2048x128xf32>, vector<16x128xf32> -> vector<16x128xf32>
    %add3A = arith.addf %get3A_22, %dot_general3A_26 : vector<16x128xf32>
    %swap3A = arith.constant 0 : index
    %swap3A_27 = arith.constant 0 : index
    %swap3A_28 = arith.constant 0 : index
    %swap3A_29 = vector.load %arg7[%swap3A, %swap3A_27, %swap3A_28] : memref<2x16x128xf32, #tpu.memory_space<vmem>>, vector<1x16x128xf32>
    %swap3A_30 = vector.shape_cast %swap3A_29 : vector<1x16x128xf32> to vector<16x128xf32>
    %swap3A_31 = vector.shape_cast %add3A : vector<16x128xf32> to vector<1x16x128xf32>
    tpu.vector_store %arg7[%swap3A, %swap3A_27, %swap3A_28], %swap3A_31 {strides = array<i32>} : memref<2x16x128xf32, #tpu.memory_space<vmem>>, vector<1x16x128xf32>,
    %get3A_32 = arith.constant 1 : index
    %get3A_33 = arith.constant 0 : index
    %get3A_34 = arith.constant 0 : index
    %get3A_35 = vector.load %arg7[%get3A_32, %get3A_33, %get3A_34] : memref<2x16x128xf32, #tpu.memory_space<vmem>>, vector<1x16x128xf32>
    %get3A_36 = vector.shape_cast %get3A_35 : vector<1x16x128xf32> to vector<16x128xf32>
    %get3A_37 = arith.constant 0 : index
    %get3A_38 = arith.constant 0 : index
    %get3A_39 = vector.load %arg2[%get3A_37, %get3A_38] : memref<2048x128xf32, #tpu.memory_space<vmem>>, vector<2048x128xf32>
    %dot_general3A_40 = arith.constant dense<0.000000e+00> : vector<16x128xf32>
    %dot_general3A_41 = tpu.matmul %select_n3A_17, %get3A_39, %dot_general3A_40 {dimension_numbers = #tpu.dot_dimension_numbers<[1], [0], [0], [1], [0, 0, 1, 1], [], []>, transpose_lhs_hint = false} : vector<16x2048xf32>, vector<2048x128xf32>, vector<16x128xf32> -> vector<16x128xf32>
    %add3A_42 = arith.addf %get3A_36, %dot_general3A_41 : vector<16x128xf32>
    %swap3A_43 = arith.constant 1 : index
    %swap3A_44 = arith.constant 0 : index
    %swap3A_45 = arith.constant 0 : index
    %swap3A_46 = vector.load %arg7[%swap3A_43, %swap3A_44, %swap3A_45] : memref<2x16x128xf32, #tpu.memory_space<vmem>>, vector<1x16x128xf32>
    %swap3A_47 = vector.shape_cast %swap3A_46 : vector<1x16x128xf32> to vector<16x128xf32>
    %swap3A_48 = vector.shape_cast %add3A_42 : vector<16x128xf32> to vector<1x16x128xf32>
    tpu.vector_store %arg7[%swap3A_43, %swap3A_44, %swap3A_45], %swap3A_48 {strides = array<i32>} : memref<2x16x128xf32, #tpu.memory_space<vmem>>, vector<1x16x128xf32>,
    %get3A_49 = arith.constant 0 : index
    %get3A_50 = arith.constant 0 : index
    %get3A_51 = arith.constant 0 : index
    %get3A_52 = vector.load %arg8[%get3A_49, %get3A_50, %get3A_51] : memref<2x16x1xf32, #tpu.memory_space<vmem>>, vector<1x16x1xf32>
    %get3A_53 = vector.shape_cast %get3A_52 : vector<1x16x1xf32> to vector<16x1xf32>
    %reduce_sum3A = arith.constant dense<0.000000e+00> : vector<16xf32>
    %reduce_sum3A_54 = vector.multi_reduction <add>, %select_n3A, %reduce_sum3A [1] : vector<16x2048xf32> to vector<16xf32>
    %broadcast_in_dim3A_55 = vector.shape_cast %reduce_sum3A_54 : vector<16xf32> to vector<16x1xf32>
    %add3A_56 = arith.addf %get3A_53, %broadcast_in_dim3A_55 : vector<16x1xf32>
    %swap3A_57 = arith.constant 0 : index
    %swap3A_58 = arith.constant 0 : index
    %swap3A_59 = arith.constant 0 : index
    %swap3A_60 = vector.load %arg8[%swap3A_57, %swap3A_58, %swap3A_59] : memref<2x16x1xf32, #tpu.memory_space<vmem>>, vector<1x16x1xf32>
    %swap3A_61 = vector.shape_cast %swap3A_60 : vector<1x16x1xf32> to vector<16x1xf32>
    %swap3A_62 = vector.shape_cast %add3A_56 : vector<16x1xf32> to vector<1x16x1xf32>
    tpu.vector_store %arg8[%swap3A_57, %swap3A_58, %swap3A_59], %swap3A_62 {strides = array<i32>} : memref<2x16x1xf32, #tpu.memory_space<vmem>>, vector<1x16x1xf32>,
    %get3A_63 = arith.constant 1 : index
    %get3A_64 = arith.constant 0 : index
    %get3A_65 = arith.constant 0 : index
    %get3A_66 = vector.load %arg8[%get3A_63, %get3A_64, %get3A_65] : memref<2x16x1xf32, #tpu.memory_space<vmem>>, vector<1x16x1xf32>
    %get3A_67 = vector.shape_cast %get3A_66 : vector<1x16x1xf32> to vector<16x1xf32>
    %reduce_sum3A_68 = arith.constant dense<0.000000e+00> : vector<16xf32>
    %reduce_sum3A_69 = vector.multi_reduction <add>, %select_n3A_17, %reduce_sum3A_68 [1] : vector<16x2048xf32> to vector<16xf32>
    %broadcast_in_dim3A_70 = vector.shape_cast %reduce_sum3A_69 : vector<16xf32> to vector<16x1xf32>
    %add3A_71 = arith.addf %get3A_67, %broadcast_in_dim3A_70 : vector<16x1xf32>
    %swap3A_72 = arith.constant 1 : index
    %swap3A_73 = arith.constant 0 : index
    %swap3A_74 = arith.constant 0 : index
    %swap3A_75 = vector.load %arg8[%swap3A_72, %swap3A_73, %swap3A_74] : memref<2x16x1xf32, #tpu.memory_space<vmem>>, vector<1x16x1xf32>
    %swap3A_76 = vector.shape_cast %swap3A_75 : vector<1x16x1xf32> to vector<16x1xf32>
    %swap3A_77 = vector.shape_cast %add3A_71 : vector<16x1xf32> to vector<1x16x1xf32>
    tpu.vector_store %arg8[%swap3A_72, %swap3A_73, %swap3A_74], %swap3A_77 {strides = array<i32>} : memref<2x16x1xf32, #tpu.memory_space<vmem>>, vector<1x16x1xf32>,
    %eq3A_78 = arith.constant 13 : i32
    %eq3A_79 = arith.cmpi eq, %arg0, %eq3A_78 : i32
    %convert_element_type3A_80 = arith.extui %eq3A_79 : i1 to i32
    %cond3A_81 = arith.constant 0 : i32
    %cond3A_82 = arith.cmpi ne, %convert_element_type3A_80, %cond3A_81 : i32
    scf.if %cond3A_82 {
      %get3A_83 = arith.constant 0 : index
      %get3A_84 = arith.constant 0 : index
      %get3A_85 = arith.constant 0 : index
      %get3A_86 = vector.load %arg7[%get3A_83, %get3A_84, %get3A_85] : memref<2x16x128xf32, #tpu.memory_space<vmem>>, vector<2x16x128xf32>
      %swap3A_87 = arith.constant 0 : index
      %swap3A_88 = arith.constant 0 : index
      %swap3A_89 = arith.constant 0 : index
      %swap3A_90 = vector.load %arg5[%swap3A_87, %swap3A_88, %swap3A_89] : memref<2x16x128xf32, #tpu.memory_space<vmem>>, vector<2x16x128xf32>
      tpu.vector_store %arg5[%swap3A_87, %swap3A_88, %swap3A_89], %get3A_86 {strides = array<i32>} : memref<2x16x128xf32, #tpu.memory_space<vmem>>, vector<2x16x128xf32>,
      %get3A_91 = arith.constant 0 : index
      %get3A_92 = arith.constant 0 : index
      %get3A_93 = arith.constant 0 : index
      %get3A_94 = vector.load %arg8[%get3A_91, %get3A_92, %get3A_93] : memref<2x16x1xf32, #tpu.memory_space<vmem>>, vector<2x16x1xf32>
      %swap3A_95 = arith.constant 0 : index
      %swap3A_96 = arith.constant 0 : index
      %swap3A_97 = arith.constant 0 : index
      %swap3A_98 = vector.load %arg6[%swap3A_95, %swap3A_96, %swap3A_97] : memref<2x16x1xf32, #tpu.memory_space<vmem>>, vector<2x16x1xf32>
      tpu.vector_store %arg6[%swap3A_95, %swap3A_96, %swap3A_97], %get3A_94 {strides = array<i32>} : memref<2x16x1xf32, #tpu.memory_space<vmem>>, vector<2x16x1xf32>,
    } else {
    }
    return
  }
  func.func @transform_0(%arg0: i32) -> (i32, i32) {
    %add3A = arith.constant 2 : i32
    %add3A_0 = arith.addi %add3A, %arg0 : i32
    %c0_i32 = arith.constant 0 : i32
    %c0_i32_1 = arith.constant 0 : i32
    return %add3A_0, %c0_i32 : i32, i32
  }
  func.func @transform_1(%arg0: i32) -> (i32, i32) {
    %add3A = arith.constant 2 : i32
    %add3A_0 = arith.addi %add3A, %arg0 : i32
    %c0_i32 = arith.constant 0 : i32
    %c0_i32_1 = arith.constant 0 : i32
    return %add3A_0, %c0_i32 : i32, i32
  }
  func.func @transform_2(%arg0: i32) -> (i32, i32) {
    %add3A = arith.constant 2 : i32
    %add3A_0 = arith.addi %add3A, %arg0 : i32
    %c0_i32 = arith.constant 0 : i32
    %c0_i32_1 = arith.constant 0 : i32
    return %c0_i32, %add3A_0 : i32, i32
  }
  func.func @transform_3(%arg0: i32) -> (i32, i32) {
    %add3A = arith.constant 2 : i32
    %add3A_0 = arith.addi %add3A, %arg0 : i32
    %c0_i32 = arith.constant 0 : i32
    %c0_i32_1 = arith.constant 0 : i32
    return %c0_i32, %add3A_0 : i32, i32
  }
  func.func @transform_4(%arg0: i32) -> (i32, i32, i32) {
    %c0_i32 = arith.constant 0 : i32
    %c0_i32_0 = arith.constant 0 : i32
    %c0_i32_1 = arith.constant 0 : i32
    %c0_i32_2 = arith.constant 0 : i32
    return %c0_i32, %c0_i32_0, %c0_i32_1 : i32, i32, i32
  }
  func.func @transform_5(%arg0: i32) -> (i32, i32, i32) {
    %c0_i32 = arith.constant 0 : i32
    %c0_i32_0 = arith.constant 0 : i32
    %c0_i32_1 = arith.constant 0 : i32
    %c0_i32_2 = arith.constant 0 : i32
    return %c0_i32, %c0_i32_0, %c0_i32_1 : i32, i32, i32
  }
}

module attributes {stable_mosaic.version = 14 : i64} {
  func.func @body(%arg0: memref<2x2x16x128xf32, #tpu.memory_space<vmem>>, %arg1: memref<2x2x16x16xf32, #tpu.memory_space<vmem>>, %arg2: memref<2x16x128xf32, #tpu.memory_space<vmem>>, %arg3: memref<2x16x1xf32, #tpu.memory_space<vmem>>, %arg4: memref<7x128xf32, #tpu.memory_space<vmem>>, %arg5: memref<7x128xf32, #tpu.memory_space<vmem>>, %arg6: memref<1x7xf32, #tpu.memory_space<vmem>>, %arg7: memref<1x7xf32, #tpu.memory_space<vmem>>, %arg8: memref<5x6xf32, #tpu.memory_space<vmem>>, %arg9: memref<16x1xi32, #tpu.memory_space<vmem>>, %arg10: memref<16xf32, #tpu.memory_space<vmem>>, %arg11: memref<16x7xf32, #tpu.memory_space<vmem>>) attributes {dimension_semantics = [], scalar_prefetch = 0 : i64, scratch_operands = 0 : i64, tpu.core_type = #tpu.core_type<tc>} {
    %get3A = arith.constant 0 : index
    %get3A_0 = arith.constant 0 : index
    %get3A_1 = arith.constant 0 : index
    %get3A_2 = arith.constant 0 : index
    %get3A_3 = vector.load %arg0[%get3A, %get3A_0, %get3A_1, %get3A_2] : memref<2x2x16x128xf32, #tpu.memory_space<vmem>>, vector<2x2x16x128xf32>
    %get3A_4 = arith.constant 0 : index
    %get3A_5 = arith.constant 0 : index
    %get3A_6 = arith.constant 0 : index
    %get3A_7 = arith.constant 0 : index
    %get3A_8 = vector.load %arg1[%get3A_4, %get3A_5, %get3A_6, %get3A_7] : memref<2x2x16x16xf32, #tpu.memory_space<vmem>>, vector<2x2x16x16xf32>
    %get3A_9 = arith.constant 0 : index
    %get3A_10 = arith.constant 0 : index
    %get3A_11 = arith.constant 0 : index
    %get3A_12 = vector.load %arg2[%get3A_9, %get3A_10, %get3A_11] : memref<2x16x128xf32, #tpu.memory_space<vmem>>, vector<2x16x128xf32>
    %get3A_13 = arith.constant 0 : index
    %get3A_14 = arith.constant 0 : index
    %get3A_15 = arith.constant 0 : index
    %get3A_16 = vector.load %arg3[%get3A_13, %get3A_14, %get3A_15] : memref<2x16x1xf32, #tpu.memory_space<vmem>>, vector<2x16x1xf32>
    %slice3A = vector.extract_strided_slice %get3A_3 {offsets = [0, 0, 0, 0], sizes = [1, 1, 16, 128], strides = [1, 1, 1, 1]} : vector<2x2x16x128xf32> to vector<1x1x16x128xf32>
    %squeeze3A = vector.shape_cast %slice3A : vector<1x1x16x128xf32> to vector<16x128xf32>
    %slice3A_17 = vector.extract_strided_slice %get3A_3 {offsets = [1, 0, 0, 0], sizes = [1, 1, 16, 128], strides = [1, 1, 1, 1]} : vector<2x2x16x128xf32> to vector<1x1x16x128xf32>
    %squeeze3A_18 = vector.shape_cast %slice3A_17 : vector<1x1x16x128xf32> to vector<16x128xf32>
    %add3A = arith.addf %squeeze3A, %squeeze3A_18 : vector<16x128xf32>
    %slice3A_19 = vector.extract_strided_slice %get3A_12 {offsets = [0, 0, 0], sizes = [1, 16, 128], strides = [1, 1, 1]} : vector<2x16x128xf32> to vector<1x16x128xf32>
    %squeeze3A_20 = vector.shape_cast %slice3A_19 : vector<1x16x128xf32> to vector<16x128xf32>
    %add3A_21 = arith.addf %add3A, %squeeze3A_20 : vector<16x128xf32>
    %slice3A_22 = vector.extract_strided_slice %get3A_3 {offsets = [0, 1, 0, 0], sizes = [1, 1, 16, 128], strides = [1, 1, 1, 1]} : vector<2x2x16x128xf32> to vector<1x1x16x128xf32>
    %squeeze3A_23 = vector.shape_cast %slice3A_22 : vector<1x1x16x128xf32> to vector<16x128xf32>
    %slice3A_24 = vector.extract_strided_slice %get3A_3 {offsets = [1, 1, 0, 0], sizes = [1, 1, 16, 128], strides = [1, 1, 1, 1]} : vector<2x2x16x128xf32> to vector<1x1x16x128xf32>
    %squeeze3A_25 = vector.shape_cast %slice3A_24 : vector<1x1x16x128xf32> to vector<16x128xf32>
    %add3A_26 = arith.addf %squeeze3A_23, %squeeze3A_25 : vector<16x128xf32>
    %slice3A_27 = vector.extract_strided_slice %get3A_12 {offsets = [1, 0, 0], sizes = [1, 16, 128], strides = [1, 1, 1]} : vector<2x16x128xf32> to vector<1x16x128xf32>
    %squeeze3A_28 = vector.shape_cast %slice3A_27 : vector<1x16x128xf32> to vector<16x128xf32>
    %add3A_29 = arith.addf %add3A_26, %squeeze3A_28 : vector<16x128xf32>
    %slice3A_30 = vector.extract_strided_slice %get3A_8 {offsets = [0, 0, 0, 0], sizes = [1, 1, 16, 16], strides = [1, 1, 1, 1]} : vector<2x2x16x16xf32> to vector<1x1x16x16xf32>
    %squeeze3A_31 = vector.shape_cast %slice3A_30 : vector<1x1x16x16xf32> to vector<16x16xf32>
    %slice3A_32 = vector.extract_strided_slice %get3A_8 {offsets = [1, 0, 0, 0], sizes = [1, 1, 16, 16], strides = [1, 1, 1, 1]} : vector<2x2x16x16xf32> to vector<1x1x16x16xf32>
    %squeeze3A_33 = vector.shape_cast %slice3A_32 : vector<1x1x16x16xf32> to vector<16x16xf32>
    %add3A_34 = arith.addf %squeeze3A_31, %squeeze3A_33 : vector<16x16xf32>
    %slice3A_35 = vector.extract_strided_slice %add3A_34 {offsets = [0, 0], sizes = [16, 1], strides = [1, 1]} : vector<16x16xf32> to vector<16x1xf32>
    %slice3A_36 = vector.extract_strided_slice %get3A_16 {offsets = [0, 0, 0], sizes = [1, 16, 1], strides = [1, 1, 1]} : vector<2x16x1xf32> to vector<1x16x1xf32>
    %squeeze3A_37 = vector.shape_cast %slice3A_36 : vector<1x16x1xf32> to vector<16x1xf32>
    %add3A_38 = arith.addf %slice3A_35, %squeeze3A_37 : vector<16x1xf32>
    %slice3A_39 = vector.extract_strided_slice %get3A_8 {offsets = [0, 1, 0, 0], sizes = [1, 1, 16, 16], strides = [1, 1, 1, 1]} : vector<2x2x16x16xf32> to vector<1x1x16x16xf32>
    %squeeze3A_40 = vector.shape_cast %slice3A_39 : vector<1x1x16x16xf32> to vector<16x16xf32>
    %slice3A_41 = vector.extract_strided_slice %get3A_8 {offsets = [1, 1, 0, 0], sizes = [1, 1, 16, 16], strides = [1, 1, 1, 1]} : vector<2x2x16x16xf32> to vector<1x1x16x16xf32>
    %squeeze3A_42 = vector.shape_cast %slice3A_41 : vector<1x1x16x16xf32> to vector<16x16xf32>
    %add3A_43 = arith.addf %squeeze3A_40, %squeeze3A_42 : vector<16x16xf32>
    %slice3A_44 = vector.extract_strided_slice %add3A_43 {offsets = [0, 0], sizes = [16, 1], strides = [1, 1]} : vector<16x16xf32> to vector<16x1xf32>
    %slice3A_45 = vector.extract_strided_slice %get3A_16 {offsets = [1, 0, 0], sizes = [1, 16, 1], strides = [1, 1, 1]} : vector<2x16x1xf32> to vector<1x16x1xf32>
    %squeeze3A_46 = vector.shape_cast %slice3A_45 : vector<1x16x1xf32> to vector<16x1xf32>
    %add3A_47 = arith.addf %slice3A_44, %squeeze3A_46 : vector<16x1xf32>
    %get3A_48 = arith.constant 0 : index
    %get3A_49 = arith.constant 0 : index
    %get3A_50 = vector.load %arg4[%get3A_48, %get3A_49] : memref<7x128xf32, #tpu.memory_space<vmem>>, vector<7x128xf32>
    %transpose3A = tpu.transpose %get3A_50, [1, 0] : vector<7x128xf32> -> vector<128x7xf32>
    %dot_general3A = arith.constant dense<0.000000e+00> : vector<16x7xf32>
    %dot_general3A_51 = tpu.matmul %add3A_29, %transpose3A, %dot_general3A {dimension_numbers = #tpu.dot_dimension_numbers<[1], [0], [0], [1], [0, 0, 1, 1], [], []>, transpose_lhs_hint = false} : vector<16x128xf32>, vector<128x7xf32>, vector<16x7xf32> -> vector<16x7xf32>
    %get3A_52 = arith.constant 0 : index
    %get3A_53 = arith.constant 0 : index
    %get3A_54 = vector.load %arg5[%get3A_52, %get3A_53] : memref<7x128xf32, #tpu.memory_space<vmem>>, vector<7x128xf32>
    %transpose3A_55 = tpu.transpose %get3A_54, [1, 0] : vector<7x128xf32> -> vector<128x7xf32>
    %dot_general3A_56 = arith.constant dense<0.000000e+00> : vector<16x7xf32>
    %dot_general3A_57 = tpu.matmul %add3A_21, %transpose3A_55, %dot_general3A_56 {dimension_numbers = #tpu.dot_dimension_numbers<[1], [0], [0], [1], [0, 0, 1, 1], [], []>, transpose_lhs_hint = false} : vector<16x128xf32>, vector<128x7xf32>, vector<16x7xf32> -> vector<16x7xf32>
    %add3A_58 = arith.addf %dot_general3A_51, %dot_general3A_57 : vector<16x7xf32>
    %get3A_59 = arith.constant 0 : index
    %get3A_60 = arith.constant 0 : index
    %get3A_61 = vector.load %arg6[%get3A_59, %get3A_60] : memref<1x7xf32, #tpu.memory_space<vmem>>, vector<1x7xf32>
    %mul3A = vector.broadcast %add3A_47 : vector<16x1xf32> to vector<16x7xf32>
    %mul3A_62 = vector.broadcast %get3A_61 : vector<1x7xf32> to vector<16x7xf32>
    %mul3A_63 = arith.mulf %mul3A, %mul3A_62 : vector<16x7xf32>
    %add3A_64 = arith.addf %add3A_58, %mul3A_63 : vector<16x7xf32>
    %get3A_65 = arith.constant 0 : index
    %get3A_66 = arith.constant 0 : index
    %get3A_67 = vector.load %arg7[%get3A_65, %get3A_66] : memref<1x7xf32, #tpu.memory_space<vmem>>, vector<1x7xf32>
    %mul3A_68 = vector.broadcast %add3A_38 : vector<16x1xf32> to vector<16x7xf32>
    %mul3A_69 = vector.broadcast %get3A_67 : vector<1x7xf32> to vector<16x7xf32>
    %mul3A_70 = arith.mulf %mul3A_68, %mul3A_69 : vector<16x7xf32>
    %add3A_71 = arith.addf %add3A_64, %mul3A_70 : vector<16x7xf32>
    %get3A_72 = arith.constant 0 : index
    %get3A_73 = arith.constant 0 : index
    %get3A_74 = vector.load %arg8[%get3A_72, %get3A_73] : memref<5x6xf32, #tpu.memory_space<vmem>>, vector<5x6xf32>
    %reduce_max3A = arith.constant dense<0xFF800000> : vector<5xf32>
    %reduce_max3A_75 = vector.multi_reduction <maximumf>, %get3A_74, %reduce_max3A [1] : vector<5x6xf32> to vector<5xf32>
    %broadcast_in_dim3A = vector.shape_cast %reduce_max3A_75 : vector<5xf32> to vector<5x1xf32>
    %sub3A = vector.broadcast %broadcast_in_dim3A : vector<5x1xf32> to vector<5x6xf32>
    %sub3A_76 = arith.subf %get3A_74, %sub3A : vector<5x6xf32>
    %exp3A = math.exp %sub3A_76 : vector<5x6xf32>
    %reduce_sum3A = arith.constant dense<0.000000e+00> : vector<5xf32>
    %reduce_sum3A_77 = vector.multi_reduction <add>, %exp3A, %reduce_sum3A [1] : vector<5x6xf32> to vector<5xf32>
    %broadcast_in_dim3A_78 = vector.shape_cast %reduce_sum3A_77 : vector<5xf32> to vector<5x1xf32>
    %log3A = math.log %broadcast_in_dim3A_78 : vector<5x1xf32>
    %add3A_79 = arith.addf %broadcast_in_dim3A, %log3A : vector<5x1xf32>
    %sub3A_80 = vector.broadcast %add3A_79 : vector<5x1xf32> to vector<5x6xf32>
    %sub3A_81 = arith.subf %get3A_74, %sub3A_80 : vector<5x6xf32>
    %get3A_82 = arith.constant 0 : index
    %get3A_83 = arith.constant 0 : index
    %get3A_84 = vector.load %arg9[%get3A_82, %get3A_83] : memref<16x1xi32, #tpu.memory_space<vmem>>, vector<16x1xi32>
    %iota3A = tpu.iota {dimensions = array<i32: 1>} : vector<16x5xi32>
    %eq3A = vector.broadcast %get3A_84 : vector<16x1xi32> to vector<16x5xi32>
    %eq3A_85 = arith.cmpi eq, %eq3A, %iota3A : vector<16x5xi32>
    %jit3A = arith.constant 1.000000e+00 : f32
    %jit3A_86 = arith.constant 0.000000e+00 : f32
    %broadcast_in_dim3A_87 = vector.broadcast %jit3A : f32 to vector<16x5xf32>
    %broadcast_in_dim3A_88 = vector.broadcast %jit3A_86 : f32 to vector<16x5xf32>
    %select_n3A = arith.select %eq3A_85, %broadcast_in_dim3A_87, %broadcast_in_dim3A_88 : vector<16x5xi1>, vector<16x5xf32>
    %dot_general3A_89 = arith.constant dense<0.000000e+00> : vector<16x6xf32>
    %dot_general3A_90 = tpu.matmul %select_n3A, %sub3A_81, %dot_general3A_89 {dimension_numbers = #tpu.dot_dimension_numbers<[1], [0], [0], [1], [0, 0, 1, 1], [], []>, transpose_lhs_hint = false} : vector<16x5xf32>, vector<5x6xf32>, vector<16x6xf32> -> vector<16x6xf32>
    %slice3A_91 = vector.extract_strided_slice %add3A_71 {offsets = [0, 1], sizes = [16, 6], strides = [1, 1]} : vector<16x7xf32> to vector<16x6xf32>
    %add3A_92 = arith.addf %slice3A_91, %dot_general3A_90 : vector<16x6xf32>
    %reduce_max3A_93 = arith.constant dense<0xFF800000> : vector<16xf32>
    %reduce_max3A_94 = vector.multi_reduction <maximumf>, %add3A_92, %reduce_max3A_93 [1] : vector<16x6xf32> to vector<16xf32>
    %broadcast_in_dim3A_95 = vector.shape_cast %reduce_max3A_94 : vector<16xf32> to vector<16x1xf32>
    %squeeze3A_96 = vector.shape_cast %broadcast_in_dim3A_95 : vector<16x1xf32> to vector<16xf32>
    %sub3A_97 = vector.broadcast %broadcast_in_dim3A_95 : vector<16x1xf32> to vector<16x6xf32>
    %sub3A_98 = arith.subf %add3A_92, %sub3A_97 : vector<16x6xf32>
    %exp3A_99 = math.exp %sub3A_98 : vector<16x6xf32>
    %reduce_sum3A_100 = arith.constant dense<0.000000e+00> : vector<16xf32>
    %reduce_sum3A_101 = vector.multi_reduction <add>, %exp3A_99, %reduce_sum3A_100 [1] : vector<16x6xf32> to vector<16xf32>
    %log3A_102 = math.log %reduce_sum3A_101 : vector<16xf32>
    %add3A_103 = arith.addf %squeeze3A_96, %log3A_102 : vector<16xf32>
    %slice3A_104 = vector.extract_strided_slice %add3A_71 {offsets = [0, 0], sizes = [16, 1], strides = [1, 1]} : vector<16x7xf32> to vector<16x1xf32>
    %squeeze3A_105 = vector.shape_cast %slice3A_104 : vector<16x1xf32> to vector<16xf32>
    %sub3A_106 = arith.subf %add3A_103, %squeeze3A_105 : vector<16xf32>
    %swap3A = arith.constant 0 : index
    %swap3A_107 = vector.load %arg10[%swap3A] : memref<16xf32, #tpu.memory_space<vmem>>, vector<16xf32>
    tpu.vector_store %arg10[%swap3A], %sub3A_106 {strides = array<i32>} : memref<16xf32, #tpu.memory_space<vmem>>, vector<16xf32>,
    %slice3A_108 = vector.extract_strided_slice %add3A_71 {offsets = [0, 0], sizes = [16, 1], strides = [1, 1]} : vector<16x7xf32> to vector<16x1xf32>
    %concatenate3A = tpu.concatenate %slice3A_108, %add3A_92 in 1 : vector<16x1xf32>, vector<16x6xf32> -> vector<16x7xf32>
    %swap3A_109 = arith.constant 0 : index
    %swap3A_110 = arith.constant 0 : index
    %swap3A_111 = vector.load %arg11[%swap3A_109, %swap3A_110] : memref<16x7xf32, #tpu.memory_space<vmem>>, vector<16x7xf32>
    tpu.vector_store %arg11[%swap3A_109, %swap3A_110], %concatenate3A {strides = array<i32>} : memref<16x7xf32, #tpu.memory_space<vmem>>, vector<16x7xf32>,
    return
  }
}

</mosaic_0001>

<sc_bundles>
// kernel: kernel.5.cloned.1.call-start
scs
__scs_entry_jumppad:
0x0: {  	(pc) =	sbr.rel $0x88, $3  }
0x1: {  	(tag) =	ssettag $0x0;
	lr =	simm.s32 $0x1  }
0x2: {  	[smem:$0x3F97] =	sst lr;
	_ =	strace $0xD0000000  }
0x3: {  	_ = 	snop  }
0x4: {  	_ = 	snop  }
0x5: {  	_ = 	snop  }
0x6: {  	_ = 	snop  }
0x7: {  	_ = 	snop  }
__scs_overlays_trampoline_lowered:
0x8: {  	[smem:$0x3FA6] =	sst s0  }
0x9: {  	[smem:$0x3FA7] =	sst s1  }
0xa: {  	[smem:$0x3FA8] =	sst s2  }
0xb: {  	[smem:$0x3FA9] =	sst s3  }
0xc: {  	[smem:$0x3FAA] =	sst s4  }
0xd: {  	[smem:$0x3FAB] =	sst s5  }
0xe: {  	[smem:$0x3FAC] =	sst s6  }
0xf: {  	[smem:$0x3FAD] =	sst s7  }
0x10: {  	[smem:$0x3FAE] =	sst s8  }
0x11: {  	[smem:$0x3FAF] =	sst s9;
	s0 =	simm.s32 @!p0 $0x0  }
0x12: {  	s1 =	sld [smem:$0x3F95];
	s0 =	simm.s32 @p0 $0x1  }
0x13: {  	[smem:$0x3FB0] =	sst s0;
	s0 =	simm.s32 @!p1 $0x0  }
0x14: {  	s2 =	sld [smem:$0x3F94];
	s0 =	simm.s32 @p1 $0x1  }
0x15: {  	[smem:$0x3FB1] =	sst s0;
	s0 =	simm.s32 @!p2 $0x0  }
0x16: {  	s3 =	sld [smem:$0x3FDB];
	s0 =	simm.s32 @p2 $0x1  }
0x17: {  	s4 =	simm.s32 $0x1BF5;
	[smem:$0x3FB3] =	sst s0  }
0x18: {  	s0 =	sld [smem:$0x3F96];
	_ =	swait.ge [sflag:s4], $0x0  }
0x19: {  	s7 =	sld [smem:$0x3F97]  }
0x1a: {  	s8 =	sadd.s32 $0xFFFFE003, lr  }
0x1b: {  	s9 =	sadd.s32 $0xFFFFFEF7, lr;
	s5 =	simm.s32 $0xFFFFFFFF;
	p2 =	slt.u32 s8, $0xFFFFF086  }
0x1c: {  	p1 =	slt.u32 s9, $0xF7A;
	s5 =	simm.s32 @!p2 $0x0  }
0x1d: {  	s5 =	simm.s32 @p1 $0x1;
	p0 =	seq.s32 s7, s2  }
0x1e: {  	s7 =	smul.u32 @!p0 $0xF7A, s2;
	p2 =	seq.s32 @!p0 s5, $0x0  }
0x1f: {  	s9 =	smul.u32 $0xF7A, s1;
	s8 =	simm.s32 @!p0 $0x1BF5;
	p2 =	por !p2, p0  }
0x20: {  	[sflag:s8] =	ssyncset.s32 @!p0 $0xFFFFF086;
	s6 =	sadd.s32 @!p0 s3, s7;
	s7 =	simm.s32 @!p0 $0x108  }
0x21: {  	s3 =	sadd.s32 s3, s9;
	s6 =	sadd.s32 @!p0 $0x88, s6;
	s7 =	simm.s32 @p2 $0x1082  }
0x22: {  	[simem:s7], [sflag:s8] =	dma.local @!p0 [hbm:s6], $0xF7A  }
0x23: {  	s9 =	sor.u32 $0xD0000000, s2;
	s6 =	simm.s32 $0x108;
	_ =	swait.ge @!p0 [sflag:s8], $0x0  }
0x24: {  	s3 =	sadd.s32 $0x88, s3;
	s6 =	simm.s32 @!p1 $0x1082;
	[sflag:s4] =	ssyncset.s32 $0xFFFFF086  }
0x25: {  	[simem:s6], [sflag:s4] =	dma.local [hbm:s3], $0xF7A  }
0x26: {  	[smem:$0x3F97] =	sst s1;
	(tag) =	ssettag s2;
	_ =	strace s9  }
0x27: {  	s1 =	sld [smem:$0x3FA7]  }
0x28: {  	s2 =	sld [smem:$0x3FA8]  }
0x29: {  	s4 =	sld [smem:$0x3FAA]  }
0x2a: {  	p0 =	seq.s32 s5, $0x0;
	s5 =	sld [smem:$0x3FAB]  }
0x2b: {  	s6 =	sld [smem:$0x3FAC]  }
0x2c: {  	s7 =	sld [smem:$0x3FAD]  }
0x2d: {  	s3 =	simm.s32 $0x108;
	s8 =	sld [smem:$0x3FAE]  }
0x2e: {  	s3 =	simm.s32 @!p0 $0x1082;
	s9 =	sld [smem:$0x3FAF]  }
0x2f: {  	lr =	sadd.s32 s0, s3;
	s0 =	sld [smem:$0x3FA6]  }
0x30: {  	s3 =	sld [smem:$0x3FA9]  }
0x31: {  	[smem:$0x3FB2] =	sst s10  }
0x32: {  	s10 =	sld [smem:$0x3FB0];
	_ =	sdelay $0x3  }
0x33: {  	p0 =	seq.s32 s10, $0x1;
	s10 =	sld [smem:$0x3FB2];
	_ =	sdelay $0x3  }
0x34: {  	[smem:$0x3FB2] =	sst s10  }
0x35: {  	s10 =	sld [smem:$0x3FB1];
	_ =	sdelay $0x3  }
0x36: {  	p1 =	seq.s32 s10, $0x1;
	s10 =	sld [smem:$0x3FB2];
	_ =	sdelay $0x3  }
0x37: {  	[smem:$0x3FB2] =	sst s10  }
0x38: {  	s10 =	sld [smem:$0x3FB3]  }
0x39: {  	_ = 	snop;
	(pc) =	sbr.ind lr, $3  }
0x3a: {  	_ = 	snop  }
0x3b: {  	_ = 	snop  }
0x3c: {  	p2 =	seq.s32 s10, $0x1;
	s10 =	sld [smem:$0x3FB2]  }
0x3d: {  	_ =	shalt  }
0x3e: {  	_ =	shalt  }
0x3f: {  	_ =	shalt  }
0x40: {  	_ =	shalt  }
0x41: {  	_ =	shalt  }
0x42: {  	_ =	shalt  }
0x43: {  	_ =	shalt  }
0x44: {  	_ =	shalt  }
0x45: {  	_ =	shalt  }
0x46: {  	_ =	shalt  }
0x47: {  	_ =	shalt  }
0x48: {  	_ =	shalt  }
0x49: {  	_ =	shalt  }
0x4a: {  	_ =	shalt  }
0x4b: {  	_ =	shalt  }
0x4c: {  	_ =	shalt  }
0x4d: {  	_ =	shalt  }
0x4e: {  	_ =	shalt  }
0x4f: {  	_ =	shalt  }
0x50: {  	_ =	shalt  }
0x51: {  	_ =	shalt  }
0x52: {  	_ =	shalt  }
0x53: {  	_ =	shalt  }
0x54: {  	_ =	shalt  }
0x55: {  	_ =	shalt  }
0x56: {  	_ =	shalt  }
0x57: {  	_ =	shalt  }
0x58: {  	_ =	shalt  }
0x59: {  	_ =	shalt  }
0x5a: {  	_ =	shalt  }
0x5b: {  	_ =	shalt  }
0x5c: {  	_ =	shalt  }
0x5d: {  	_ =	shalt  }
0x5e: {  	_ =	shalt  }
0x5f: {  	_ =	shalt  }
0x60: {  	_ =	shalt  }
0x61: {  	_ =	shalt  }
0x62: {  	_ =	shalt  }
0x63: {  	_ =	shalt  }
0x64: {  	_ =	shalt  }
0x65: {  	_ =	shalt  }
0x66: {  	_ =	shalt  }
0x67: {  	_ =	shalt  }
0x68: {  	_ =	shalt  }
0x69: {  	_ =	shalt  }
0x6a: {  	_ =	shalt  }
0x6b: {  	_ =	shalt  }
0x6c: {  	_ =	shalt  }
0x6d: {  	_ =	shalt  }
0x6e: {  	_ =	shalt  }
0x6f: {  	_ =	shalt  }
0x70: {  	_ =	shalt  }
0x71: {  	_ =	shalt  }
0x72: {  	_ =	shalt  }
0x73: {  	_ =	shalt  }
0x74: {  	_ =	shalt  }
0x75: {  	_ =	shalt  }
0x76: {  	_ =	shalt  }
0x77: {  	_ =	shalt  }
0x78: {  	_ =	shalt  }
0x79: {  	_ =	shalt  }
0x7a: {  	_ =	shalt  }
0x7b: {  	_ =	shalt  }
0x7c: {  	_ =	shalt  }
0x7d: {  	_ =	shalt  }
0x7e: {  	_ =	shalt  }
0x7f: {  	_ =	shalt  }
0x80: {  	_ =	shalt  }
0x81: {  	_ =	shalt  }
0x82: {  	_ =	shalt  }
0x83: {  	_ =	shalt  }
0x84: {  	_ =	shalt  }
0x85: {  	_ =	shalt  }
0x86: {  	_ =	shalt  }
0x87: {  	_ =	shalt  }
.Lfunc_end0:
.L_simem_size_0:
called_computation_lowered:
.L_overlay_start_0:
0x88: {  	s2 =	sld [smem:$0x3FD9]  }
0x89: {  	s3 =	sld [smem:$0x3FFE];
	_ =	sdelay $0x1  }
0x8a: {  	s1 =	srdreg.scid  }
0x8b: {  	s0 =	sand.u32 $0x1, s1  }
0x8c: {  	s17 =	sshll.u32 s0, $0xA;
	s2 =	sadd.s32 s3, s2  }
0x8d: {  	s2 =	sadd.s32 s2, s17  }
0x8e: {  	[smem:$0x3FBE] =	sst s2  }
0x8f: {  	_ = 	snop  }
0x90: {  	s2 =	sld [smem:$0x3FC9]  }
0x91: {  	s18 =	sld [smem:$0x3FC8]  }
0x92: {  	s4 =	sld [smem:$0x3FC7]  }
0x93: {  	s5 =	sld [smem:$0x3FC6];
	(tm) =	ssettm $0x1  }
0x94: {  	s6 =	sld [smem:$0x3FFB];
	_ =	sdelay $0x3  }
0x95: {  	_ =	strace s6  }
0x96: {  	s6 =	sld [smem:$0x3FFC];
	_ =	sdelay $0x3  }
0x97: {  	_ =	strace s6  }
0x98: {  	s6 =	sld [smem:$0x3FFD];
	_ =	sdelay $0x3  }
0x99: {  	_ =	strace s6  }
0x9a: {  	_ =	strace $0x8FFFFFFF  }
0x9b: {  	s19 =	sld [smem:$0x3FDB];
	_ =	sdelay $0x1  }
0x9c: {  	s7 =	simm.s32 $_scs_section_size  }
0x9d: {  	s8 =	simm.s32 $_size__tile_overlayer_lowered;
	s9 =	simm.s32 $_tile_overlayer_lowered  }
0x9e: {  	s22 =	simm.s32 $0x1BFF;
	s21 =	sshll.u32 s9, $0x1;
	s6 =	sadd.s32 s7, s19  }
0x9f: {  	s10 =	simm.s32 $0x0;
	s20 =	sshll.u32 s8, $0x1;
	s8 =	sadd.s32 s21, s6  }
0xa0: {  	[timem:s10], [sflag:s22] =	dma.local [hbm:s8], s20  }
0xa1: {  	_ =	swait.ge [sflag:s22], s20  }
0xa2: {  	s7 =	ssub.s32 $0x0, s20;
	[sflag:s22] =	ssyncset.done $0x0  }
0xa3: {  	[sflag:s22] =	ssyncadd.s32 s7;
	_ =	sdelay $0x1  }
0xa4: {  	s23 =	simm.s32 $0x1B8B  }
0xa5: {  	_ =	swait.ge [sflag:s23], $0x1  }
0xa6: {  	[sflag:s23] =	ssyncset.done $0x0  }
0xa7: {  	s25 =	simm.s32 $0x1B8E;
	s24 =	sld [smem:$0x3FFE];
	[sflag:s23] =	ssyncadd.s32 $0xFFFFFFFF  }
0xa8: {  	s26 =	simm.s32 $execute0_lowered;
	[smem:$0x3FD2] =	sst s25  }
0xa9: {  	s8 =	sshll.u32 s26, $0x1;
	_ =	strace $0x80000046;
	[dreg:$0x1] =	wrdreg $0xFFFFFFFF  }
0xaa: {  	s28 =	simm.s32 $_size_execute0_lowered;
	s6 =	sadd.s32 s6, s8;
	[dreg:$0x0] =	wrdreg $0x0  }
0xab: {  	s8 =	sshll.u32 s28, $0x1;
	[dreg:$0x2] =	wrdreg s6  }
0xac: {  	[dreg:$0x3] =	wrdreg s8  }
0xad: {  	[dreg:$0x4] =	wrdreg $0xC0  }
0xae: {  	_ =	task [dreg:s10], $0x5FFFF  }
0xaf: {  	[dreg:$0x1] =	wrdreg $0xFFFFFFFF  }
0xb0: {  	[dreg:$0x0] =	wrdreg $0x60  }
0xb1: {  	[dreg:$0x2] =	wrdreg s2  }
0xb2: {  	[dreg:$0x3] =	wrdreg s18  }
0xb3: {  	[dreg:$0x4] =	wrdreg s4  }
0xb4: {  	[dreg:$0x5] =	wrdreg s5  }
0xb5: {  	[dreg:$0x6] =	wrdreg s24  }
0xb6: {  	[dreg:$0x7] =	wrdreg $0xD1000  }
0xb7: {  	[dreg:$0x8] =	wrdreg $0xD1800  }
0xb8: {  	[dreg:$0x9] =	wrdreg $0xD2000  }
0xb9: {  	[dreg:$0xa] =	wrdreg $0xD2100  }
0xba: {  	[dreg:$0xb] =	wrdreg $0x9  }
0xbb: {  	_ =	task.clear_ibuf [dreg:s10], $0xCFFFF;
	_ =	strace $0x90000046  }
0xbc: {  	s29 =	simm.s32 $0x9;
	_ =	strace $0x80000048  }
0xbd: {  	_ =	swait.ge [sflag:s29], $0x1  }
0xbe: {  	[sflag:s29] =	ssyncadd.s32 $0xFFFFFFFF  }
0xbf: {  	_ =	strace $0x90000048  }
0xc0: {  	_ =	sfence  }
0xc1: {  	s30 =	sld [smem:$0x0];
	_ =	sdelay $0x2  }
0xc2: {  	s31 =	sshll.u32 s1, $0xD;
	s1 =	sshrl.u32 s1, $0x2  }
0xc3: {  	s3 =	sand.u32 $0x4000, s31;
	s1 =	sadd.s32 s1, s30  }
0xc4: {  	s0 =	sor.u32 s3, s0;
	s1 =	sshll.u32 s1, $0x11  }
0xc5: {  	s0 =	sor.u32 s1, s0  }
0xc6: {  	s0 =	sadd.s32 $0x8F2B, s0  }
0xc7: {  	[sflag:s0] =	ssyncadd.remote.s32 $0x1  }
0xc8: {  	_ =	sfence.sel $0xFFFF  }
0xc9: {  	[dreg:$0x0] =	wrdreg $0xFFFFFFFF;
	(pc) =	sbr.abs _section_cstart, $3  }
0xca: {  	[dreg:$0x1] =	wrdreg $0xFFFFFFFF  }
0xcb: {  	_ =	task.clear_ibuf [dreg:s10], $0x2FFFF;
	_ =	strace $0x9FFFFFFF  }
0xcc: {  	(tm) =	ssettm $0x7FFFFFFF  }
0xcd: {  	_ =	shalt  }
tec
execute0_lowered:
.L_overlay_start_1:
0x0: {  	(tag) =	ssettag $0x1  }
0x1: {  	s6 =	rddreg [dreg:$0x0]  }
0x2: {  	s8 =	rddreg [dreg:$0x1]  }
0x3: {  	s7 =	rddreg [dreg:$0x2]  }
0x4: {  	s9 =	rddreg [dreg:$0x3]  }
0x5: {  	s10 =	rddreg [dreg:$0x4]  }
0x6: {  	s1 =	rddreg [dreg:$0x5]  }
0x7: {  	s2 =	rddreg [dreg:$0x6]  }
0x8: {  	s3 =	rddreg [dreg:$0x7]  }
0x9: {  	s4 =	rddreg [dreg:$0x8]  }
0xa: {  	s0 =	rddreg [dreg:$0x9];
	s5 =	simm.s32 $0x0;
	s11 =	srdreg.scid  }
0xb: {  	s15 =	stileid.u32;
	s18 =	simm.s32 $0xC900;
	s19 =	simm.s32 $0x4000  }
0xc: {  	s20 =	simm.s32 $0x8080;
	s21 =	simm.s32 $0x1;
	s22 =	simm.s32 $0x3  }
0xd: {  	s23 =	simm.s32 $0x80;
	s24 =	simm.s32 $0x8100;
	[smem:$0x7FF] =	sst s5  }
0xe: {  	s12 =	sadd.s32 $0x2200, s10;
	s11 =	sand.u32 $0x1, s11;
	s16 =	sshll.u32 s15, $0x7  }
0xf: {  	s17 =	sadd.s32 $0x2600, s10;
	p0 =	sne.s32 s15, $0x0;
	s15 =	simm.s32 $0x8000  }
0x10: {  	_ =	strace $0x80000047;
	s13 =	ssub.s32 $0x2, s11;
	s14 =	sshll.u32 s11, $0xB  }
0x11: {  	s30 =	sshll.u32 s11, $0x9;
	s25 =	sshrl.u32 s13, $0x1;
	s14 =	sor.u32 s16, s14  }
0x12: {  	s31 =	sor.u32 $0x100, s30;
	s10 =	sadd.s32 s12, s30;
	s16 =	simm.s32 $0xC100  }
.Ltmp0:
0x13: {  	s26 =	ssub.s32 s13, s25;
	s28 =	sshll.u32 s14, $0x4;
	(pc) =	sbr.rel .LBB2_1-.Ltmp0, $4  }
0x14: {  	s29 =	sshrl.u32 s14, $0x3;
	s11 =	sadd.s32 s12, s31;
	s12 =	sadd.s32 s17, s30  }
0x15: {  	s13 =	sadd.s32 s17, s31;
	s17 =	simm.s32 $0x5;
	s25 =	simm.s32 $0x2  }
0x16: {  	s6 =	sadd.s32 s6, s28;
	s7 =	sadd.s32 s7, s29;
	s8 =	sadd.s32 s8, s28  }
0x17: {  	v0 =	vimm.f32 $1.000000000e+00;
	v1 =	vimm.f32 $0.0e+00;
	s9 =	sadd.s32 s9, s29;
	s14 =	smax.u32 s26, $0x1;
	s26 =	simm.s32 $0x4  }
.LBB2_3:
0x18: {  	[bflag:$0x0] =	sbarrier.arrive $0xFFFF  }
0x19: {  	[tilespmem:s19], [sflag:$0x2] =	stream.linear.gather [hbm4b:s8+s5], $0x4000, $0x38;
	[tilespmem:$0xD220] =	vst v63  }
0x1a: {  	_ = 	snop  }
0x1b: {  	[tilespmem:s20], [sflag:$0x4] =	stream.linear.gather [hbm4b:s9+s5], $0x80, $0x38;
	[tilespmem:$0xD220] =	vst v63  }
0x1c: {  	_ =	swait.ge [sflag:s21], $0x4000  }
0x1d: {  	[sflag:s21] =	ssyncset.done $0x0  }
0x1e: {  	[sflag:s21] =	ssyncadd.s32 $0xFFFFC000  }
0x1f: {  	_ =	swait.ge [sflag:s22], $0x80  }
0x20: {  	[sflag:s22] =	ssyncset.done $0x0  }
0x21: {  	[sflag:s22] =	ssyncadd.s32 $0xFFFFFF80  }
0x22: {  	[spmem:s1] =	stream.indirect.scatter.add.f32 [tilespmem:s5], [sflag:$0x5], $0x80, s15, s23, $0xb8;
	[tilespmem:$0xD220] =	vst v63  }
0x23: {  	_ =	swait.ge [sflag:s17], $0x4000  }
0x24: {  	[sflag:s17] =	ssyncset.done $0x0  }
0x25: {  	[sflag:s17] =	ssyncadd.s32 $0xFFFFC000  }
0x26: {  	[spmem:s3] =	stream.indirect.scatter.add.f32 [tilespmem:s24], [sflag:$0x5], $0x10, s15, s23, $0xb8;
	[tilespmem:$0xD220] =	vst v63  }
0x27: {  	_ =	swait.ge [sflag:s17], $0x800  }
0x28: {  	[sflag:s17] =	ssyncset.done $0x0  }
0x29: {  	[sflag:s17] =	ssyncadd.s32 $0xFFFFF800  }
0x2a: {  	_ =	swait.ge [sflag:s25], $0x4000  }
0x2b: {  	[sflag:s25] =	ssyncset.done $0x0  }
0x2c: {  	[sflag:s25] =	ssyncadd.s32 $0xFFFFC000  }
0x2d: {  	_ =	swait.ge [sflag:s26], $0x80  }
0x2e: {  	[sflag:s26] =	ssyncset.done $0x0  }
0x2f: {  	[sflag:s26] =	ssyncadd.s32 $0xFFFFFF80  }
0x30: {  	[spmem:s2] =	stream.indirect.scatter.add.f32 [tilespmem:s19], [sflag:$0x5], $0x80, s20, s23, $0xb8;
	[tilespmem:$0xD220] =	vst v63  }
0x31: {  	_ =	swait.ge [sflag:s17], $0x4000  }
0x32: {  	[sflag:s17] =	ssyncset.done $0x0  }
0x33: {  	[sflag:s17] =	ssyncadd.s32 $0xFFFFC000  }
0x34: {  	[spmem:s4] =	stream.indirect.scatter.add.f32 [tilespmem:s24], [sflag:$0x5], $0x10, s20, s23, $0xb8;
	[tilespmem:$0xD220] =	vst v63  }
0x35: {  	_ =	swait.ge [sflag:s17], $0x800  }
0x36: {  	[sflag:s17] =	ssyncset.done $0x0  }
0x37: {  	[sflag:s17] =	ssyncadd.s32 $0xFFFFF800  }
0x38: {  	s28 =	sshrl.u32 @!p0 s1, $0x3;
	s29 =	simm.s32 @!p0 $0x1C05;
	[bflag:$0x0] =	sbarrier.arrive $0xFFFF  }
0x39: {  	[hbm:s10], [sflag:s29] =	dma.local @!p0 [spmem:s28], $0x100  }
0x3a: {  	s28 =	simm.s32 @!p0 $0x5  }
0x3b: {  	_ =	swait.ge @!p0 [sflag:s28], $0x100  }
0x3c: {  	[sflag:s28] =	ssyncset.done @!p0 $0x0  }
0x3d: {  	s30 =	sshrl.u32 @!p0 s2, $0x3;
	[sflag:s28] =	ssyncadd.s32 @!p0 $0xFFFFFF00  }
0x3e: {  	[hbm:s11], [sflag:s29] =	dma.local @!p0 [spmem:s30], $0x100  }
0x3f: {  	_ =	swait.ge @!p0 [sflag:s28], $0x100  }
0x40: {  	[sflag:s28] =	ssyncset.done @!p0 $0x0  }
0x41: {  	s30 =	sshrl.u32 @!p0 s3, $0x3;
	[sflag:s28] =	ssyncadd.s32 @!p0 $0xFFFFFF00  }
0x42: {  	[hbm:s12], [sflag:s29] =	dma.local @!p0 [spmem:s30], $0x100  }
0x43: {  	s14 =	sadd.s32 $0xFFFFFFFF, s14;
	_ =	swait.ge @!p0 [sflag:s28], $0x100  }
0x44: {  	p1 =	sne.s32 s14, $0x0;
	[sflag:s28] =	ssyncset.done @!p0 $0x0  }
.Ltmp1:
0x45: {  	s30 =	sshrl.u32 @!p0 s4, $0x3;
	[sflag:s28] =	ssyncadd.s32 @!p0 $0xFFFFFF00;
	(pc) =	sbr.rel @!p1 .LBB2_4-.Ltmp1, $4  }
0x46: {  	[hbm:s13], [sflag:s29] =	dma.local @!p0 [spmem:s30], $0x100  }
0x47: {  	_ =	swait.ge @!p0 [sflag:s28], $0x100  }
0x48: {  	[sflag:s28] =	ssyncset.done @!p0 $0x0  }
0x49: {  	[sflag:s28] =	ssyncadd.s32 @!p0 $0xFFFFFF00  }
.LBB2_1:
0x4a: {  	[tilespmem:s5], [sflag:$0x1] =	stream.linear.gather [hbm4b:s6+s5], $0x4000, $0x38;
	[tilespmem:$0xD220] =	vst v63  }
0x4b: {  	_ = 	snop  }
0x4c: {  	[tilespmem:s15], [sflag:$0x3] =	stream.linear.gather [hbm4b:s7+s5], $0x80, $0x38;
	[tilespmem:$0xD220] =	vst v63  }
0x4d: {  	[tilespmem:$0x8100] =	vst v0  }
0x4e: {  	[tilespmem:$0x8180] =	vst v0  }
0x4f: {  	[tilespmem:$0x8200] =	vst v0  }
0x50: {  	[tilespmem:$0x8280] =	vst v0  }
0x51: {  	[tilespmem:$0x8300] =	vst v0  }
0x52: {  	[tilespmem:$0x8380] =	vst v0  }
0x53: {  	[tilespmem:$0x8400] =	vst v0  }
0x54: {  	[tilespmem:$0x8480] =	vst v0  }
0x55: {  	[tilespmem:$0x8500] =	vst v0  }
0x56: {  	[tilespmem:$0x8580] =	vst v0  }
0x57: {  	[tilespmem:$0x8600] =	vst v0  }
0x58: {  	[tilespmem:$0x8680] =	vst v0  }
0x59: {  	[tilespmem:$0x8700] =	vst v0  }
0x5a: {  	[tilespmem:$0x8780] =	vst v0  }
0x5b: {  	[tilespmem:$0x8800] =	vst v0  }
0x5c: {  	[tilespmem:$0x8880] =	vst v0  }
0x5d: {  	[tilespmem:$0x8900] =	vst v0  }
0x5e: {  	[tilespmem:$0x8980] =	vst v0  }
0x5f: {  	[tilespmem:$0x8A00] =	vst v0  }
0x60: {  	[tilespmem:$0x8A80] =	vst v0  }
0x61: {  	[tilespmem:$0x8B00] =	vst v0  }
0x62: {  	[tilespmem:$0x8B80] =	vst v0  }
0x63: {  	[tilespmem:$0x8C00] =	vst v0  }
0x64: {  	[tilespmem:$0x8C80] =	vst v0  }
0x65: {  	[tilespmem:$0x8D00] =	vst v0  }
0x66: {  	[tilespmem:$0x8D80] =	vst v0  }
0x67: {  	[tilespmem:$0x8E00] =	vst v0  }
0x68: {  	[tilespmem:$0x8E80] =	vst v0  }
0x69: {  	[tilespmem:$0x8F00] =	vst v0  }
0x6a: {  	[tilespmem:$0x8F80] =	vst v0  }
0x6b: {  	[tilespmem:$0x9000] =	vst v0  }
0x6c: {  	[tilespmem:$0x9080] =	vst v0  }
0x6d: {  	[tilespmem:$0x9100] =	vst v0  }
0x6e: {  	[tilespmem:$0x9180] =	vst v0  }
0x6f: {  	[tilespmem:$0x9200] =	vst v0  }
0x70: {  	[tilespmem:$0x9280] =	vst v0  }
0x71: {  	[tilespmem:$0x9300] =	vst v0  }
0x72: {  	[tilespmem:$0x9380] =	vst v0  }
0x73: {  	[tilespmem:$0x9400] =	vst v0  }
0x74: {  	[tilespmem:$0x9480] =	vst v0  }
0x75: {  	[tilespmem:$0x9500] =	vst v0  }
0x76: {  	[tilespmem:$0x9580] =	vst v0  }
0x77: {  	[tilespmem:$0x9600] =	vst v0  }
0x78: {  	[tilespmem:$0x9680] =	vst v0  }
0x79: {  	[tilespmem:$0x9700] =	vst v0  }
0x7a: {  	[tilespmem:$0x9780] =	vst v0  }
0x7b: {  	[tilespmem:$0x9800] =	vst v0  }
0x7c: {  	[tilespmem:$0x9880] =	vst v0  }
0x7d: {  	[tilespmem:$0x9900] =	vst v0  }
0x7e: {  	[tilespmem:$0x9980] =	vst v0  }
0x7f: {  	[tilespmem:$0x9A00] =	vst v0  }
0x80: {  	[tilespmem:$0x9A80] =	vst v0  }
0x81: {  	[tilespmem:$0x9B00] =	vst v0  }
0x82: {  	[tilespmem:$0x9B80] =	vst v0  }
0x83: {  	[tilespmem:$0x9C00] =	vst v0  }
0x84: {  	[tilespmem:$0x9C80] =	vst v0  }
0x85: {  	[tilespmem:$0x9D00] =	vst v0  }
0x86: {  	[tilespmem:$0x9D80] =	vst v0  }
0x87: {  	[tilespmem:$0x9E00] =	vst v0  }
0x88: {  	[tilespmem:$0x9E80] =	vst v0  }
0x89: {  	[tilespmem:$0x9F00] =	vst v0  }
0x8a: {  	[tilespmem:$0x9F80] =	vst v0  }
0x8b: {  	[tilespmem:$0xA000] =	vst v0  }
0x8c: {  	[tilespmem:$0xA080] =	vst v0  }
0x8d: {  	[tilespmem:$0xA100] =	vst v0  }
0x8e: {  	[tilespmem:$0xA180] =	vst v0  }
0x8f: {  	[tilespmem:$0xA200] =	vst v0  }
0x90: {  	[tilespmem:$0xA280] =	vst v0  }
0x91: {  	[tilespmem:$0xA300] =	vst v0  }
0x92: {  	[tilespmem:$0xA380] =	vst v0  }
0x93: {  	[tilespmem:$0xA400] =	vst v0  }
0x94: {  	[tilespmem:$0xA480] =	vst v0  }
0x95: {  	[tilespmem:$0xA500] =	vst v0  }
0x96: {  	[tilespmem:$0xA580] =	vst v0  }
0x97: {  	[tilespmem:$0xA600] =	vst v0  }
0x98: {  	[tilespmem:$0xA680] =	vst v0  }
0x99: {  	[tilespmem:$0xA700] =	vst v0  }
0x9a: {  	[tilespmem:$0xA780] =	vst v0  }
0x9b: {  	[tilespmem:$0xA800] =	vst v0  }
0x9c: {  	[tilespmem:$0xA880] =	vst v0  }
0x9d: {  	[tilespmem:$0xA900] =	vst v0  }
0x9e: {  	[tilespmem:$0xA980] =	vst v0  }
0x9f: {  	[tilespmem:$0xAA00] =	vst v0  }
0xa0: {  	[tilespmem:$0xAA80] =	vst v0  }
0xa1: {  	[tilespmem:$0xAB00] =	vst v0  }
0xa2: {  	[tilespmem:$0xAB80] =	vst v0  }
0xa3: {  	[tilespmem:$0xAC00] =	vst v0  }
0xa4: {  	[tilespmem:$0xAC80] =	vst v0  }
0xa5: {  	[tilespmem:$0xAD00] =	vst v0  }
0xa6: {  	[tilespmem:$0xAD80] =	vst v0  }
0xa7: {  	[tilespmem:$0xAE00] =	vst v0  }
0xa8: {  	[tilespmem:$0xAE80] =	vst v0  }
0xa9: {  	[tilespmem:$0xAF00] =	vst v0  }
0xaa: {  	[tilespmem:$0xAF80] =	vst v0  }
0xab: {  	[tilespmem:$0xB000] =	vst v0  }
0xac: {  	[tilespmem:$0xB080] =	vst v0  }
0xad: {  	[tilespmem:$0xB100] =	vst v0  }
0xae: {  	[tilespmem:$0xB180] =	vst v0  }
0xaf: {  	[tilespmem:$0xB200] =	vst v0  }
0xb0: {  	[tilespmem:$0xB280] =	vst v0  }
0xb1: {  	[tilespmem:$0xB300] =	vst v0  }
0xb2: {  	[tilespmem:$0xB380] =	vst v0  }
0xb3: {  	[tilespmem:$0xB400] =	vst v0  }
0xb4: {  	[tilespmem:$0xB480] =	vst v0  }
0xb5: {  	[tilespmem:$0xB500] =	vst v0  }
0xb6: {  	[tilespmem:$0xB580] =	vst v0  }
0xb7: {  	[tilespmem:$0xB600] =	vst v0  }
0xb8: {  	[tilespmem:$0xB680] =	vst v0  }
0xb9: {  	[tilespmem:$0xB700] =	vst v0  }
0xba: {  	[tilespmem:$0xB780] =	vst v0  }
0xbb: {  	[tilespmem:$0xB800] =	vst v0  }
0xbc: {  	[tilespmem:$0xB880] =	vst v0  }
0xbd: {  	[tilespmem:$0xB900] =	vst v0  }
0xbe: {  	[tilespmem:$0xB980] =	vst v0  }
0xbf: {  	[tilespmem:$0xBA00] =	vst v0  }
0xc0: {  	[tilespmem:$0xBA80] =	vst v0  }
0xc1: {  	[tilespmem:$0xBB00] =	vst v0  }
0xc2: {  	[tilespmem:$0xBB80] =	vst v0  }
0xc3: {  	[tilespmem:$0xBC00] =	vst v0  }
0xc4: {  	[tilespmem:$0xBC80] =	vst v0  }
0xc5: {  	[tilespmem:$0xBD00] =	vst v0  }
0xc6: {  	[tilespmem:$0xBD80] =	vst v0  }
0xc7: {  	[tilespmem:$0xBE00] =	vst v0  }
.Ltmp2:
0xc8: {  	[tilespmem:$0xBE80] =	vst v0;
	(pc) =	sbr.rel @p0 .LBB2_3-.Ltmp2, $4  }
0xc9: {  	[tilespmem:$0xBF00] =	vst v0  }
0xca: {  	[tilespmem:$0xBF80] =	vst v0  }
0xcb: {  	[tilespmem:$0xC000] =	vst v0  }
0xcc: {  	[tilespmem:$0xC080] =	vst v0  }
0xcd: {  	[tilespmem:$0xC100] =	vst v1  }
0xce: {  	[tilespmem:$0xC110] =	vst v1  }
0xcf: {  	[tilespmem:$0xC120] =	vst v1  }
0xd0: {  	[tilespmem:$0xC130] =	vst v1  }
0xd1: {  	[tilespmem:$0xC140] =	vst v1  }
0xd2: {  	[tilespmem:$0xC150] =	vst v1  }
0xd3: {  	[tilespmem:$0xC160] =	vst v1  }
0xd4: {  	[tilespmem:$0xC170] =	vst v1  }
0xd5: {  	[tilespmem:$0xC900] =	vst v1  }
0xd6: {  	[tilespmem:$0xC180] =	vst v1  }
0xd7: {  	[tilespmem:$0xC190] =	vst v1  }
0xd8: {  	[tilespmem:$0xC1A0] =	vst v1  }
0xd9: {  	[tilespmem:$0xC1B0] =	vst v1  }
0xda: {  	[tilespmem:$0xC1C0] =	vst v1  }
0xdb: {  	[tilespmem:$0xC1D0] =	vst v1  }
0xdc: {  	[tilespmem:$0xC1E0] =	vst v1  }
0xdd: {  	[tilespmem:$0xC1F0] =	vst v1  }
0xde: {  	[tilespmem:$0xC980] =	vst v1  }
0xdf: {  	[tilespmem:$0xC200] =	vst v1  }
0xe0: {  	[tilespmem:$0xC210] =	vst v1  }
0xe1: {  	[tilespmem:$0xC220] =	vst v1  }
0xe2: {  	[tilespmem:$0xC230] =	vst v1  }
0xe3: {  	[tilespmem:$0xC240] =	vst v1  }
0xe4: {  	[tilespmem:$0xC250] =	vst v1  }
0xe5: {  	[tilespmem:$0xC260] =	vst v1  }
0xe6: {  	[tilespmem:$0xC270] =	vst v1  }
0xe7: {  	[tilespmem:$0xCA00] =	vst v1  }
0xe8: {  	[tilespmem:$0xC280] =	vst v1  }
0xe9: {  	[tilespmem:$0xC290] =	vst v1  }
0xea: {  	[tilespmem:$0xC2A0] =	vst v1  }
0xeb: {  	[tilespmem:$0xC2B0] =	vst v1  }
0xec: {  	[tilespmem:$0xC2C0] =	vst v1  }
0xed: {  	[tilespmem:$0xC2D0] =	vst v1  }
0xee: {  	[tilespmem:$0xC2E0] =	vst v1  }
0xef: {  	[tilespmem:$0xC2F0] =	vst v1  }
0xf0: {  	[tilespmem:$0xCA80] =	vst v1  }
0xf1: {  	[tilespmem:$0xC300] =	vst v1  }
0xf2: {  	[tilespmem:$0xC310] =	vst v1  }
0xf3: {  	[tilespmem:$0xC320] =	vst v1  }
0xf4: {  	[tilespmem:$0xC330] =	vst v1  }
0xf5: {  	[tilespmem:$0xC340] =	vst v1  }
0xf6: {  	[tilespmem:$0xC350] =	vst v1  }
0xf7: {  	[tilespmem:$0xC360] =	vst v1  }
0xf8: {  	[tilespmem:$0xC370] =	vst v1  }
0xf9: {  	[tilespmem:$0xCB00] =	vst v1  }
0xfa: {  	[tilespmem:$0xC380] =	vst v1  }
0xfb: {  	[tilespmem:$0xC390] =	vst v1  }
0xfc: {  	[tilespmem:$0xC3A0] =	vst v1  }
0xfd: {  	[tilespmem:$0xC3B0] =	vst v1  }
0xfe: {  	[tilespmem:$0xC3C0] =	vst v1  }
0xff: {  	[tilespmem:$0xC3D0] =	vst v1  }
0x100: {  	[tilespmem:$0xC3E0] =	vst v1  }
0x101: {  	[tilespmem:$0xC3F0] =	vst v1  }
0x102: {  	[tilespmem:$0xCB80] =	vst v1  }
0x103: {  	[tilespmem:$0xC400] =	vst v1  }
0x104: {  	[tilespmem:$0xC410] =	vst v1  }
0x105: {  	[tilespmem:$0xC420] =	vst v1  }
0x106: {  	[tilespmem:$0xC430] =	vst v1  }
0x107: {  	[tilespmem:$0xC440] =	vst v1  }
0x108: {  	[tilespmem:$0xC450] =	vst v1  }
0x109: {  	[tilespmem:$0xC460] =	vst v1  }
0x10a: {  	[tilespmem:$0xC470] =	vst v1  }
0x10b: {  	[tilespmem:$0xCC00] =	vst v1  }
0x10c: {  	[tilespmem:$0xC480] =	vst v1  }
0x10d: {  	[tilespmem:$0xC490] =	vst v1  }
0x10e: {  	[tilespmem:$0xC4A0] =	vst v1  }
0x10f: {  	[tilespmem:$0xC4B0] =	vst v1  }
0x110: {  	[tilespmem:$0xC4C0] =	vst v1  }
0x111: {  	[tilespmem:$0xC4D0] =	vst v1  }
0x112: {  	[tilespmem:$0xC4E0] =	vst v1  }
0x113: {  	[tilespmem:$0xC4F0] =	vst v1  }
0x114: {  	[tilespmem:$0xCC80] =	vst v1  }
0x115: {  	[tilespmem:$0xC500] =	vst v1  }
0x116: {  	[tilespmem:$0xC510] =	vst v1  }
0x117: {  	[tilespmem:$0xC520] =	vst v1  }
0x118: {  	[tilespmem:$0xC530] =	vst v1  }
0x119: {  	[tilespmem:$0xC540] =	vst v1  }
0x11a: {  	[tilespmem:$0xC550] =	vst v1  }
0x11b: {  	[tilespmem:$0xC560] =	vst v1  }
0x11c: {  	[tilespmem:$0xC570] =	vst v1  }
0x11d: {  	[tilespmem:$0xCD00] =	vst v1  }
0x11e: {  	[tilespmem:$0xC580] =	vst v1  }
0x11f: {  	[tilespmem:$0xC590] =	vst v1  }
0x120: {  	[tilespmem:$0xC5A0] =	vst v1  }
0x121: {  	[tilespmem:$0xC5B0] =	vst v1  }
0x122: {  	[tilespmem:$0xC5C0] =	vst v1  }
0x123: {  	[tilespmem:$0xC5D0] =	vst v1  }
0x124: {  	[tilespmem:$0xC5E0] =	vst v1  }
0x125: {  	[tilespmem:$0xC5F0] =	vst v1  }
0x126: {  	[tilespmem:$0xCD80] =	vst v1  }
0x127: {  	[tilespmem:$0xC600] =	vst v1  }
0x128: {  	[tilespmem:$0xC610] =	vst v1  }
0x129: {  	[tilespmem:$0xC620] =	vst v1  }
0x12a: {  	[tilespmem:$0xC630] =	vst v1  }
0x12b: {  	[tilespmem:$0xC640] =	vst v1  }
0x12c: {  	[tilespmem:$0xC650] =	vst v1  }
0x12d: {  	[tilespmem:$0xC660] =	vst v1  }
0x12e: {  	[tilespmem:$0xC670] =	vst v1  }
0x12f: {  	[tilespmem:$0xCE00] =	vst v1  }
0x130: {  	[tilespmem:$0xC680] =	vst v1  }
0x131: {  	[tilespmem:$0xC690] =	vst v1  }
0x132: {  	[tilespmem:$0xC6A0] =	vst v1  }
0x133: {  	[tilespmem:$0xC6B0] =	vst v1  }
0x134: {  	[tilespmem:$0xC6C0] =	vst v1  }
0x135: {  	[tilespmem:$0xC6D0] =	vst v1  }
0x136: {  	[tilespmem:$0xC6E0] =	vst v1  }
0x137: {  	[tilespmem:$0xC6F0] =	vst v1  }
0x138: {  	[tilespmem:$0xCE80] =	vst v1  }
0x139: {  	[tilespmem:$0xC700] =	vst v1  }
0x13a: {  	[tilespmem:$0xC710] =	vst v1  }
0x13b: {  	[tilespmem:$0xC720] =	vst v1  }
0x13c: {  	[tilespmem:$0xC730] =	vst v1  }
0x13d: {  	[tilespmem:$0xC740] =	vst v1  }
0x13e: {  	[tilespmem:$0xC750] =	vst v1  }
0x13f: {  	[tilespmem:$0xC760] =	vst v1  }
0x140: {  	[tilespmem:$0xC770] =	vst v1  }
0x141: {  	[tilespmem:$0xCF00] =	vst v1  }
0x142: {  	[tilespmem:$0xC780] =	vst v1  }
0x143: {  	[tilespmem:$0xC790] =	vst v1  }
0x144: {  	[tilespmem:$0xC7A0] =	vst v1  }
0x145: {  	[tilespmem:$0xC7B0] =	vst v1  }
0x146: {  	[tilespmem:$0xC7C0] =	vst v1  }
0x147: {  	[tilespmem:$0xC7D0] =	vst v1  }
0x148: {  	[tilespmem:$0xC7E0] =	vst v1  }
0x149: {  	[tilespmem:$0xC7F0] =	vst v1  }
0x14a: {  	[tilespmem:$0xCF80] =	vst v1  }
0x14b: {  	[tilespmem:$0xC800] =	vst v1  }
0x14c: {  	[tilespmem:$0xC810] =	vst v1  }
0x14d: {  	[tilespmem:$0xC820] =	vst v1  }
0x14e: {  	[tilespmem:$0xC830] =	vst v1  }
0x14f: {  	[tilespmem:$0xC840] =	vst v1  }
0x150: {  	[tilespmem:$0xC850] =	vst v1  }
0x151: {  	[tilespmem:$0xC860] =	vst v1  }
0x152: {  	[tilespmem:$0xC870] =	vst v1  }
0x153: {  	[tilespmem:$0xD000] =	vst v1  }
0x154: {  	[tilespmem:$0xC880] =	vst v1  }
0x155: {  	[tilespmem:$0xC890] =	vst v1  }
0x156: {  	[tilespmem:$0xC8A0] =	vst v1  }
0x157: {  	[tilespmem:$0xC8B0] =	vst v1  }
0x158: {  	[tilespmem:$0xC8C0] =	vst v1  }
0x159: {  	[tilespmem:$0xC8D0] =	vst v1  }
0x15a: {  	[tilespmem:$0xC8E0] =	vst v1  }
0x15b: {  	[tilespmem:$0xC8F0] =	vst v1  }
0x15c: {  	[tilespmem:$0xD080] =	vst v1  }
0x15d: {  	[spmem:s1] =	stream.linear.scatter [tilespmem:s16], [sflag:$0x5], $0x800, $0x38;
	[tilespmem:$0xD220] =	vst v63  }
0x15e: {  	_ =	swait.ge [sflag:s17], $0x800  }
0x15f: {  	[sflag:s17] =	ssyncset.done $0x0  }
0x160: {  	[sflag:s17] =	ssyncadd.s32 $0xFFFFF800  }
0x161: {  	[spmem:s2] =	stream.linear.scatter [tilespmem:s16], [sflag:$0x5], $0x800, $0x38;
	[tilespmem:$0xD220] =	vst v63  }
0x162: {  	_ =	swait.ge [sflag:s17], $0x800  }
0x163: {  	[sflag:s17] =	ssyncset.done $0x0  }
0x164: {  	[sflag:s17] =	ssyncadd.s32 $0xFFFFF800  }
0x165: {  	[spmem:s3] =	stream.linear.scatter [tilespmem:s18], [sflag:$0x5], $0x800, $0x38;
	[tilespmem:$0xD220] =	vst v63  }
0x166: {  	_ =	swait.ge [sflag:s17], $0x800  }
0x167: {  	[sflag:s17] =	ssyncset.done $0x0  }
.Ltmp3:
0x168: {  	[sflag:s17] =	ssyncadd.s32 $0xFFFFF800;
	(pc) =	sbr.rel .LBB2_3-.Ltmp3, $4  }
0x169: {  	[spmem:s4] =	stream.linear.scatter [tilespmem:s18], [sflag:$0x5], $0x800, $0x38;
	[tilespmem:$0xD220] =	vst v63  }
0x16a: {  	_ =	swait.ge [sflag:s17], $0x800  }
0x16b: {  	[sflag:s17] =	ssyncset.done $0x0  }
0x16c: {  	[sflag:s17] =	ssyncadd.s32 $0xFFFFF800  }
.LBB2_4:
0x16d: {  	_ =	sfence.sel $0x180000  }
0x16e: {  	[bflag:$0x0] =	sbarrier.arrive $0xFFFF  }
0x16f: {  	_ =	strace $0x90000047  }
0x170: {  	s0 =	sadd.s32 @!p0 $0x100000, s0;
	[bflag:$0x2] =	sbarrier.arrive $0xFFFF  }
0x171: {  	[sflag:s0] =	ssyncadd.tile.s32 @!p0 $0x1;
	_ =	shalt  }
.Lfunc_end2:
_tile_overlayer_lowered:
.L_overlay_start_2:
0x172: {  	(tag) =	ssettag $0x2  }
0x173: {  	s0 =	rddreg [dreg:$0x0];
	s2 =	stileid.u32  }
0x174: {  	s1 =	rddreg [dreg:$0x1];
	p0 =	sne.s32 s2, $0x0  }
0x175: {  	s3 =	rddreg [dreg:$0x2];
	[bflag:$0x3] =	sbarrier.arrive $0xFFFF;
	s2 =	simm.s32 @!p0 $0x1C05  }
0x176: {  	[timem:s3], [sflag:s2] =	dma.local @!p0 [hbm:s0], s1  }
0x177: {  	s0 =	simm.s32 @!p0 $0x5  }
0x178: {  	_ =	swait.ge @!p0 [sflag:s0], s1  }
0x179: {  	s1 =	ssub.s32 @!p0 $0x0, s1;
	[sflag:s0] =	ssyncset.done @!p0 $0x0  }
0x17a: {  	[sflag:s0] =	ssyncadd.s32 @!p0 s1  }
0x17b: {  	[bflag:$0x3] =	sbarrier.arrive $0xFFFF  }
0x17c: {  	_ =	shalt  }

</sc_bundles>
